<compile_context>
chip_gen: v7x
topology: tpu7x:2x2x1
jax: 0.10.2.dev20260603
libtpu: 0.0.44.dev20260713+nightly
codegen_flags: <defaults>
</compile_context>

<pallas_src>
import functools

import jax
import jax.numpy as jnp
from jax import lax
from jax.experimental import pallas as pl
from jax.experimental.pallas import tpu as pltpu
from jax.experimental.pallas import tpu_sc as plsc

NC = 2
NS = 16
NW = NC * NS
L = 16
CH = 128


def _softplus(x):
    return jnp.maximum(x, 0.0) + jnp.log1p(jnp.exp(-jnp.abs(x)))


def _mesh():
    return plsc.VectorSubcoreMesh(
        core_axis_name="c", subcore_axis_name="s", num_cores=NC, num_subcores=NS
    )


def _tc1_edge_projections(messages, W1a, W1b, b1r):
    E, MS = messages.shape
    bs = 1000
    assert E % bs == 0

    def body(msg, w1a, w1b, b1, a_out, b_out):
        m = msg[...]
        a_out[...] = jnp.dot(m, w1a[...], preferred_element_type=jnp.float32)
        b_out[...] = jnp.dot(m, w1b[...], preferred_element_type=jnp.float32) + b1[...]

    return pl.pallas_call(
        body,
        grid=(E // bs,),
        in_specs=[
            pl.BlockSpec((bs, MS), lambda i: (i, 0)),
            pl.BlockSpec((MS, MS), lambda i: (0, 0)),
            pl.BlockSpec((MS, MS), lambda i: (0, 0)),
            pl.BlockSpec((1, MS), lambda i: (0, 0)),
        ],
        out_specs=[
            pl.BlockSpec((bs, MS), lambda i: (i, 0)),
            pl.BlockSpec((bs, MS), lambda i: (i, 0)),
        ],
        out_shape=[
            jax.ShapeDtypeStruct((E, MS), jnp.float32),
            jax.ShapeDtypeStruct((E, MS), jnp.float32),
        ],
    )(messages, W1a, W1b, b1r)



def _sc_index_a(cumfull, pmc, order, tcap_vec, E, TMAX):
    out_type = (
        jax.ShapeDtypeStruct((TMAX,), jnp.int32),
        jax.ShapeDtypeStruct((TMAX,), jnp.int32),
        jax.ShapeDtypeStruct((TMAX,), jnp.int32),
    )
    EP = cumfull.shape[0]
    scratch = [
        pltpu.VMEM((EP,), jnp.int32),
        pltpu.VMEM((E,), jnp.int32),
        pltpu.VMEM((E,), jnp.int32),
        pltpu.VMEM((L,), jnp.int32),
        pltpu.VMEM((CH,), jnp.int32),
        pltpu.VMEM((CH,), jnp.int32),
        pltpu.VMEM((CH,), jnp.int32),
    ]

    @functools.partial(
        pl.kernel, out_type=out_type, mesh=_mesh(), scratch_types=scratch,
        compiler_params=pltpu.CompilerParams(needs_layout_passes=False))
    def k(cf_h, pmc_h, ord_h, tcap_h, kj_h, ji_h, pos_h,
          cfv, pmcv, ordv, tcv, kjb, eb, posb):
        cid = lax.axis_index("c")
        sid = lax.axis_index("s")
        w = sid * NC + cid
        pltpu.sync_copy(tcap_h, tcv)
        tcap = tcv[...][0]
        pltpu.sync_copy(cf_h, cfv)
        pltpu.sync_copy(pmc_h, pmcv)
        pltpu.sync_copy(ord_h, ordv)
        iota = lax.iota(jnp.int32, L)
        nchunks = (tcap + (CH - 1)) // CH
        niter = jnp.maximum(nchunks - w + (NW - 1), 0) // NW

        def body(it, _):
            t0 = (w + it * NW) * CH

            def grp(u, _):
                tvec = jnp.broadcast_to(t0 + u * L, (L,)) + iota
                e = jnp.zeros((L,), jnp.int32)
                for sh in (32768, 16384, 8192, 4096, 2048, 1024, 512, 256,
                           128, 64, 32, 16, 8, 4, 2, 1):
                    cand = jnp.minimum(e + sh, E)
                    m = plsc.load_gather(cfv, [cand])
                    e = jnp.where(m <= tvec, cand, e)
                e = jnp.minimum(e, E - 1)
                pos = plsc.load_gather(pmcv, [e]) + tvec
                pos = jnp.minimum(jnp.maximum(pos, 0), E - 1)
                kj = plsc.load_gather(ordv, [pos])
                sl = pl.ds(u * L, L)
                kjb[sl] = kj
                eb[sl] = e
                posb[sl] = pos
                return 0

            lax.fori_loop(0, CH // L, grp, 0)
            pltpu.sync_copy(kjb, kj_h.at[pl.ds(t0, CH)])
            pltpu.sync_copy(eb, ji_h.at[pl.ds(t0, CH)])
            pltpu.sync_copy(posb, pos_h.at[pl.ds(t0, CH)])
            return 0

        lax.fori_loop(0, niter, body, 0)

    return k(cumfull, pmc, order, tcap_vec)


def _sc_index_b(row, col, rowsorted, e_arr, pos_arr, tcap_vec, N, TMAX):
    E = row.shape[0]
    out_type = (
        jax.ShapeDtypeStruct((TMAX,), jnp.int32),
        jax.ShapeDtypeStruct((TMAX,), jnp.int32),
        jax.ShapeDtypeStruct((TMAX,), jnp.int32),
    )
    scratch = [
        pltpu.VMEM((E,), jnp.int32),
        pltpu.VMEM((E,), jnp.int32),
        pltpu.VMEM((E,), jnp.int32),
        pltpu.VMEM((L,), jnp.int32),
        pltpu.VMEM((CH,), jnp.int32),
        pltpu.VMEM((CH,), jnp.int32),
        pltpu.VMEM((CH,), jnp.int32),
        pltpu.VMEM((CH,), jnp.int32),
        pltpu.VMEM((CH,), jnp.int32),
    ]

    @functools.partial(
        pl.kernel, out_type=out_type, mesh=_mesh(), scratch_types=scratch,
        compiler_params=pltpu.CompilerParams(needs_layout_passes=False))
    def k(row_h, col_h, rs_h, e_h, pos_h, tcap_h, ii_h, ik_h, ijm_h,
          rowv, colv, rsv, tcv, eb, posb, iib, ikb, ijmb):
        cid = lax.axis_index("c")
        sid = lax.axis_index("s")
        w = sid * NC + cid
        pltpu.sync_copy(tcap_h, tcv)
        tcapv = tcv[...]
        tcap = tcapv[0]
        pltpu.sync_copy(row_h, rowv)
        pltpu.sync_copy(col_h, colv)
        pltpu.sync_copy(rs_h, rsv)
        iota = lax.iota(jnp.int32, L)
        nchunks = (tcap + (CH - 1)) // CH
        niter = jnp.maximum(nchunks - w + (NW - 1), 0) // NW

        def body(it, _):
            t0 = (w + it * NW) * CH
            pltpu.sync_copy(e_h.at[pl.ds(t0, CH)], eb)
            pltpu.sync_copy(pos_h.at[pl.ds(t0, CH)], posb)

            def grp(u, _):
                sl = pl.ds(u * L, L)
                tvec = jnp.broadcast_to(t0 + u * L, (L,)) + iota
                e = eb[sl]
                pos = posb[sl]
                iib[sl] = plsc.load_gather(colv, [e])
                ikb[sl] = plsc.load_gather(rsv, [pos])
                j = plsc.load_gather(rowv, [e])
                ijmb[sl] = jnp.where(tvec < tcapv, j, N)
                return 0

            lax.fori_loop(0, CH // L, grp, 0)
            pltpu.sync_copy(iib, ii_h.at[pl.ds(t0, CH)])
            pltpu.sync_copy(ikb, ik_h.at[pl.ds(t0, CH)])
            pltpu.sync_copy(ijmb, ijm_h.at[pl.ds(t0, CH)])
            return 0

        lax.fori_loop(0, niter, body, 0)

    return k(row, col, rowsorted, e_arr, pos_arr, tcap_vec)


def _sc_gather(A, B, idx_kj, idx_ji, tcap_vec, TMAX):
    E, MS = A.shape

    out_type = jax.ShapeDtypeStruct((TMAX, MS), jnp.float32)
    scratch = [
        pltpu.VMEM((L,), jnp.int32),
        pltpu.VMEM((CH,), jnp.int32),
        pltpu.VMEM((CH,), jnp.int32),
        pltpu.VMEM((CH, MS), jnp.float32),
        pltpu.VMEM((CH, MS), jnp.float32),
        pltpu.SemaphoreType.DMA,
        pltpu.SemaphoreType.DMA,
    ]

    @functools.partial(
        pl.kernel, out_type=out_type, mesh=_mesh(), scratch_types=scratch,
        compiler_params=pltpu.CompilerParams(needs_layout_passes=False))
    def k(A_h, B_h, ikj_h, iji_h, tcap_h, S_h,
          tcv, ikj, iji, bufA, bufB, s0, s1):
        cid = lax.axis_index("c")
        sid = lax.axis_index("s")
        w = sid * NC + cid
        pltpu.sync_copy(tcap_h, tcv)
        tcap = tcv[...][0]
        nchunks = (tcap + (CH - 1)) // CH
        niter = jnp.maximum(nchunks - w + (NW - 1), 0) // NW

        def body(it, _):
            t0 = (w + it * NW) * CH
            pltpu.sync_copy(ikj_h.at[pl.ds(t0, CH)], ikj)
            pltpu.sync_copy(iji_h.at[pl.ds(t0, CH)], iji)
            cA = pltpu.async_copy(A_h.at[ikj], bufA, s0)
            cB = pltpu.async_copy(B_h.at[iji], bufB, s1)
            cA.wait()
            cB.wait()

            def row(r, _):
                for j in range(MS // L):
                    sl = pl.ds(j * L, L)
                    bufA[r, sl] = bufA[r, sl] + bufB[r, sl]
                return 0

            lax.fori_loop(0, CH, row, 0)
            pltpu.sync_copy(bufA, S_h.at[pl.ds(t0, CH)])
            return 0

        lax.fori_loop(0, niter, body, 0)

    return k(A, B, idx_kj, idx_ji, tcap_vec)


def _tc2_mlp(S, W2, b2r, w3r, b3r, tcap1, TMAX):
    MS = S.shape[1]
    bs = 1024
    assert TMAX % bs == 0
    rows = bs // 128

    def body(tc_ref, s_b, w2, b2, w3, b3, out_b):
        i = pl.program_id(0)

        @pl.when(i * bs < tc_ref[0])
        def _():
            h = _softplus(s_b[...])
            h = _softplus(jnp.dot(h, w2[...], preferred_element_type=jnp.float32) + b2[...])
            m = jnp.sum(h * w3[...], axis=1, keepdims=True) + b3[...]
            out_b[...] = m.reshape(rows, 128)

    def blk(i, tc):
        last = jnp.maximum((tc[0] + bs - 1) // bs, 1) - 1
        return (jnp.minimum(i, last), 0)

    grid_spec = pltpu.PrefetchScalarGridSpec(
        num_scalar_prefetch=1,
        grid=(TMAX // bs,),
        in_specs=[
            pl.BlockSpec((bs, MS), blk),
            pl.BlockSpec((MS, MS), lambda i, tc: (0, 0)),
            pl.BlockSpec((1, MS), lambda i, tc: (0, 0)),
            pl.BlockSpec((1, MS), lambda i, tc: (0, 0)),
            pl.BlockSpec((1, 1), lambda i, tc: (0, 0)),
        ],
        out_specs=pl.BlockSpec((rows, 128), blk),
    )
    return pl.pallas_call(
        body,
        grid_spec=grid_spec,
        out_shape=jax.ShapeDtypeStruct((TMAX // 128, 128), jnp.float32),
    )(tcap1, S, W2, b2r, w3r, b3r)


def _sc_scatter(m2d, idx_j, idx_i, idx_k, tens_flat, tcap_vec, zeros_init, N, NPAD):
    out_type = jax.ShapeDtypeStruct((NC, NPAD, 128), jnp.float32)
    rpt = NPAD // NS
    scratch = [
        pltpu.VMEM((L,), jnp.int32),
        pltpu.VMEM((CH,), jnp.int32),
        pltpu.VMEM((CH,), jnp.int32),
        pltpu.VMEM((CH,), jnp.int32),
        pltpu.VMEM((CH,), jnp.float32),
        pltpu.VMEM((CH, 128), jnp.float32),
        pltpu.VMEM((tens_flat.shape[0],), jnp.float32),
        pltpu.VMEM_SHARED((NPAD, 128), jnp.float32),
    ]

    @functools.partial(
        pl.kernel, out_type=out_type, mesh=_mesh(), scratch_types=scratch,
        compiler_params=pltpu.CompilerParams(needs_layout_passes=False))
    def k(m_h, ij_h, ii_h, ik_h, tf_h, tcap_h, z_h, out_h,
          tcv, ijv, iiv, ikv, mv, rows, tfv, acc):
        cid = lax.axis_index("c")
        sid = lax.axis_index("s")
        w = sid * NC + cid
        pltpu.sync_copy(tcap_h, tcv)
        tcap = tcv[...][0]
        pltpu.sync_copy(tf_h, tfv)
        pltpu.sync_copy(z_h.at[pl.ds(sid * rpt, rpt)], acc.at[pl.ds(sid * rpt, rpt)])

        iota = lax.iota(jnp.int32, L)
        rep4 = iota // 4
        til4 = iota - 4 * rep4
        ones = jnp.full((L,), 1.0, jnp.float32)
        zv = jnp.zeros((L,), jnp.float32)
        del iota

        def fill(r, _):
            rows[r, pl.ds(L, L)] = ones
            for q in range(2, 8):
                rows[r, pl.ds(q * L, L)] = zv
            return 0

        lax.fori_loop(0, CH, fill, 0)
        plsc.subcore_barrier()

        nchunks = (tcap + (CH - 1)) // CH
        niter = jnp.maximum(nchunks - w + (NW - 1), 0) // NW

        def body(it, _):
            c = w + it * NW
            t0 = c * CH
            pltpu.sync_copy(ij_h.at[pl.ds(t0, CH)], ijv)
            pltpu.sync_copy(ii_h.at[pl.ds(t0, CH)], iiv)
            pltpu.sync_copy(ik_h.at[pl.ds(t0, CH)], ikv)
            pltpu.sync_copy(m_h.at[c], mv)

            def trip(t, _):
                bc = jnp.broadcast_to(t, (L,))
                ii_s = plsc.load_gather(iiv, [bc])
                ik_s = plsc.load_gather(ikv, [bc])
                ti = plsc.load_gather(tfv, [ii_s * 4 + rep4])
                tk = plsc.load_gather(tfv, [ik_s * 4 + til4])
                m_s = plsc.load_gather(mv, [bc])
                rows[t, pl.ds(0, L)] = m_s * ti * tk
                return 0

            lax.fori_loop(0, CH, trip, 0)
            pltpu.sync_copy(rows, acc.at[ijv], add=True)
            return 0

        lax.fori_loop(0, niter, body, 0)
        plsc.subcore_barrier()
        pltpu.sync_copy(acc.at[pl.ds(sid * rpt, rpt)], out_h.at[cid, pl.ds(sid * rpt, rpt)])

    return k(m2d, idx_j, idx_i, idx_k, tens_flat, tcap_vec, zeros_init)


def _tc3_combine(partials, N, NPAD):

    def body(p, out):
        x = p[...]
        s = x[0] + x[1]
        out[...] = s[:N, :L] / jnp.maximum(s[:N, L:L + 1], 1.0)

    return pl.pallas_call(
        body,
        out_shape=jax.ShapeDtypeStruct((N, L), jnp.float32),
    )(partials)


def kernel(edge_index, messages, num_nodes, tensors, W1, b1, W2, b2, W3, b3):
    E, MS = messages.shape
    N = tensors.shape[0]
    TMAX = 32 * E

    row, col = edge_index[0].astype(jnp.int32), edge_index[1].astype(jnp.int32)
    order = jnp.argsort(col).astype(jnp.int32)
    indeg = jnp.bincount(jnp.minimum(col, N - 1), length=N)
    ptr = jnp.concatenate([jnp.zeros((1,), indeg.dtype), jnp.cumsum(indeg)])
    num_triplets = indeg[row]
    cumfull = jnp.concatenate(
        [jnp.zeros((1,), num_triplets.dtype), jnp.cumsum(num_triplets)]).astype(jnp.int32)
    total = cumfull[E]
    pmc = (ptr[row].astype(jnp.int32) - cumfull[:E]).astype(jnp.int32)
    rowsorted = row[order].astype(jnp.int32)

    tcap = jnp.minimum(total, TMAX).astype(jnp.int32)
    tcap_vec = jnp.full((L,), 1, jnp.int32) * tcap
    tcap1 = tcap.reshape(1)

    idx_kj, idx_ji, pos = _sc_index_a(cumfull, pmc, order, tcap_vec, E, TMAX)
    idx_i, idx_k, idx_j_masked = _sc_index_b(row, col, rowsorted, idx_ji, pos,
                                             tcap_vec, N, TMAX)

    W1a = W1[:MS]
    W1b = W1[MS:]
    A, B = _tc1_edge_projections(messages, W1a, W1b, b1.reshape(1, MS))

    S = _sc_gather(A, B, idx_kj, idx_ji, tcap_vec, TMAX)

    m2d = _tc2_mlp(S, W2, b2.reshape(1, MS), W3.reshape(1, MS),
                   b3.reshape(1, 1), tcap1, TMAX)

    NPAD = ((N + 1 + NS * 8 - 1) // (NS * 8)) * (NS * 8)
    zeros_init = jnp.zeros((NPAD, 128), jnp.float32)
    tens_flat = tensors.reshape(4 * N)
    partials = _sc_scatter(m2d, idx_j_masked, idx_i, idx_k, tens_flat, tcap_vec,
                           zeros_init, N, NPAD)

    mean = _tc3_combine(partials, N, NPAD)
    return mean.reshape(N, 2, 2, 2, 2)

# --- scband reference (transcript-rebuilt; emitter-appended) ---
"""Pipeline reference for scband-predict4th-order-tensor-47390669144218 (READ-ONLY COPY).

The authoritative reference and input builder live on the scoring server;
editing this copy changes nothing except your own understanding.
"""

import jax, jax.numpy as jnp
import numpy as np

N_NODES = 5000
N_EDGES = 40000
MS = 128
T_MAX = 32 * N_EDGES


def setup_inputs(seed: int = 0) -> dict:
    key = jax.random.key(seed)
    ks = jax.random.split(key, 10)
    edge_index = jax.random.randint(ks[0], (2, N_EDGES), 0, N_NODES, dtype=jnp.int32)
    messages = jax.random.normal(ks[1], (N_EDGES, MS), dtype=jnp.float32)
    tensors = jax.random.normal(ks[2], (N_NODES, 2, 2), dtype=jnp.float32)
    s1 = 1.0 / np.sqrt(2 * MS)
    s2 = 1.0 / np.sqrt(MS)
    W1 = jax.random.uniform(ks[3], (2 * MS, MS), jnp.float32, -s1, s1)
    b1 = jax.random.uniform(ks[4], (MS,), jnp.float32, -s1, s1)
    W2 = jax.random.uniform(ks[5], (MS, MS), jnp.float32, -s2, s2)
    b2 = jax.random.uniform(ks[6], (MS,), jnp.float32, -s2, s2)
    W3 = jax.random.uniform(ks[7], (MS, 1), jnp.float32, -s2, s2)
    b3 = jax.random.uniform(ks[8], (1,), jnp.float32, -s2, s2)
    return {"edge_index": edge_index, "messages": messages, "num_nodes": N_NODES,
            "tensors": tensors, "W1": W1, "b1": b1, "W2": W2, "b2": b2, "W3": W3, "b3": b3}


def _triplets(edge_index, num_nodes):
    # Mirrors torch_sparse triplets: for each edge e=(j->i) with row=j, col=i,
    # enumerate all edges e'=(k->j) whose col equals row[e].
    row, col = edge_index[0], edge_index[1]
    E = row.shape[0]
    order = jnp.argsort(col)  # stable sort of edge ids by destination node
    indeg = jnp.bincount(jnp.minimum(col, num_nodes - 1), length=N_NODES)
    ptr = jnp.concatenate([jnp.zeros((1,), indeg.dtype), jnp.cumsum(indeg)])
    num_triplets = indeg[row]
    total = jnp.sum(num_triplets)
    idx_ji = jnp.repeat(jnp.arange(E), num_triplets, total_repeat_length=T_MAX)  # outer edge id (j->i)
    valid = jnp.arange(T_MAX) < total
    cum = jnp.concatenate([jnp.zeros((1,), num_triplets.dtype), jnp.cumsum(num_triplets)])[:-1]
    offset = jnp.arange(T_MAX) - cum[idx_ji]
    pos = jnp.clip(ptr[row[idx_ji]] + offset, 0, E - 1)
    idx_kj = order[pos]        # inner edge id (k->j)
    idx_k = row[idx_kj]
    idx_i = col[idx_ji]
    idx_j = row[idx_ji]
    return idx_i, idx_j, idx_k, idx_kj, idx_ji, valid


def reference(edge_index, messages, num_nodes, tensors, W1, b1, W2, b2, W3, b3):
    idx_i, idx_j, idx_k, idx_kj, idx_ji, valid = _triplets(edge_index, num_nodes)
    temp = jnp.concatenate([messages[idx_kj], messages[idx_ji]], axis=1)
    h = jax.nn.softplus(temp @ W1 + b1)
    h = jax.nn.softplus(h @ W2 + b2)
    m_ijk = h @ W3 + b3  # [T, 1]
    dyad = jnp.einsum('ijk,ilm->ijklm', tensors[idx_i], tensors[idx_k])
    temp2 = jnp.where(valid[:, None], m_ijk * dyad.reshape(-1, 16), jnp.zeros((), dyad.dtype))
    sums = jax.ops.segment_sum(temp2, idx_j, num_segments=N_NODES)
    counts = jax.ops.segment_sum(valid.astype(temp2.dtype), idx_j, num_segments=N_NODES)
    mean = sums / jnp.maximum(counts, 1.0)[:, None]
    return mean.reshape(-1, 2, 2, 2, 2)

if __name__ == "__main__":
    import jax
    _d = setup_inputs()
    print(jax.jit(kernel)(*tuple(_d.values())))

</pallas_src>

<mosaic_0001>
#map = affine_map<(d0, d1) -> (0)>
module attributes {stable_mosaic.version = 14 : i64} {
  func.func @k(%arg0: i32, %arg1: i32, %arg2: memref<40001xi32, #tpu.memory_space<hbm>>, %arg3: memref<40000xi32, #tpu.memory_space<hbm>>, %arg4: memref<40000xi32, #tpu.memory_space<hbm>>, %arg5: memref<16xi32, #tpu.memory_space<hbm>>, %arg6: memref<1280000xi32, #tpu.memory_space<hbm>>, %arg7: memref<1280000xi32, #tpu.memory_space<hbm>>, %arg8: memref<1280000xi32, #tpu.memory_space<hbm>>, %arg9: memref<40001xi32, #tpu.memory_space<vmem>>, %arg10: memref<40000xi32, #tpu.memory_space<vmem>>, %arg11: memref<40000xi32, #tpu.memory_space<vmem>>, %arg12: memref<16xi32, #tpu.memory_space<vmem>>, %arg13: memref<128xi32, #tpu.memory_space<vmem>>, %arg14: memref<128xi32, #tpu.memory_space<vmem>>, %arg15: memref<128xi32, #tpu.memory_space<vmem>>) attributes {dimension_semantics = [#tpu.dimension_semantics<core_parallel>, #tpu.dimension_semantics<subcore_parallel>], iteration_bounds = array<i64: 2, 16>, scalar_prefetch = 0 : i64, scratch_operands = 7 : i64, tpu.core_type = #tpu.core_type<sc_vector_subcore>, window_params = [{transform_indices = #map}, {transform_indices = #map}, {transform_indices = #map}, {transform_indices = #map}, {transform_indices = #map}, {transform_indices = #map}, {transform_indices = #map}]} {
    %mul3A = arith.constant 2 : i32
    %mul3A_0 = arith.muli %arg1, %mul3A : i32
    %add3A = arith.addi %mul3A_0, %arg0 : i32
    "tpu.region"() ({
      %run_scoped3A = tpu.sem_alloc : memref<!tpu.dma_semaphore, #tpu.memory_space<semaphore_mem>>
      tpu.enqueue_dma source(%arg5 : memref<16xi32, #tpu.memory_space<hbm>>) target(%arg12 : memref<16xi32, #tpu.memory_space<vmem>>) target_semaphore(%run_scoped3A : memref<!tpu.dma_semaphore, #tpu.memory_space<semaphore_mem>>)
      tpu.wait_dma2 semaphore(%run_scoped3A : memref<!tpu.dma_semaphore, #tpu.memory_space<semaphore_mem>>) src(%arg5 : memref<16xi32, #tpu.memory_space<hbm>>) dst(%arg12 : memref<16xi32, #tpu.memory_space<vmem>>)
      tpu.yield
    }) : () -> ()
    %get3A = arith.constant 0 : index
    %get3A_1 = tpu.vector_load %arg12[%get3A] {strides = array<i32>} : memref<16xi32, #tpu.memory_space<vmem>>, vector<16xi32>,
    %slice3A = vector.extract_strided_slice %get3A_1 {offsets = [0], sizes = [1], strides = [1]} : vector<16xi32> to vector<1xi32>
    %squeeze3A = vector.extract %slice3A[0] : i32 from vector<1xi32>
    "tpu.region"() ({
      %run_scoped3A = tpu.sem_alloc : memref<!tpu.dma_semaphore, #tpu.memory_space<semaphore_mem>>
      tpu.enqueue_dma source(%arg2 : memref<40001xi32, #tpu.memory_space<hbm>>) target(%arg9 : memref<40001xi32, #tpu.memory_space<vmem>>) target_semaphore(%run_scoped3A : memref<!tpu.dma_semaphore, #tpu.memory_space<semaphore_mem>>)
      tpu.wait_dma2 semaphore(%run_scoped3A : memref<!tpu.dma_semaphore, #tpu.memory_space<semaphore_mem>>) src(%arg2 : memref<40001xi32, #tpu.memory_space<hbm>>) dst(%arg9 : memref<40001xi32, #tpu.memory_space<vmem>>)
      tpu.yield
    }) : () -> ()
    "tpu.region"() ({
      %run_scoped3A = tpu.sem_alloc : memref<!tpu.dma_semaphore, #tpu.memory_space<semaphore_mem>>
      tpu.enqueue_dma source(%arg3 : memref<40000xi32, #tpu.memory_space<hbm>>) target(%arg10 : memref<40000xi32, #tpu.memory_space<vmem>>) target_semaphore(%run_scoped3A : memref<!tpu.dma_semaphore, #tpu.memory_space<semaphore_mem>>)
      tpu.wait_dma2 semaphore(%run_scoped3A : memref<!tpu.dma_semaphore, #tpu.memory_space<semaphore_mem>>) src(%arg3 : memref<40000xi32, #tpu.memory_space<hbm>>) dst(%arg10 : memref<40000xi32, #tpu.memory_space<vmem>>)
      tpu.yield
    }) : () -> ()
    "tpu.region"() ({
      %run_scoped3A = tpu.sem_alloc : memref<!tpu.dma_semaphore, #tpu.memory_space<semaphore_mem>>
      tpu.enqueue_dma source(%arg4 : memref<40000xi32, #tpu.memory_space<hbm>>) target(%arg11 : memref<40000xi32, #tpu.memory_space<vmem>>) target_semaphore(%run_scoped3A : memref<!tpu.dma_semaphore, #tpu.memory_space<semaphore_mem>>)
      tpu.wait_dma2 semaphore(%run_scoped3A : memref<!tpu.dma_semaphore, #tpu.memory_space<semaphore_mem>>) src(%arg4 : memref<40000xi32, #tpu.memory_space<hbm>>) dst(%arg11 : memref<40000xi32, #tpu.memory_space<vmem>>)
      tpu.yield
    }) : () -> ()
    %iota3A = tpu.iota {dimensions = array<i32: 0>} : vector<16xi32>
    %add3A_2 = arith.constant 127 : i32
    %add3A_3 = arith.addi %squeeze3A, %add3A_2 : i32
    %jit3A = arith.constant 128 : i32
    %div3A = arith.divsi %add3A_3, %jit3A : i32
    %sign3A = arith.constant 0 : i32
    %sign3A_4 = arith.cmpi sgt, %add3A_3, %sign3A : i32
    %sign3A_5 = arith.extui %sign3A_4 : i1 to i32
    %sign3A_6 = arith.constant 0 : i32
    %sign3A_7 = arith.cmpi slt, %add3A_3, %sign3A_6 : i32
    %sign3A_8 = arith.extui %sign3A_7 : i1 to i32
    %sign3A_9 = arith.subi %sign3A_5, %sign3A_8 : i32
    %sign3A_10 = arith.constant 0 : i32
    %sign3A_11 = arith.cmpi sgt, %jit3A, %sign3A_10 : i32
    %sign3A_12 = arith.extui %sign3A_11 : i1 to i32
    %sign3A_13 = arith.constant 0 : i32
    %sign3A_14 = arith.cmpi slt, %jit3A, %sign3A_13 : i32
    %sign3A_15 = arith.extui %sign3A_14 : i1 to i32
    %sign3A_16 = arith.subi %sign3A_12, %sign3A_15 : i32
    %ne3A = arith.cmpi ne, %sign3A_9, %sign3A_16 : i32
    %rem3A = arith.remsi %add3A_3, %jit3A : i32
    %ne3A_17 = arith.constant 0 : i32
    %ne3A_18 = arith.cmpi ne, %rem3A, %ne3A_17 : i32
    %and3A = arith.andi %ne3A, %ne3A_18 : i1
    %sub3A = arith.constant 1 : i32
    %sub3A_19 = arith.subi %div3A, %sub3A : i32
    %select_n3A = arith.select %and3A, %sub3A_19, %div3A : i32
    %sub3A_20 = arith.subi %select_n3A, %add3A : i32
    %add3A_21 = arith.constant 31 : i32
    %add3A_22 = arith.addi %sub3A_20, %add3A_21 : i32
    %max3A = arith.constant 0 : i32
    %max3A_23 = arith.maxsi %add3A_22, %max3A : i32
    %jit3A_24 = arith.constant 32 : i32
    %div3A_25 = arith.divsi %max3A_23, %jit3A_24 : i32
    %sign3A_26 = arith.constant 0 : i32
    %sign3A_27 = arith.cmpi sgt, %max3A_23, %sign3A_26 : i32
    %sign3A_28 = arith.extui %sign3A_27 : i1 to i32
    %sign3A_29 = arith.constant 0 : i32
    %sign3A_30 = arith.cmpi slt, %max3A_23, %sign3A_29 : i32
    %sign3A_31 = arith.extui %sign3A_30 : i1 to i32
    %sign3A_32 = arith.subi %sign3A_28, %sign3A_31 : i32
    %sign3A_33 = arith.constant 0 : i32
    %sign3A_34 = arith.cmpi sgt, %jit3A_24, %sign3A_33 : i32
    %sign3A_35 = arith.extui %sign3A_34 : i1 to i32
    %sign3A_36 = arith.constant 0 : i32
    %sign3A_37 = arith.cmpi slt, %jit3A_24, %sign3A_36 : i32
    %sign3A_38 = arith.extui %sign3A_37 : i1 to i32
    %sign3A_39 = arith.subi %sign3A_35, %sign3A_38 : i32
    %ne3A_40 = arith.cmpi ne, %sign3A_32, %sign3A_39 : i32
    %rem3A_41 = arith.remsi %max3A_23, %jit3A_24 : i32
    %ne3A_42 = arith.constant 0 : i32
    %ne3A_43 = arith.cmpi ne, %rem3A_41, %ne3A_42 : i32
    %and3A_44 = arith.andi %ne3A_40, %ne3A_43 : i1
    %sub3A_45 = arith.constant 1 : i32
    %sub3A_46 = arith.subi %div3A_25, %sub3A_45 : i32
    %select_n3A_47 = arith.select %and3A_44, %sub3A_46, %div3A_25 : i32
    %while3A = arith.constant 0 : i32
    %while3A_48 = arith.constant 0 : i32
    %while3A_49 = arith.subi %select_n3A_47, %while3A : i32
    %while3A_50 = arith.addi %while3A, %while3A_49 : i32
    %while3A_51 = arith.constant 1 : i32
    %while3A_52 = arith.divsi %while3A_49, %while3A_51 : i32
    %while3A_53 = arith.muli %while3A_52, %while3A_51 : i32
    %while3A_54 = arith.addi %while3A, %while3A_53 : i32
    %while3A_55 = arith.constant 1 : i32
    %while3A_56 = scf.for %while3A_59 = %while3A to %while3A_54 step %while3A_55 iter_args(%while3A_60 = %while3A_48) -> (i32)  : i32 {
      %mul3A_61 = arith.constant 32 : i32
      %mul3A_62 = arith.muli %while3A_59, %mul3A_61 : i32
      %add3A_63 = arith.addi %add3A, %mul3A_62 : i32
      %mul3A_64 = arith.constant 128 : i32
      %mul3A_65 = arith.muli %add3A_63, %mul3A_64 : i32
      %scan3A = arith.constant 0 : i32
      %scan3A_66 = arith.constant 0 : i32
      %scan3A_67 = arith.constant 8 : i32
      %scan3A_68 = arith.addi %scan3A_66, %scan3A_67 : i32
      %scan3A_69 = arith.constant 1 : i32
      %scan3A_70 = scf.for %scan3A_73 = %scan3A_66 to %scan3A_68 step %scan3A_69 iter_args(%scan3A_74 = %scan3A) -> (i32)  : i32 {
        %mul3A_75 = arith.constant 16 : i32
        %mul3A_76 = arith.muli %scan3A_73, %mul3A_75 : i32
        %add3A_77 = arith.addi %mul3A_65, %mul3A_76 : i32
        %broadcast_in_dim3A = vector.broadcast %add3A_77 : i32 to vector<16xi32>
        %add3A_78 = arith.addi %broadcast_in_dim3A, %iota3A : vector<16xi32>
        %broadcast_in_dim3A_79 = arith.constant 0 : i32
        %broadcast_in_dim3A_80 = vector.broadcast %broadcast_in_dim3A_79 : i32 to vector<16xi32>
        %add3A_81 = arith.constant 32768 : i32
        %add3A_82 = vector.broadcast %add3A_81 : i32 to vector<16xi32>
        %add3A_83 = arith.addi %broadcast_in_dim3A_80, %add3A_82 : vector<16xi32>
        %min3A = arith.constant 40000 : i32
        %min3A_84 = vector.broadcast %min3A : i32 to vector<16xi32>
        %min3A_85 = arith.minsi %add3A_83, %min3A_84 : vector<16xi32>
        %gather3A = tpu.vector_load_idx %arg9[%min3A_85] : memref<40001xi32, #tpu.memory_space<vmem>>[vector<16xi32>], vector<16xi32>,
        %le3A = arith.cmpi sle, %gather3A, %add3A_78 : vector<16xi32>
        %select_n3A_86 = arith.select %le3A, %min3A_85, %broadcast_in_dim3A_80 : vector<16xi1>, vector<16xi32>
        %add3A_87 = arith.constant 16384 : i32
        %add3A_88 = vector.broadcast %add3A_87 : i32 to vector<16xi32>
        %add3A_89 = arith.addi %select_n3A_86, %add3A_88 : vector<16xi32>
        %min3A_90 = arith.constant 40000 : i32
        %min3A_91 = vector.broadcast %min3A_90 : i32 to vector<16xi32>
        %min3A_92 = arith.minsi %add3A_89, %min3A_91 : vector<16xi32>
        %gather3A_93 = tpu.vector_load_idx %arg9[%min3A_92] : memref<40001xi32, #tpu.memory_space<vmem>>[vector<16xi32>], vector<16xi32>,
        %le3A_94 = arith.cmpi sle, %gather3A_93, %add3A_78 : vector<16xi32>
        %select_n3A_95 = arith.select %le3A_94, %min3A_92, %select_n3A_86 : vector<16xi1>, vector<16xi32>
        %add3A_96 = arith.constant 8192 : i32
        %add3A_97 = vector.broadcast %add3A_96 : i32 to vector<16xi32>
        %add3A_98 = arith.addi %select_n3A_95, %add3A_97 : vector<16xi32>
        %min3A_99 = arith.constant 40000 : i32
        %min3A_100 = vector.broadcast %min3A_99 : i32 to vector<16xi32>
        %min3A_101 = arith.minsi %add3A_98, %min3A_100 : vector<16xi32>
        %gather3A_102 = tpu.vector_load_idx %arg9[%min3A_101] : memref<40001xi32, #tpu.memory_space<vmem>>[vector<16xi32>], vector<16xi32>,
        %le3A_103 = arith.cmpi sle, %gather3A_102, %add3A_78 : vector<16xi32>
        %select_n3A_104 = arith.select %le3A_103, %min3A_101, %select_n3A_95 : vector<16xi1>, vector<16xi32>
        %add3A_105 = arith.constant 4096 : i32
        %add3A_106 = vector.broadcast %add3A_105 : i32 to vector<16xi32>
        %add3A_107 = arith.addi %select_n3A_104, %add3A_106 : vector<16xi32>
        %min3A_108 = arith.constant 40000 : i32
        %min3A_109 = vector.broadcast %min3A_108 : i32 to vector<16xi32>
        %min3A_110 = arith.minsi %add3A_107, %min3A_109 : vector<16xi32>
        %gather3A_111 = tpu.vector_load_idx %arg9[%min3A_110] : memref<40001xi32, #tpu.memory_space<vmem>>[vector<16xi32>], vector<16xi32>,
        %le3A_112 = arith.cmpi sle, %gather3A_111, %add3A_78 : vector<16xi32>
        %select_n3A_113 = arith.select %le3A_112, %min3A_110, %select_n3A_104 : vector<16xi1>, vector<16xi32>
        %add3A_114 = arith.constant 2048 : i32
        %add3A_115 = vector.broadcast %add3A_114 : i32 to vector<16xi32>
        %add3A_116 = arith.addi %select_n3A_113, %add3A_115 : vector<16xi32>
        %min3A_117 = arith.constant 40000 : i32
        %min3A_118 = vector.broadcast %min3A_117 : i32 to vector<16xi32>
        %min3A_119 = arith.minsi %add3A_116, %min3A_118 : vector<16xi32>
        %gather3A_120 = tpu.vector_load_idx %arg9[%min3A_119] : memref<40001xi32, #tpu.memory_space<vmem>>[vector<16xi32>], vector<16xi32>,
        %le3A_121 = arith.cmpi sle, %gather3A_120, %add3A_78 : vector<16xi32>
        %select_n3A_122 = arith.select %le3A_121, %min3A_119, %select_n3A_113 : vector<16xi1>, vector<16xi32>
        %add3A_123 = arith.constant 1024 : i32
        %add3A_124 = vector.broadcast %add3A_123 : i32 to vector<16xi32>
        %add3A_125 = arith.addi %select_n3A_122, %add3A_124 : vector<16xi32>
        %min3A_126 = arith.constant 40000 : i32
        %min3A_127 = vector.broadcast %min3A_126 : i32 to vector<16xi32>
        %min3A_128 = arith.minsi %add3A_125, %min3A_127 : vector<16xi32>
        %gather3A_129 = tpu.vector_load_idx %arg9[%min3A_128] : memref<40001xi32, #tpu.memory_space<vmem>>[vector<16xi32>], vector<16xi32>,
        %le3A_130 = arith.cmpi sle, %gather3A_129, %add3A_78 : vector<16xi32>
        %select_n3A_131 = arith.select %le3A_130, %min3A_128, %select_n3A_122 : vector<16xi1>, vector<16xi32>
        %add3A_132 = arith.constant 512 : i32
        %add3A_133 = vector.broadcast %add3A_132 : i32 to vector<16xi32>
        %add3A_134 = arith.addi %select_n3A_131, %add3A_133 : vector<16xi32>
        %min3A_135 = arith.constant 40000 : i32
        %min3A_136 = vector.broadcast %min3A_135 : i32 to vector<16xi32>
        %min3A_137 = arith.minsi %add3A_134, %min3A_136 : vector<16xi32>
        %gather3A_138 = tpu.vector_load_idx %arg9[%min3A_137] : memref<40001xi32, #tpu.memory_space<vmem>>[vector<16xi32>], vector<16xi32>,
        %le3A_139 = arith.cmpi sle, %gather3A_138, %add3A_78 : vector<16xi32>
        %select_n3A_140 = arith.select %le3A_139, %min3A_137, %select_n3A_131 : vector<16xi1>, vector<16xi32>
        %add3A_141 = arith.constant 256 : i32
        %add3A_142 = vector.broadcast %add3A_141 : i32 to vector<16xi32>
        %add3A_143 = arith.addi %select_n3A_140, %add3A_142 : vector<16xi32>
        %min3A_144 = arith.constant 40000 : i32
        %min3A_145 = vector.broadcast %min3A_144 : i32 to vector<16xi32>
        %min3A_146 = arith.minsi %add3A_143, %min3A_145 : vector<16xi32>
        %gather3A_147 = tpu.vector_load_idx %arg9[%min3A_146] : memref<40001xi32, #tpu.memory_space<vmem>>[vector<16xi32>], vector<16xi32>,
        %le3A_148 = arith.cmpi sle, %gather3A_147, %add3A_78 : vector<16xi32>
        %select_n3A_149 = arith.select %le3A_148, %min3A_146, %select_n3A_140 : vector<16xi1>, vector<16xi32>
        %add3A_150 = arith.constant 128 : i32
        %add3A_151 = vector.broadcast %add3A_150 : i32 to vector<16xi32>
        %add3A_152 = arith.addi %select_n3A_149, %add3A_151 : vector<16xi32>
        %min3A_153 = arith.constant 40000 : i32
        %min3A_154 = vector.broadcast %min3A_153 : i32 to vector<16xi32>
        %min3A_155 = arith.minsi %add3A_152, %min3A_154 : vector<16xi32>
        %gather3A_156 = tpu.vector_load_idx %arg9[%min3A_155] : memref<40001xi32, #tpu.memory_space<vmem>>[vector<16xi32>], vector<16xi32>,
        %le3A_157 = arith.cmpi sle, %gather3A_156, %add3A_78 : vector<16xi32>
        %select_n3A_158 = arith.select %le3A_157, %min3A_155, %select_n3A_149 : vector<16xi1>, vector<16xi32>
        %add3A_159 = arith.constant 64 : i32
        %add3A_160 = vector.broadcast %add3A_159 : i32 to vector<16xi32>
        %add3A_161 = arith.addi %select_n3A_158, %add3A_160 : vector<16xi32>
        %min3A_162 = arith.constant 40000 : i32
        %min3A_163 = vector.broadcast %min3A_162 : i32 to vector<16xi32>
        %min3A_164 = arith.minsi %add3A_161, %min3A_163 : vector<16xi32>
        %gather3A_165 = tpu.vector_load_idx %arg9[%min3A_164] : memref<40001xi32, #tpu.memory_space<vmem>>[vector<16xi32>], vector<16xi32>,
        %le3A_166 = arith.cmpi sle, %gather3A_165, %add3A_78 : vector<16xi32>
        %select_n3A_167 = arith.select %le3A_166, %min3A_164, %select_n3A_158 : vector<16xi1>, vector<16xi32>
        %add3A_168 = arith.constant 32 : i32
        %add3A_169 = vector.broadcast %add3A_168 : i32 to vector<16xi32>
        %add3A_170 = arith.addi %select_n3A_167, %add3A_169 : vector<16xi32>
        %min3A_171 = arith.constant 40000 : i32
        %min3A_172 = vector.broadcast %min3A_171 : i32 to vector<16xi32>
        %min3A_173 = arith.minsi %add3A_170, %min3A_172 : vector<16xi32>
        %gather3A_174 = tpu.vector_load_idx %arg9[%min3A_173] : memref<40001xi32, #tpu.memory_space<vmem>>[vector<16xi32>], vector<16xi32>,
        %le3A_175 = arith.cmpi sle, %gather3A_174, %add3A_78 : vector<16xi32>
        %select_n3A_176 = arith.select %le3A_175, %min3A_173, %select_n3A_167 : vector<16xi1>, vector<16xi32>
        %add3A_177 = arith.constant 16 : i32
        %add3A_178 = vector.broadcast %add3A_177 : i32 to vector<16xi32>
        %add3A_179 = arith.addi %select_n3A_176, %add3A_178 : vector<16xi32>
        %min3A_180 = arith.constant 40000 : i32
        %min3A_181 = vector.broadcast %min3A_180 : i32 to vector<16xi32>
        %min3A_182 = arith.minsi %add3A_179, %min3A_181 : vector<16xi32>
        %gather3A_183 = tpu.vector_load_idx %arg9[%min3A_182] : memref<40001xi32, #tpu.memory_space<vmem>>[vector<16xi32>], vector<16xi32>,
        %le3A_184 = arith.cmpi sle, %gather3A_183, %add3A_78 : vector<16xi32>
        %select_n3A_185 = arith.select %le3A_184, %min3A_182, %select_n3A_176 : vector<16xi1>, vector<16xi32>
        %add3A_186 = arith.constant 8 : i32
        %add3A_187 = vector.broadcast %add3A_186 : i32 to vector<16xi32>
        %add3A_188 = arith.addi %select_n3A_185, %add3A_187 : vector<16xi32>
        %min3A_189 = arith.constant 40000 : i32
        %min3A_190 = vector.broadcast %min3A_189 : i32 to vector<16xi32>
        %min3A_191 = arith.minsi %add3A_188, %min3A_190 : vector<16xi32>
        %gather3A_192 = tpu.vector_load_idx %arg9[%min3A_191] : memref<40001xi32, #tpu.memory_space<vmem>>[vector<16xi32>], vector<16xi32>,
        %le3A_193 = arith.cmpi sle, %gather3A_192, %add3A_78 : vector<16xi32>
        %select_n3A_194 = arith.select %le3A_193, %min3A_191, %select_n3A_185 : vector<16xi1>, vector<16xi32>
        %add3A_195 = arith.constant 4 : i32
        %add3A_196 = vector.broadcast %add3A_195 : i32 to vector<16xi32>
        %add3A_197 = arith.addi %select_n3A_194, %add3A_196 : vector<16xi32>
        %min3A_198 = arith.constant 40000 : i32
        %min3A_199 = vector.broadcast %min3A_198 : i32 to vector<16xi32>
        %min3A_200 = arith.minsi %add3A_197, %min3A_199 : vector<16xi32>
        %gather3A_201 = tpu.vector_load_idx %arg9[%min3A_200] : memref<40001xi32, #tpu.memory_space<vmem>>[vector<16xi32>], vector<16xi32>,
        %le3A_202 = arith.cmpi sle, %gather3A_201, %add3A_78 : vector<16xi32>
        %select_n3A_203 = arith.select %le3A_202, %min3A_200, %select_n3A_194 : vector<16xi1>, vector<16xi32>
        %add3A_204 = arith.constant 2 : i32
        %add3A_205 = vector.broadcast %add3A_204 : i32 to vector<16xi32>
        %add3A_206 = arith.addi %select_n3A_203, %add3A_205 : vector<16xi32>
        %min3A_207 = arith.constant 40000 : i32
        %min3A_208 = vector.broadcast %min3A_207 : i32 to vector<16xi32>
        %min3A_209 = arith.minsi %add3A_206, %min3A_208 : vector<16xi32>
        %gather3A_210 = tpu.vector_load_idx %arg9[%min3A_209] : memref<40001xi32, #tpu.memory_space<vmem>>[vector<16xi32>], vector<16xi32>,
        %le3A_211 = arith.cmpi sle, %gather3A_210, %add3A_78 : vector<16xi32>
        %select_n3A_212 = arith.select %le3A_211, %min3A_209, %select_n3A_203 : vector<16xi1>, vector<16xi32>
        %add3A_213 = arith.constant 1 : i32
        %add3A_214 = vector.broadcast %add3A_213 : i32 to vector<16xi32>
        %add3A_215 = arith.addi %select_n3A_212, %add3A_214 : vector<16xi32>
        %min3A_216 = arith.constant 40000 : i32
        %min3A_217 = vector.broadcast %min3A_216 : i32 to vector<16xi32>
        %min3A_218 = arith.minsi %add3A_215, %min3A_217 : vector<16xi32>
        %gather3A_219 = tpu.vector_load_idx %arg9[%min3A_218] : memref<40001xi32, #tpu.memory_space<vmem>>[vector<16xi32>], vector<16xi32>,
        %le3A_220 = arith.cmpi sle, %gather3A_219, %add3A_78 : vector<16xi32>
        %select_n3A_221 = arith.select %le3A_220, %min3A_218, %select_n3A_212 : vector<16xi1>, vector<16xi32>
        %min3A_222 = arith.constant 39999 : i32
        %min3A_223 = vector.broadcast %min3A_222 : i32 to vector<16xi32>
        %min3A_224 = arith.minsi %select_n3A_221, %min3A_223 : vector<16xi32>
        %gather3A_225 = tpu.vector_load_idx %arg10[%min3A_224] : memref<40000xi32, #tpu.memory_space<vmem>>[vector<16xi32>], vector<16xi32>,
        %add3A_226 = arith.addi %gather3A_225, %add3A_78 : vector<16xi32>
        %max3A_227 = arith.constant 0 : i32
        %max3A_228 = vector.broadcast %max3A_227 : i32 to vector<16xi32>
        %max3A_229 = arith.maxsi %add3A_226, %max3A_228 : vector<16xi32>
        %min3A_230 = arith.constant 39999 : i32
        %min3A_231 = vector.broadcast %min3A_230 : i32 to vector<16xi32>
        %min3A_232 = arith.minsi %max3A_229, %min3A_231 : vector<16xi32>
        %gather3A_233 = tpu.vector_load_idx %arg11[%min3A_232] : memref<40000xi32, #tpu.memory_space<vmem>>[vector<16xi32>], vector<16xi32>,
        %mul3A_234 = arith.constant 16 : i32
        %mul3A_235 = arith.muli %scan3A_73, %mul3A_234 : i32
        %swap3A = arith.index_cast %mul3A_235 : i32 to index
        %swap3A_236 = tpu.vector_load %arg13[%swap3A] {strides = array<i32>} : memref<128xi32, #tpu.memory_space<vmem>>, vector<16xi32>,
        tpu.vector_store %arg13[%swap3A], %gather3A_233 {strides = array<i32>} : memref<128xi32, #tpu.memory_space<vmem>>, vector<16xi32>,
        %swap3A_237 = arith.index_cast %mul3A_235 : i32 to index
        %swap3A_238 = tpu.vector_load %arg14[%swap3A_237] {strides = array<i32>} : memref<128xi32, #tpu.memory_space<vmem>>, vector<16xi32>,
        tpu.vector_store %arg14[%swap3A_237], %min3A_224 {strides = array<i32>} : memref<128xi32, #tpu.memory_space<vmem>>, vector<16xi32>,
        %swap3A_239 = arith.index_cast %mul3A_235 : i32 to index
        %swap3A_240 = tpu.vector_load %arg15[%swap3A_239] {strides = array<i32>} : memref<128xi32, #tpu.memory_space<vmem>>, vector<16xi32>,
        tpu.vector_store %arg15[%swap3A_239], %min3A_232 {strides = array<i32>} : memref<128xi32, #tpu.memory_space<vmem>>, vector<16xi32>,
        %scan3A_241 = arith.constant 0 : i32
        scf.yield %scan3A_241 : i32
      }
      %scan3A_71 = arith.constant 8 : i32
      "tpu.region"() ({
        %run_scoped3A = tpu.sem_alloc : memref<!tpu.dma_semaphore, #tpu.memory_space<semaphore_mem>>
        %dma_start3A = tpu.memref_slice %arg6[%mul3A_65] : memref<1280000xi32, #tpu.memory_space<hbm>> -> memref<128xi32, #tpu.memory_space<hbm>>
        %dma_start3A_73 = tpu.memref_slice %arg6[%mul3A_65] : memref<1280000xi32, #tpu.memory_space<hbm>> -> memref<128xi32, #tpu.memory_space<hbm>>
        tpu.enqueue_dma source(%arg13 : memref<128xi32, #tpu.memory_space<vmem>>) target(%dma_start3A_73 : memref<128xi32, #tpu.memory_space<hbm>>) target_semaphore(%run_scoped3A : memref<!tpu.dma_semaphore, #tpu.memory_space<semaphore_mem>>)
        %dma_wait3A = tpu.memref_slice %arg6[%mul3A_65] : memref<1280000xi32, #tpu.memory_space<hbm>> -> memref<128xi32, #tpu.memory_space<hbm>>
        %dma_wait3A_74 = tpu.memref_slice %arg6[%mul3A_65] : memref<1280000xi32, #tpu.memory_space<hbm>> -> memref<128xi32, #tpu.memory_space<hbm>>
        tpu.wait_dma2 semaphore(%run_scoped3A : memref<!tpu.dma_semaphore, #tpu.memory_space<semaphore_mem>>) src(%arg13 : memref<128xi32, #tpu.memory_space<vmem>>) dst(%dma_wait3A_74 : memref<128xi32, #tpu.memory_space<hbm>>)
        tpu.yield
      }) : () -> ()
      "tpu.region"() ({
        %run_scoped3A = tpu.sem_alloc : memref<!tpu.dma_semaphore, #tpu.memory_space<semaphore_mem>>
        %dma_start3A = tpu.memref_slice %arg7[%mul3A_65] : memref<1280000xi32, #tpu.memory_space<hbm>> -> memref<128xi32, #tpu.memory_space<hbm>>
        %dma_start3A_73 = tpu.memref_slice %arg7[%mul3A_65] : memref<1280000xi32, #tpu.memory_space<hbm>> -> memref<128xi32, #tpu.memory_space<hbm>>
        tpu.enqueue_dma source(%arg14 : memref<128xi32, #tpu.memory_space<vmem>>) target(%dma_start3A_73 : memref<128xi32, #tpu.memory_space<hbm>>) target_semaphore(%run_scoped3A : memref<!tpu.dma_semaphore, #tpu.memory_space<semaphore_mem>>)
        %dma_wait3A = tpu.memref_slice %arg7[%mul3A_65] : memref<1280000xi32, #tpu.memory_space<hbm>> -> memref<128xi32, #tpu.memory_space<hbm>>
        %dma_wait3A_74 = tpu.memref_slice %arg7[%mul3A_65] : memref<1280000xi32, #tpu.memory_space<hbm>> -> memref<128xi32, #tpu.memory_space<hbm>>
        tpu.wait_dma2 semaphore(%run_scoped3A : memref<!tpu.dma_semaphore, #tpu.memory_space<semaphore_mem>>) src(%arg14 : memref<128xi32, #tpu.memory_space<vmem>>) dst(%dma_wait3A_74 : memref<128xi32, #tpu.memory_space<hbm>>)
        tpu.yield
      }) : () -> ()
      "tpu.region"() ({
        %run_scoped3A = tpu.sem_alloc : memref<!tpu.dma_semaphore, #tpu.memory_space<semaphore_mem>>
        %dma_start3A = tpu.memref_slice %arg8[%mul3A_65] : memref<1280000xi32, #tpu.memory_space<hbm>> -> memref<128xi32, #tpu.memory_space<hbm>>
        %dma_start3A_73 = tpu.memref_slice %arg8[%mul3A_65] : memref<1280000xi32, #tpu.memory_space<hbm>> -> memref<128xi32, #tpu.memory_space<hbm>>
        tpu.enqueue_dma source(%arg15 : memref<128xi32, #tpu.memory_space<vmem>>) target(%dma_start3A_73 : memref<128xi32, #tpu.memory_space<hbm>>) target_semaphore(%run_scoped3A : memref<!tpu.dma_semaphore, #tpu.memory_space<semaphore_mem>>)
        %dma_wait3A = tpu.memref_slice %arg8[%mul3A_65] : memref<1280000xi32, #tpu.memory_space<hbm>> -> memref<128xi32, #tpu.memory_space<hbm>>
        %dma_wait3A_74 = tpu.memref_slice %arg8[%mul3A_65] : memref<1280000xi32, #tpu.memory_space<hbm>> -> memref<128xi32, #tpu.memory_space<hbm>>
        tpu.wait_dma2 semaphore(%run_scoped3A : memref<!tpu.dma_semaphore, #tpu.memory_space<semaphore_mem>>) src(%arg15 : memref<128xi32, #tpu.memory_space<vmem>>) dst(%dma_wait3A_74 : memref<128xi32, #tpu.memory_space<hbm>>)
        tpu.yield
      }) : () -> ()
      %while3A_72 = arith.constant 0 : i32
      scf.yield %while3A_72 : i32
    }
    %while3A_57 = arith.constant 1 : i32
    %while3A_58 = scf.for %while3A_59 = %while3A_54 to %while3A_50 step %while3A_57 iter_args(%while3A_60 = %while3A_56) -> (i32)  : i32 {
      %mul3A_61 = arith.constant 32 : i32
      %mul3A_62 = arith.muli %while3A_59, %mul3A_61 : i32
      %add3A_63 = arith.addi %add3A, %mul3A_62 : i32
      %mul3A_64 = arith.constant 128 : i32
      %mul3A_65 = arith.muli %add3A_63, %mul3A_64 : i32
      %scan3A = arith.constant 0 : i32
      %scan3A_66 = arith.constant 0 : i32
      %scan3A_67 = arith.constant 8 : i32
      %scan3A_68 = arith.addi %scan3A_66, %scan3A_67 : i32
      %scan3A_69 = arith.constant 1 : i32
      %scan3A_70 = scf.for %scan3A_73 = %scan3A_66 to %scan3A_68 step %scan3A_69 iter_args(%scan3A_74 = %scan3A) -> (i32)  : i32 {
        %mul3A_75 = arith.constant 16 : i32
        %mul3A_76 = arith.muli %scan3A_73, %mul3A_75 : i32
        %add3A_77 = arith.addi %mul3A_65, %mul3A_76 : i32
        %broadcast_in_dim3A = vector.broadcast %add3A_77 : i32 to vector<16xi32>
        %add3A_78 = arith.addi %broadcast_in_dim3A, %iota3A : vector<16xi32>
        %broadcast_in_dim3A_79 = arith.constant 0 : i32
        %broadcast_in_dim3A_80 = vector.broadcast %broadcast_in_dim3A_79 : i32 to vector<16xi32>
        %add3A_81 = arith.constant 32768 : i32
        %add3A_82 = vector.broadcast %add3A_81 : i32 to vector<16xi32>
        %add3A_83 = arith.addi %broadcast_in_dim3A_80, %add3A_82 : vector<16xi32>
        %min3A = arith.constant 40000 : i32
        %min3A_84 = vector.broadcast %min3A : i32 to vector<16xi32>
        %min3A_85 = arith.minsi %add3A_83, %min3A_84 : vector<16xi32>
        %gather3A = tpu.vector_load_idx %arg9[%min3A_85] : memref<40001xi32, #tpu.memory_space<vmem>>[vector<16xi32>], vector<16xi32>,
        %le3A = arith.cmpi sle, %gather3A, %add3A_78 : vector<16xi32>
        %select_n3A_86 = arith.select %le3A, %min3A_85, %broadcast_in_dim3A_80 : vector<16xi1>, vector<16xi32>
        %add3A_87 = arith.constant 16384 : i32
        %add3A_88 = vector.broadcast %add3A_87 : i32 to vector<16xi32>
        %add3A_89 = arith.addi %select_n3A_86, %add3A_88 : vector<16xi32>
        %min3A_90 = arith.constant 40000 : i32
        %min3A_91 = vector.broadcast %min3A_90 : i32 to vector<16xi32>
        %min3A_92 = arith.minsi %add3A_89, %min3A_91 : vector<16xi32>
        %gather3A_93 = tpu.vector_load_idx %arg9[%min3A_92] : memref<40001xi32, #tpu.memory_space<vmem>>[vector<16xi32>], vector<16xi32>,
        %le3A_94 = arith.cmpi sle, %gather3A_93, %add3A_78 : vector<16xi32>
        %select_n3A_95 = arith.select %le3A_94, %min3A_92, %select_n3A_86 : vector<16xi1>, vector<16xi32>
        %add3A_96 = arith.constant 8192 : i32
        %add3A_97 = vector.broadcast %add3A_96 : i32 to vector<16xi32>
        %add3A_98 = arith.addi %select_n3A_95, %add3A_97 : vector<16xi32>
        %min3A_99 = arith.constant 40000 : i32
        %min3A_100 = vector.broadcast %min3A_99 : i32 to vector<16xi32>
        %min3A_101 = arith.minsi %add3A_98, %min3A_100 : vector<16xi32>
        %gather3A_102 = tpu.vector_load_idx %arg9[%min3A_101] : memref<40001xi32, #tpu.memory_space<vmem>>[vector<16xi32>], vector<16xi32>,
        %le3A_103 = arith.cmpi sle, %gather3A_102, %add3A_78 : vector<16xi32>
        %select_n3A_104 = arith.select %le3A_103, %min3A_101, %select_n3A_95 : vector<16xi1>, vector<16xi32>
        %add3A_105 = arith.constant 4096 : i32
        %add3A_106 = vector.broadcast %add3A_105 : i32 to vector<16xi32>
        %add3A_107 = arith.addi %select_n3A_104, %add3A_106 : vector<16xi32>
        %min3A_108 = arith.constant 40000 : i32
        %min3A_109 = vector.broadcast %min3A_108 : i32 to vector<16xi32>
        %min3A_110 = arith.minsi %add3A_107, %min3A_109 : vector<16xi32>
        %gather3A_111 = tpu.vector_load_idx %arg9[%min3A_110] : memref<40001xi32, #tpu.memory_space<vmem>>[vector<16xi32>], vector<16xi32>,
        %le3A_112 = arith.cmpi sle, %gather3A_111, %add3A_78 : vector<16xi32>
        %select_n3A_113 = arith.select %le3A_112, %min3A_110, %select_n3A_104 : vector<16xi1>, vector<16xi32>
        %add3A_114 = arith.constant 2048 : i32
        %add3A_115 = vector.broadcast %add3A_114 : i32 to vector<16xi32>
        %add3A_116 = arith.addi %select_n3A_113, %add3A_115 : vector<16xi32>
        %min3A_117 = arith.constant 40000 : i32
        %min3A_118 = vector.broadcast %min3A_117 : i32 to vector<16xi32>
        %min3A_119 = arith.minsi %add3A_116, %min3A_118 : vector<16xi32>
        %gather3A_120 = tpu.vector_load_idx %arg9[%min3A_119] : memref<40001xi32, #tpu.memory_space<vmem>>[vector<16xi32>], vector<16xi32>,
        %le3A_121 = arith.cmpi sle, %gather3A_120, %add3A_78 : vector<16xi32>
        %select_n3A_122 = arith.select %le3A_121, %min3A_119, %select_n3A_113 : vector<16xi1>, vector<16xi32>
        %add3A_123 = arith.constant 1024 : i32
        %add3A_124 = vector.broadcast %add3A_123 : i32 to vector<16xi32>
        %add3A_125 = arith.addi %select_n3A_122, %add3A_124 : vector<16xi32>
        %min3A_126 = arith.constant 40000 : i32
        %min3A_127 = vector.broadcast %min3A_126 : i32 to vector<16xi32>
        %min3A_128 = arith.minsi %add3A_125, %min3A_127 : vector<16xi32>
        %gather3A_129 = tpu.vector_load_idx %arg9[%min3A_128] : memref<40001xi32, #tpu.memory_space<vmem>>[vector<16xi32>], vector<16xi32>,
        %le3A_130 = arith.cmpi sle, %gather3A_129, %add3A_78 : vector<16xi32>
        %select_n3A_131 = arith.select %le3A_130, %min3A_128, %select_n3A_122 : vector<16xi1>, vector<16xi32>
        %add3A_132 = arith.constant 512 : i32
        %add3A_133 = vector.broadcast %add3A_132 : i32 to vector<16xi32>
        %add3A_134 = arith.addi %select_n3A_131, %add3A_133 : vector<16xi32>
        %min3A_135 = arith.constant 40000 : i32
        %min3A_136 = vector.broadcast %min3A_135 : i32 to vector<16xi32>
        %min3A_137 = arith.minsi %add3A_134, %min3A_136 : vector<16xi32>
        %gather3A_138 = tpu.vector_load_idx %arg9[%min3A_137] : memref<40001xi32, #tpu.memory_space<vmem>>[vector<16xi32>], vector<16xi32>,
        %le3A_139 = arith.cmpi sle, %gather3A_138, %add3A_78 : vector<16xi32>
        %select_n3A_140 = arith.select %le3A_139, %min3A_137, %select_n3A_131 : vector<16xi1>, vector<16xi32>
        %add3A_141 = arith.constant 256 : i32
        %add3A_142 = vector.broadcast %add3A_141 : i32 to vector<16xi32>
        %add3A_143 = arith.addi %select_n3A_140, %add3A_142 : vector<16xi32>
        %min3A_144 = arith.constant 40000 : i32
        %min3A_145 = vector.broadcast %min3A_144 : i32 to vector<16xi32>
        %min3A_146 = arith.minsi %add3A_143, %min3A_145 : vector<16xi32>
        %gather3A_147 = tpu.vector_load_idx %arg9[%min3A_146] : memref<40001xi32, #tpu.memory_space<vmem>>[vector<16xi32>], vector<16xi32>,
        %le3A_148 = arith.cmpi sle, %gather3A_147, %add3A_78 : vector<16xi32>
        %select_n3A_149 = arith.select %le3A_148, %min3A_146, %select_n3A_140 : vector<16xi1>, vector<16xi32>
        %add3A_150 = arith.constant 128 : i32
        %add3A_151 = vector.broadcast %add3A_150 : i32 to vector<16xi32>
        %add3A_152 = arith.addi %select_n3A_149, %add3A_151 : vector<16xi32>
        %min3A_153 = arith.constant 40000 : i32
        %min3A_154 = vector.broadcast %min3A_153 : i32 to vector<16xi32>
        %min3A_155 = arith.minsi %add3A_152, %min3A_154 : vector<16xi32>
        %gather3A_156 = tpu.vector_load_idx %arg9[%min3A_155] : memref<40001xi32, #tpu.memory_space<vmem>>[vector<16xi32>], vector<16xi32>,
        %le3A_157 = arith.cmpi sle, %gather3A_156, %add3A_78 : vector<16xi32>
        %select_n3A_158 = arith.select %le3A_157, %min3A_155, %select_n3A_149 : vector<16xi1>, vector<16xi32>
        %add3A_159 = arith.constant 64 : i32
        %add3A_160 = vector.broadcast %add3A_159 : i32 to vector<16xi32>
        %add3A_161 = arith.addi %select_n3A_158, %add3A_160 : vector<16xi32>
        %min3A_162 = arith.constant 40000 : i32
        %min3A_163 = vector.broadcast %min3A_162 : i32 to vector<16xi32>
        %min3A_164 = arith.minsi %add3A_161, %min3A_163 : vector<16xi32>
        %gather3A_165 = tpu.vector_load_idx %arg9[%min3A_164] : memref<40001xi32, #tpu.memory_space<vmem>>[vector<16xi32>], vector<16xi32>,
        %le3A_166 = arith.cmpi sle, %gather3A_165, %add3A_78 : vector<16xi32>
        %select_n3A_167 = arith.select %le3A_166, %min3A_164, %select_n3A_158 : vector<16xi1>, vector<16xi32>
        %add3A_168 = arith.constant 32 : i32
        %add3A_169 = vector.broadcast %add3A_168 : i32 to vector<16xi32>
        %add3A_170 = arith.addi %select_n3A_167, %add3A_169 : vector<16xi32>
        %min3A_171 = arith.constant 40000 : i32
        %min3A_172 = vector.broadcast %min3A_171 : i32 to vector<16xi32>
        %min3A_173 = arith.minsi %add3A_170, %min3A_172 : vector<16xi32>
        %gather3A_174 = tpu.vector_load_idx %arg9[%min3A_173] : memref<40001xi32, #tpu.memory_space<vmem>>[vector<16xi32>], vector<16xi32>,
        %le3A_175 = arith.cmpi sle, %gather3A_174, %add3A_78 : vector<16xi32>
        %select_n3A_176 = arith.select %le3A_175, %min3A_173, %select_n3A_167 : vector<16xi1>, vector<16xi32>
        %add3A_177 = arith.constant 16 : i32
        %add3A_178 = vector.broadcast %add3A_177 : i32 to vector<16xi32>
        %add3A_179 = arith.addi %select_n3A_176, %add3A_178 : vector<16xi32>
        %min3A_180 = arith.constant 40000 : i32
        %min3A_181 = vector.broadcast %min3A_180 : i32 to vector<16xi32>
        %min3A_182 = arith.minsi %add3A_179, %min3A_181 : vector<16xi32>
        %gather3A_183 = tpu.vector_load_idx %arg9[%min3A_182] : memref<40001xi32, #tpu.memory_space<vmem>>[vector<16xi32>], vector<16xi32>,
        %le3A_184 = arith.cmpi sle, %gather3A_183, %add3A_78 : vector<16xi32>
        %select_n3A_185 = arith.select %le3A_184, %min3A_182, %select_n3A_176 : vector<16xi1>, vector<16xi32>
        %add3A_186 = arith.constant 8 : i32
        %add3A_187 = vector.broadcast %add3A_186 : i32 to vector<16xi32>
        %add3A_188 = arith.addi %select_n3A_185, %add3A_187 : vector<16xi32>
        %min3A_189 = arith.constant 40000 : i32
        %min3A_190 = vector.broadcast %min3A_189 : i32 to vector<16xi32>
        %min3A_191 = arith.minsi %add3A_188, %min3A_190 : vector<16xi32>
        %gather3A_192 = tpu.vector_load_idx %arg9[%min3A_191] : memref<40001xi32, #tpu.memory_space<vmem>>[vector<16xi32>], vector<16xi32>,
        %le3A_193 = arith.cmpi sle, %gather3A_192, %add3A_78 : vector<16xi32>
        %select_n3A_194 = arith.select %le3A_193, %min3A_191, %select_n3A_185 : vector<16xi1>, vector<16xi32>
        %add3A_195 = arith.constant 4 : i32
        %add3A_196 = vector.broadcast %add3A_195 : i32 to vector<16xi32>
        %add3A_197 = arith.addi %select_n3A_194, %add3A_196 : vector<16xi32>
        %min3A_198 = arith.constant 40000 : i32
        %min3A_199 = vector.broadcast %min3A_198 : i32 to vector<16xi32>
        %min3A_200 = arith.minsi %add3A_197, %min3A_199 : vector<16xi32>
        %gather3A_201 = tpu.vector_load_idx %arg9[%min3A_200] : memref<40001xi32, #tpu.memory_space<vmem>>[vector<16xi32>], vector<16xi32>,
        %le3A_202 = arith.cmpi sle, %gather3A_201, %add3A_78 : vector<16xi32>
        %select_n3A_203 = arith.select %le3A_202, %min3A_200, %select_n3A_194 : vector<16xi1>, vector<16xi32>
        %add3A_204 = arith.constant 2 : i32
        %add3A_205 = vector.broadcast %add3A_204 : i32 to vector<16xi32>
        %add3A_206 = arith.addi %select_n3A_203, %add3A_205 : vector<16xi32>
        %min3A_207 = arith.constant 40000 : i32
        %min3A_208 = vector.broadcast %min3A_207 : i32 to vector<16xi32>
        %min3A_209 = arith.minsi %add3A_206, %min3A_208 : vector<16xi32>
        %gather3A_210 = tpu.vector_load_idx %arg9[%min3A_209] : memref<40001xi32, #tpu.memory_space<vmem>>[vector<16xi32>], vector<16xi32>,
        %le3A_211 = arith.cmpi sle, %gather3A_210, %add3A_78 : vector<16xi32>
        %select_n3A_212 = arith.select %le3A_211, %min3A_209, %select_n3A_203 : vector<16xi1>, vector<16xi32>
        %add3A_213 = arith.constant 1 : i32
        %add3A_214 = vector.broadcast %add3A_213 : i32 to vector<16xi32>
        %add3A_215 = arith.addi %select_n3A_212, %add3A_214 : vector<16xi32>
        %min3A_216 = arith.constant 40000 : i32
        %min3A_217 = vector.broadcast %min3A_216 : i32 to vector<16xi32>
        %min3A_218 = arith.minsi %add3A_215, %min3A_217 : vector<16xi32>
        %gather3A_219 = tpu.vector_load_idx %arg9[%min3A_218] : memref<40001xi32, #tpu.memory_space<vmem>>[vector<16xi32>], vector<16xi32>,
        %le3A_220 = arith.cmpi sle, %gather3A_219, %add3A_78 : vector<16xi32>
        %select_n3A_221 = arith.select %le3A_220, %min3A_218, %select_n3A_212 : vector<16xi1>, vector<16xi32>
        %min3A_222 = arith.constant 39999 : i32
        %min3A_223 = vector.broadcast %min3A_222 : i32 to vector<16xi32>
        %min3A_224 = arith.minsi %select_n3A_221, %min3A_223 : vector<16xi32>
        %gather3A_225 = tpu.vector_load_idx %arg10[%min3A_224] : memref<40000xi32, #tpu.memory_space<vmem>>[vector<16xi32>], vector<16xi32>,
        %add3A_226 = arith.addi %gather3A_225, %add3A_78 : vector<16xi32>
        %max3A_227 = arith.constant 0 : i32
        %max3A_228 = vector.broadcast %max3A_227 : i32 to vector<16xi32>
        %max3A_229 = arith.maxsi %add3A_226, %max3A_228 : vector<16xi32>
        %min3A_230 = arith.constant 39999 : i32
        %min3A_231 = vector.broadcast %min3A_230 : i32 to vector<16xi32>
        %min3A_232 = arith.minsi %max3A_229, %min3A_231 : vector<16xi32>
        %gather3A_233 = tpu.vector_load_idx %arg11[%min3A_232] : memref<40000xi32, #tpu.memory_space<vmem>>[vector<16xi32>], vector<16xi32>,
        %mul3A_234 = arith.constant 16 : i32
        %mul3A_235 = arith.muli %scan3A_73, %mul3A_234 : i32
        %swap3A = arith.index_cast %mul3A_235 : i32 to index
        %swap3A_236 = tpu.vector_load %arg13[%swap3A] {strides = array<i32>} : memref<128xi32, #tpu.memory_space<vmem>>, vector<16xi32>,
        tpu.vector_store %arg13[%swap3A], %gather3A_233 {strides = array<i32>} : memref<128xi32, #tpu.memory_space<vmem>>, vector<16xi32>,
        %swap3A_237 = arith.index_cast %mul3A_235 : i32 to index
        %swap3A_238 = tpu.vector_load %arg14[%swap3A_237] {strides = array<i32>} : memref<128xi32, #tpu.memory_space<vmem>>, vector<16xi32>,
        tpu.vector_store %arg14[%swap3A_237], %min3A_224 {strides = array<i32>} : memref<128xi32, #tpu.memory_space<vmem>>, vector<16xi32>,
        %swap3A_239 = arith.index_cast %mul3A_235 : i32 to index
        %swap3A_240 = tpu.vector_load %arg15[%swap3A_239] {strides = array<i32>} : memref<128xi32, #tpu.memory_space<vmem>>, vector<16xi32>,
        tpu.vector_store %arg15[%swap3A_239], %min3A_232 {strides = array<i32>} : memref<128xi32, #tpu.memory_space<vmem>>, vector<16xi32>,
        %scan3A_241 = arith.constant 0 : i32
        scf.yield %scan3A_241 : i32
      }
      %scan3A_71 = arith.constant 8 : i32
      "tpu.region"() ({
        %run_scoped3A = tpu.sem_alloc : memref<!tpu.dma_semaphore, #tpu.memory_space<semaphore_mem>>
        %dma_start3A = tpu.memref_slice %arg6[%mul3A_65] : memref<1280000xi32, #tpu.memory_space<hbm>> -> memref<128xi32, #tpu.memory_space<hbm>>
        %dma_start3A_73 = tpu.memref_slice %arg6[%mul3A_65] : memref<1280000xi32, #tpu.memory_space<hbm>> -> memref<128xi32, #tpu.memory_space<hbm>>
        tpu.enqueue_dma source(%arg13 : memref<128xi32, #tpu.memory_space<vmem>>) target(%dma_start3A_73 : memref<128xi32, #tpu.memory_space<hbm>>) target_semaphore(%run_scoped3A : memref<!tpu.dma_semaphore, #tpu.memory_space<semaphore_mem>>)
        %dma_wait3A = tpu.memref_slice %arg6[%mul3A_65] : memref<1280000xi32, #tpu.memory_space<hbm>> -> memref<128xi32, #tpu.memory_space<hbm>>
        %dma_wait3A_74 = tpu.memref_slice %arg6[%mul3A_65] : memref<1280000xi32, #tpu.memory_space<hbm>> -> memref<128xi32, #tpu.memory_space<hbm>>
        tpu.wait_dma2 semaphore(%run_scoped3A : memref<!tpu.dma_semaphore, #tpu.memory_space<semaphore_mem>>) src(%arg13 : memref<128xi32, #tpu.memory_space<vmem>>) dst(%dma_wait3A_74 : memref<128xi32, #tpu.memory_space<hbm>>)
        tpu.yield
      }) : () -> ()
      "tpu.region"() ({
        %run_scoped3A = tpu.sem_alloc : memref<!tpu.dma_semaphore, #tpu.memory_space<semaphore_mem>>
        %dma_start3A = tpu.memref_slice %arg7[%mul3A_65] : memref<1280000xi32, #tpu.memory_space<hbm>> -> memref<128xi32, #tpu.memory_space<hbm>>
        %dma_start3A_73 = tpu.memref_slice %arg7[%mul3A_65] : memref<1280000xi32, #tpu.memory_space<hbm>> -> memref<128xi32, #tpu.memory_space<hbm>>
        tpu.enqueue_dma source(%arg14 : memref<128xi32, #tpu.memory_space<vmem>>) target(%dma_start3A_73 : memref<128xi32, #tpu.memory_space<hbm>>) target_semaphore(%run_scoped3A : memref<!tpu.dma_semaphore, #tpu.memory_space<semaphore_mem>>)
        %dma_wait3A = tpu.memref_slice %arg7[%mul3A_65] : memref<1280000xi32, #tpu.memory_space<hbm>> -> memref<128xi32, #tpu.memory_space<hbm>>
        %dma_wait3A_74 = tpu.memref_slice %arg7[%mul3A_65] : memref<1280000xi32, #tpu.memory_space<hbm>> -> memref<128xi32, #tpu.memory_space<hbm>>
        tpu.wait_dma2 semaphore(%run_scoped3A : memref<!tpu.dma_semaphore, #tpu.memory_space<semaphore_mem>>) src(%arg14 : memref<128xi32, #tpu.memory_space<vmem>>) dst(%dma_wait3A_74 : memref<128xi32, #tpu.memory_space<hbm>>)
        tpu.yield
      }) : () -> ()
      "tpu.region"() ({
        %run_scoped3A = tpu.sem_alloc : memref<!tpu.dma_semaphore, #tpu.memory_space<semaphore_mem>>
        %dma_start3A = tpu.memref_slice %arg8[%mul3A_65] : memref<1280000xi32, #tpu.memory_space<hbm>> -> memref<128xi32, #tpu.memory_space<hbm>>
        %dma_start3A_73 = tpu.memref_slice %arg8[%mul3A_65] : memref<1280000xi32, #tpu.memory_space<hbm>> -> memref<128xi32, #tpu.memory_space<hbm>>
        tpu.enqueue_dma source(%arg15 : memref<128xi32, #tpu.memory_space<vmem>>) target(%dma_start3A_73 : memref<128xi32, #tpu.memory_space<hbm>>) target_semaphore(%run_scoped3A : memref<!tpu.dma_semaphore, #tpu.memory_space<semaphore_mem>>)
        %dma_wait3A = tpu.memref_slice %arg8[%mul3A_65] : memref<1280000xi32, #tpu.memory_space<hbm>> -> memref<128xi32, #tpu.memory_space<hbm>>
        %dma_wait3A_74 = tpu.memref_slice %arg8[%mul3A_65] : memref<1280000xi32, #tpu.memory_space<hbm>> -> memref<128xi32, #tpu.memory_space<hbm>>
        tpu.wait_dma2 semaphore(%run_scoped3A : memref<!tpu.dma_semaphore, #tpu.memory_space<semaphore_mem>>) src(%arg15 : memref<128xi32, #tpu.memory_space<vmem>>) dst(%dma_wait3A_74 : memref<128xi32, #tpu.memory_space<hbm>>)
        tpu.yield
      }) : () -> ()
      %while3A_72 = arith.constant 0 : i32
      scf.yield %while3A_72 : i32
    }
    return
  }
}

#map = affine_map<(d0, d1) -> (0)>
module attributes {stable_mosaic.version = 14 : i64} {
  func.func @k(%arg0: i32, %arg1: i32, %arg2: memref<40000xi32, #tpu.memory_space<hbm>>, %arg3: memref<40000xi32, #tpu.memory_space<hbm>>, %arg4: memref<40000xi32, #tpu.memory_space<hbm>>, %arg5: memref<1280000xi32, #tpu.memory_space<hbm>>, %arg6: memref<1280000xi32, #tpu.memory_space<hbm>>, %arg7: memref<16xi32, #tpu.memory_space<hbm>>, %arg8: memref<1280000xi32, #tpu.memory_space<hbm>>, %arg9: memref<1280000xi32, #tpu.memory_space<hbm>>, %arg10: memref<1280000xi32, #tpu.memory_space<hbm>>, %arg11: memref<40000xi32, #tpu.memory_space<vmem>>, %arg12: memref<40000xi32, #tpu.memory_space<vmem>>, %arg13: memref<40000xi32, #tpu.memory_space<vmem>>, %arg14: memref<16xi32, #tpu.memory_space<vmem>>, %arg15: memref<128xi32, #tpu.memory_space<vmem>>, %arg16: memref<128xi32, #tpu.memory_space<vmem>>, %arg17: memref<128xi32, #tpu.memory_space<vmem>>, %arg18: memref<128xi32, #tpu.memory_space<vmem>>, %arg19: memref<128xi32, #tpu.memory_space<vmem>>) attributes {dimension_semantics = [#tpu.dimension_semantics<core_parallel>, #tpu.dimension_semantics<subcore_parallel>], iteration_bounds = array<i64: 2, 16>, scalar_prefetch = 0 : i64, scratch_operands = 9 : i64, tpu.core_type = #tpu.core_type<sc_vector_subcore>, window_params = [{transform_indices = #map}, {transform_indices = #map}, {transform_indices = #map}, {transform_indices = #map}, {transform_indices = #map}, {transform_indices = #map}, {transform_indices = #map}, {transform_indices = #map}, {transform_indices = #map}]} {
    %mul3A = arith.constant 2 : i32
    %mul3A_0 = arith.muli %arg1, %mul3A : i32
    %add3A = arith.addi %mul3A_0, %arg0 : i32
    "tpu.region"() ({
      %run_scoped3A = tpu.sem_alloc : memref<!tpu.dma_semaphore, #tpu.memory_space<semaphore_mem>>
      tpu.enqueue_dma source(%arg7 : memref<16xi32, #tpu.memory_space<hbm>>) target(%arg14 : memref<16xi32, #tpu.memory_space<vmem>>) target_semaphore(%run_scoped3A : memref<!tpu.dma_semaphore, #tpu.memory_space<semaphore_mem>>)
      tpu.wait_dma2 semaphore(%run_scoped3A : memref<!tpu.dma_semaphore, #tpu.memory_space<semaphore_mem>>) src(%arg7 : memref<16xi32, #tpu.memory_space<hbm>>) dst(%arg14 : memref<16xi32, #tpu.memory_space<vmem>>)
      tpu.yield
    }) : () -> ()
    %get3A = arith.constant 0 : index
    %get3A_1 = tpu.vector_load %arg14[%get3A] {strides = array<i32>} : memref<16xi32, #tpu.memory_space<vmem>>, vector<16xi32>,
    %slice3A = vector.extract_strided_slice %get3A_1 {offsets = [0], sizes = [1], strides = [1]} : vector<16xi32> to vector<1xi32>
    %squeeze3A = vector.extract %slice3A[0] : i32 from vector<1xi32>
    "tpu.region"() ({
      %run_scoped3A = tpu.sem_alloc : memref<!tpu.dma_semaphore, #tpu.memory_space<semaphore_mem>>
      tpu.enqueue_dma source(%arg2 : memref<40000xi32, #tpu.memory_space<hbm>>) target(%arg11 : memref<40000xi32, #tpu.memory_space<vmem>>) target_semaphore(%run_scoped3A : memref<!tpu.dma_semaphore, #tpu.memory_space<semaphore_mem>>)
      tpu.wait_dma2 semaphore(%run_scoped3A : memref<!tpu.dma_semaphore, #tpu.memory_space<semaphore_mem>>) src(%arg2 : memref<40000xi32, #tpu.memory_space<hbm>>) dst(%arg11 : memref<40000xi32, #tpu.memory_space<vmem>>)
      tpu.yield
    }) : () -> ()
    "tpu.region"() ({
      %run_scoped3A = tpu.sem_alloc : memref<!tpu.dma_semaphore, #tpu.memory_space<semaphore_mem>>
      tpu.enqueue_dma source(%arg3 : memref<40000xi32, #tpu.memory_space<hbm>>) target(%arg12 : memref<40000xi32, #tpu.memory_space<vmem>>) target_semaphore(%run_scoped3A : memref<!tpu.dma_semaphore, #tpu.memory_space<semaphore_mem>>)
      tpu.wait_dma2 semaphore(%run_scoped3A : memref<!tpu.dma_semaphore, #tpu.memory_space<semaphore_mem>>) src(%arg3 : memref<40000xi32, #tpu.memory_space<hbm>>) dst(%arg12 : memref<40000xi32, #tpu.memory_space<vmem>>)
      tpu.yield
    }) : () -> ()
    "tpu.region"() ({
      %run_scoped3A = tpu.sem_alloc : memref<!tpu.dma_semaphore, #tpu.memory_space<semaphore_mem>>
      tpu.enqueue_dma source(%arg4 : memref<40000xi32, #tpu.memory_space<hbm>>) target(%arg13 : memref<40000xi32, #tpu.memory_space<vmem>>) target_semaphore(%run_scoped3A : memref<!tpu.dma_semaphore, #tpu.memory_space<semaphore_mem>>)
      tpu.wait_dma2 semaphore(%run_scoped3A : memref<!tpu.dma_semaphore, #tpu.memory_space<semaphore_mem>>) src(%arg4 : memref<40000xi32, #tpu.memory_space<hbm>>) dst(%arg13 : memref<40000xi32, #tpu.memory_space<vmem>>)
      tpu.yield
    }) : () -> ()
    %iota3A = tpu.iota {dimensions = array<i32: 0>} : vector<16xi32>
    %add3A_2 = arith.constant 127 : i32
    %add3A_3 = arith.addi %squeeze3A, %add3A_2 : i32
    %jit3A = arith.constant 128 : i32
    %div3A = arith.divsi %add3A_3, %jit3A : i32
    %sign3A = arith.constant 0 : i32
    %sign3A_4 = arith.cmpi sgt, %add3A_3, %sign3A : i32
    %sign3A_5 = arith.extui %sign3A_4 : i1 to i32
    %sign3A_6 = arith.constant 0 : i32
    %sign3A_7 = arith.cmpi slt, %add3A_3, %sign3A_6 : i32
    %sign3A_8 = arith.extui %sign3A_7 : i1 to i32
    %sign3A_9 = arith.subi %sign3A_5, %sign3A_8 : i32
    %sign3A_10 = arith.constant 0 : i32
    %sign3A_11 = arith.cmpi sgt, %jit3A, %sign3A_10 : i32
    %sign3A_12 = arith.extui %sign3A_11 : i1 to i32
    %sign3A_13 = arith.constant 0 : i32
    %sign3A_14 = arith.cmpi slt, %jit3A, %sign3A_13 : i32
    %sign3A_15 = arith.extui %sign3A_14 : i1 to i32
    %sign3A_16 = arith.subi %sign3A_12, %sign3A_15 : i32
    %ne3A = arith.cmpi ne, %sign3A_9, %sign3A_16 : i32
    %rem3A = arith.remsi %add3A_3, %jit3A : i32
    %ne3A_17 = arith.constant 0 : i32
    %ne3A_18 = arith.cmpi ne, %rem3A, %ne3A_17 : i32
    %and3A = arith.andi %ne3A, %ne3A_18 : i1
    %sub3A = arith.constant 1 : i32
    %sub3A_19 = arith.subi %div3A, %sub3A : i32
    %select_n3A = arith.select %and3A, %sub3A_19, %div3A : i32
    %sub3A_20 = arith.subi %select_n3A, %add3A : i32
    %add3A_21 = arith.constant 31 : i32
    %add3A_22 = arith.addi %sub3A_20, %add3A_21 : i32
    %max3A = arith.constant 0 : i32
    %max3A_23 = arith.maxsi %add3A_22, %max3A : i32
    %jit3A_24 = arith.constant 32 : i32
    %div3A_25 = arith.divsi %max3A_23, %jit3A_24 : i32
    %sign3A_26 = arith.constant 0 : i32
    %sign3A_27 = arith.cmpi sgt, %max3A_23, %sign3A_26 : i32
    %sign3A_28 = arith.extui %sign3A_27 : i1 to i32
    %sign3A_29 = arith.constant 0 : i32
    %sign3A_30 = arith.cmpi slt, %max3A_23, %sign3A_29 : i32
    %sign3A_31 = arith.extui %sign3A_30 : i1 to i32
    %sign3A_32 = arith.subi %sign3A_28, %sign3A_31 : i32
    %sign3A_33 = arith.constant 0 : i32
    %sign3A_34 = arith.cmpi sgt, %jit3A_24, %sign3A_33 : i32
    %sign3A_35 = arith.extui %sign3A_34 : i1 to i32
    %sign3A_36 = arith.constant 0 : i32
    %sign3A_37 = arith.cmpi slt, %jit3A_24, %sign3A_36 : i32
    %sign3A_38 = arith.extui %sign3A_37 : i1 to i32
    %sign3A_39 = arith.subi %sign3A_35, %sign3A_38 : i32
    %ne3A_40 = arith.cmpi ne, %sign3A_32, %sign3A_39 : i32
    %rem3A_41 = arith.remsi %max3A_23, %jit3A_24 : i32
    %ne3A_42 = arith.constant 0 : i32
    %ne3A_43 = arith.cmpi ne, %rem3A_41, %ne3A_42 : i32
    %and3A_44 = arith.andi %ne3A_40, %ne3A_43 : i1
    %sub3A_45 = arith.constant 1 : i32
    %sub3A_46 = arith.subi %div3A_25, %sub3A_45 : i32
    %select_n3A_47 = arith.select %and3A_44, %sub3A_46, %div3A_25 : i32
    %while3A = arith.constant 0 : i32
    %while3A_48 = arith.constant 0 : i32
    %while3A_49 = arith.subi %select_n3A_47, %while3A : i32
    %while3A_50 = arith.addi %while3A, %while3A_49 : i32
    %while3A_51 = arith.constant 1 : i32
    %while3A_52 = arith.divsi %while3A_49, %while3A_51 : i32
    %while3A_53 = arith.muli %while3A_52, %while3A_51 : i32
    %while3A_54 = arith.addi %while3A, %while3A_53 : i32
    %while3A_55 = arith.constant 1 : i32
    %while3A_56 = scf.for %while3A_59 = %while3A to %while3A_54 step %while3A_55 iter_args(%while3A_60 = %while3A_48) -> (i32)  : i32 {
      %mul3A_61 = arith.constant 32 : i32
      %mul3A_62 = arith.muli %while3A_59, %mul3A_61 : i32
      %add3A_63 = arith.addi %add3A, %mul3A_62 : i32
      %mul3A_64 = arith.constant 128 : i32
      %mul3A_65 = arith.muli %add3A_63, %mul3A_64 : i32
      "tpu.region"() ({
        %run_scoped3A = tpu.sem_alloc : memref<!tpu.dma_semaphore, #tpu.memory_space<semaphore_mem>>
        %dma_start3A = tpu.memref_slice %arg5[%mul3A_65] : memref<1280000xi32, #tpu.memory_space<hbm>> -> memref<128xi32, #tpu.memory_space<hbm>>
        %dma_start3A_73 = tpu.memref_slice %arg5[%mul3A_65] : memref<1280000xi32, #tpu.memory_space<hbm>> -> memref<128xi32, #tpu.memory_space<hbm>>
        tpu.enqueue_dma source(%dma_start3A_73 : memref<128xi32, #tpu.memory_space<hbm>>) target(%arg15 : memref<128xi32, #tpu.memory_space<vmem>>) target_semaphore(%run_scoped3A : memref<!tpu.dma_semaphore, #tpu.memory_space<semaphore_mem>>)
        %dma_wait3A = tpu.memref_slice %arg5[%mul3A_65] : memref<1280000xi32, #tpu.memory_space<hbm>> -> memref<128xi32, #tpu.memory_space<hbm>>
        %dma_wait3A_74 = tpu.memref_slice %arg5[%mul3A_65] : memref<1280000xi32, #tpu.memory_space<hbm>> -> memref<128xi32, #tpu.memory_space<hbm>>
        tpu.wait_dma2 semaphore(%run_scoped3A : memref<!tpu.dma_semaphore, #tpu.memory_space<semaphore_mem>>) src(%dma_wait3A_74 : memref<128xi32, #tpu.memory_space<hbm>>) dst(%arg15 : memref<128xi32, #tpu.memory_space<vmem>>)
        tpu.yield
      }) : () -> ()
      "tpu.region"() ({
        %run_scoped3A = tpu.sem_alloc : memref<!tpu.dma_semaphore, #tpu.memory_space<semaphore_mem>>
        %dma_start3A = tpu.memref_slice %arg6[%mul3A_65] : memref<1280000xi32, #tpu.memory_space<hbm>> -> memref<128xi32, #tpu.memory_space<hbm>>
        %dma_start3A_73 = tpu.memref_slice %arg6[%mul3A_65] : memref<1280000xi32, #tpu.memory_space<hbm>> -> memref<128xi32, #tpu.memory_space<hbm>>
        tpu.enqueue_dma source(%dma_start3A_73 : memref<128xi32, #tpu.memory_space<hbm>>) target(%arg16 : memref<128xi32, #tpu.memory_space<vmem>>) target_semaphore(%run_scoped3A : memref<!tpu.dma_semaphore, #tpu.memory_space<semaphore_mem>>)
        %dma_wait3A = tpu.memref_slice %arg6[%mul3A_65] : memref<1280000xi32, #tpu.memory_space<hbm>> -> memref<128xi32, #tpu.memory_space<hbm>>
        %dma_wait3A_74 = tpu.memref_slice %arg6[%mul3A_65] : memref<1280000xi32, #tpu.memory_space<hbm>> -> memref<128xi32, #tpu.memory_space<hbm>>
        tpu.wait_dma2 semaphore(%run_scoped3A : memref<!tpu.dma_semaphore, #tpu.memory_space<semaphore_mem>>) src(%dma_wait3A_74 : memref<128xi32, #tpu.memory_space<hbm>>) dst(%arg16 : memref<128xi32, #tpu.memory_space<vmem>>)
        tpu.yield
      }) : () -> ()
      %scan3A = arith.constant 0 : i32
      %scan3A_66 = arith.constant 0 : i32
      %scan3A_67 = arith.constant 8 : i32
      %scan3A_68 = arith.addi %scan3A_66, %scan3A_67 : i32
      %scan3A_69 = arith.constant 1 : i32
      %scan3A_70 = scf.for %scan3A_73 = %scan3A_66 to %scan3A_68 step %scan3A_69 iter_args(%scan3A_74 = %scan3A) -> (i32)  : i32 {
        %mul3A_75 = arith.constant 16 : i32
        %mul3A_76 = arith.muli %scan3A_73, %mul3A_75 : i32
        %mul3A_77 = arith.constant 16 : i32
        %mul3A_78 = arith.muli %scan3A_73, %mul3A_77 : i32
        %add3A_79 = arith.addi %mul3A_65, %mul3A_78 : i32
        %broadcast_in_dim3A = vector.broadcast %add3A_79 : i32 to vector<16xi32>
        %add3A_80 = arith.addi %broadcast_in_dim3A, %iota3A : vector<16xi32>
        %get3A_81 = arith.index_cast %mul3A_76 : i32 to index
        %get3A_82 = tpu.vector_load %arg15[%get3A_81] {strides = array<i32>} : memref<128xi32, #tpu.memory_space<vmem>>, vector<16xi32>,
        %get3A_83 = arith.index_cast %mul3A_76 : i32 to index
        %get3A_84 = tpu.vector_load %arg16[%get3A_83] {strides = array<i32>} : memref<128xi32, #tpu.memory_space<vmem>>, vector<16xi32>,
        %gather3A = tpu.vector_load_idx %arg12[%get3A_82] : memref<40000xi32, #tpu.memory_space<vmem>>[vector<16xi32>], vector<16xi32>,
        %swap3A = arith.index_cast %mul3A_76 : i32 to index
        %swap3A_85 = tpu.vector_load %arg17[%swap3A] {strides = array<i32>} : memref<128xi32, #tpu.memory_space<vmem>>, vector<16xi32>,
        tpu.vector_store %arg17[%swap3A], %gather3A {strides = array<i32>} : memref<128xi32, #tpu.memory_space<vmem>>, vector<16xi32>,
        %gather3A_86 = tpu.vector_load_idx %arg13[%get3A_84] : memref<40000xi32, #tpu.memory_space<vmem>>[vector<16xi32>], vector<16xi32>,
        %swap3A_87 = arith.index_cast %mul3A_76 : i32 to index
        %swap3A_88 = tpu.vector_load %arg18[%swap3A_87] {strides = array<i32>} : memref<128xi32, #tpu.memory_space<vmem>>, vector<16xi32>,
        tpu.vector_store %arg18[%swap3A_87], %gather3A_86 {strides = array<i32>} : memref<128xi32, #tpu.memory_space<vmem>>, vector<16xi32>,
        %gather3A_89 = tpu.vector_load_idx %arg11[%get3A_82] : memref<40000xi32, #tpu.memory_space<vmem>>[vector<16xi32>], vector<16xi32>,
        %lt3A = arith.cmpi slt, %add3A_80, %get3A_1 : vector<16xi32>
        %jit3A_90 = arith.constant 5000 : i32
        %broadcast_in_dim3A_91 = vector.broadcast %jit3A_90 : i32 to vector<16xi32>
        %select_n3A_92 = arith.select %lt3A, %gather3A_89, %broadcast_in_dim3A_91 : vector<16xi1>, vector<16xi32>
        %swap3A_93 = arith.index_cast %mul3A_76 : i32 to index
        %swap3A_94 = tpu.vector_load %arg19[%swap3A_93] {strides = array<i32>} : memref<128xi32, #tpu.memory_space<vmem>>, vector<16xi32>,
        tpu.vector_store %arg19[%swap3A_93], %select_n3A_92 {strides = array<i32>} : memref<128xi32, #tpu.memory_space<vmem>>, vector<16xi32>,
        %scan3A_95 = arith.constant 0 : i32
        scf.yield %scan3A_95 : i32
      }
      %scan3A_71 = arith.constant 8 : i32
      "tpu.region"() ({
        %run_scoped3A = tpu.sem_alloc : memref<!tpu.dma_semaphore, #tpu.memory_space<semaphore_mem>>
        %dma_start3A = tpu.memref_slice %arg8[%mul3A_65] : memref<1280000xi32, #tpu.memory_space<hbm>> -> memref<128xi32, #tpu.memory_space<hbm>>
        %dma_start3A_73 = tpu.memref_slice %arg8[%mul3A_65] : memref<1280000xi32, #tpu.memory_space<hbm>> -> memref<128xi32, #tpu.memory_space<hbm>>
        tpu.enqueue_dma source(%arg17 : memref<128xi32, #tpu.memory_space<vmem>>) target(%dma_start3A_73 : memref<128xi32, #tpu.memory_space<hbm>>) target_semaphore(%run_scoped3A : memref<!tpu.dma_semaphore, #tpu.memory_space<semaphore_mem>>)
        %dma_wait3A = tpu.memref_slice %arg8[%mul3A_65] : memref<1280000xi32, #tpu.memory_space<hbm>> -> memref<128xi32, #tpu.memory_space<hbm>>
        %dma_wait3A_74 = tpu.memref_slice %arg8[%mul3A_65] : memref<1280000xi32, #tpu.memory_space<hbm>> -> memref<128xi32, #tpu.memory_space<hbm>>
        tpu.wait_dma2 semaphore(%run_scoped3A : memref<!tpu.dma_semaphore, #tpu.memory_space<semaphore_mem>>) src(%arg17 : memref<128xi32, #tpu.memory_space<vmem>>) dst(%dma_wait3A_74 : memref<128xi32, #tpu.memory_space<hbm>>)
        tpu.yield
      }) : () -> ()
      "tpu.region"() ({
        %run_scoped3A = tpu.sem_alloc : memref<!tpu.dma_semaphore, #tpu.memory_space<semaphore_mem>>
        %dma_start3A = tpu.memref_slice %arg9[%mul3A_65] : memref<1280000xi32, #tpu.memory_space<hbm>> -> memref<128xi32, #tpu.memory_space<hbm>>
        %dma_start3A_73 = tpu.memref_slice %arg9[%mul3A_65] : memref<1280000xi32, #tpu.memory_space<hbm>> -> memref<128xi32, #tpu.memory_space<hbm>>
        tpu.enqueue_dma source(%arg18 : memref<128xi32, #tpu.memory_space<vmem>>) target(%dma_start3A_73 : memref<128xi32, #tpu.memory_space<hbm>>) target_semaphore(%run_scoped3A : memref<!tpu.dma_semaphore, #tpu.memory_space<semaphore_mem>>)
        %dma_wait3A = tpu.memref_slice %arg9[%mul3A_65] : memref<1280000xi32, #tpu.memory_space<hbm>> -> memref<128xi32, #tpu.memory_space<hbm>>
        %dma_wait3A_74 = tpu.memref_slice %arg9[%mul3A_65] : memref<1280000xi32, #tpu.memory_space<hbm>> -> memref<128xi32, #tpu.memory_space<hbm>>
        tpu.wait_dma2 semaphore(%run_scoped3A : memref<!tpu.dma_semaphore, #tpu.memory_space<semaphore_mem>>) src(%arg18 : memref<128xi32, #tpu.memory_space<vmem>>) dst(%dma_wait3A_74 : memref<128xi32, #tpu.memory_space<hbm>>)
        tpu.yield
      }) : () -> ()
      "tpu.region"() ({
        %run_scoped3A = tpu.sem_alloc : memref<!tpu.dma_semaphore, #tpu.memory_space<semaphore_mem>>
        %dma_start3A = tpu.memref_slice %arg10[%mul3A_65] : memref<1280000xi32, #tpu.memory_space<hbm>> -> memref<128xi32, #tpu.memory_space<hbm>>
        %dma_start3A_73 = tpu.memref_slice %arg10[%mul3A_65] : memref<1280000xi32, #tpu.memory_space<hbm>> -> memref<128xi32, #tpu.memory_space<hbm>>
        tpu.enqueue_dma source(%arg19 : memref<128xi32, #tpu.memory_space<vmem>>) target(%dma_start3A_73 : memref<128xi32, #tpu.memory_space<hbm>>) target_semaphore(%run_scoped3A : memref<!tpu.dma_semaphore, #tpu.memory_space<semaphore_mem>>)
        %dma_wait3A = tpu.memref_slice %arg10[%mul3A_65] : memref<1280000xi32, #tpu.memory_space<hbm>> -> memref<128xi32, #tpu.memory_space<hbm>>
        %dma_wait3A_74 = tpu.memref_slice %arg10[%mul3A_65] : memref<1280000xi32, #tpu.memory_space<hbm>> -> memref<128xi32, #tpu.memory_space<hbm>>
        tpu.wait_dma2 semaphore(%run_scoped3A : memref<!tpu.dma_semaphore, #tpu.memory_space<semaphore_mem>>) src(%arg19 : memref<128xi32, #tpu.memory_space<vmem>>) dst(%dma_wait3A_74 : memref<128xi32, #tpu.memory_space<hbm>>)
        tpu.yield
      }) : () -> ()
      %while3A_72 = arith.constant 0 : i32
      scf.yield %while3A_72 : i32
    }
    %while3A_57 = arith.constant 1 : i32
    %while3A_58 = scf.for %while3A_59 = %while3A_54 to %while3A_50 step %while3A_57 iter_args(%while3A_60 = %while3A_56) -> (i32)  : i32 {
      %mul3A_61 = arith.constant 32 : i32
      %mul3A_62 = arith.muli %while3A_59, %mul3A_61 : i32
      %add3A_63 = arith.addi %add3A, %mul3A_62 : i32
      %mul3A_64 = arith.constant 128 : i32
      %mul3A_65 = arith.muli %add3A_63, %mul3A_64 : i32
      "tpu.region"() ({
        %run_scoped3A = tpu.sem_alloc : memref<!tpu.dma_semaphore, #tpu.memory_space<semaphore_mem>>
        %dma_start3A = tpu.memref_slice %arg5[%mul3A_65] : memref<1280000xi32, #tpu.memory_space<hbm>> -> memref<128xi32, #tpu.memory_space<hbm>>
        %dma_start3A_73 = tpu.memref_slice %arg5[%mul3A_65] : memref<1280000xi32, #tpu.memory_space<hbm>> -> memref<128xi32, #tpu.memory_space<hbm>>
        tpu.enqueue_dma source(%dma_start3A_73 : memref<128xi32, #tpu.memory_space<hbm>>) target(%arg15 : memref<128xi32, #tpu.memory_space<vmem>>) target_semaphore(%run_scoped3A : memref<!tpu.dma_semaphore, #tpu.memory_space<semaphore_mem>>)
        %dma_wait3A = tpu.memref_slice %arg5[%mul3A_65] : memref<1280000xi32, #tpu.memory_space<hbm>> -> memref<128xi32, #tpu.memory_space<hbm>>
        %dma_wait3A_74 = tpu.memref_slice %arg5[%mul3A_65] : memref<1280000xi32, #tpu.memory_space<hbm>> -> memref<128xi32, #tpu.memory_space<hbm>>
        tpu.wait_dma2 semaphore(%run_scoped3A : memref<!tpu.dma_semaphore, #tpu.memory_space<semaphore_mem>>) src(%dma_wait3A_74 : memref<128xi32, #tpu.memory_space<hbm>>) dst(%arg15 : memref<128xi32, #tpu.memory_space<vmem>>)
        tpu.yield
      }) : () -> ()
      "tpu.region"() ({
        %run_scoped3A = tpu.sem_alloc : memref<!tpu.dma_semaphore, #tpu.memory_space<semaphore_mem>>
        %dma_start3A = tpu.memref_slice %arg6[%mul3A_65] : memref<1280000xi32, #tpu.memory_space<hbm>> -> memref<128xi32, #tpu.memory_space<hbm>>
        %dma_start3A_73 = tpu.memref_slice %arg6[%mul3A_65] : memref<1280000xi32, #tpu.memory_space<hbm>> -> memref<128xi32, #tpu.memory_space<hbm>>
        tpu.enqueue_dma source(%dma_start3A_73 : memref<128xi32, #tpu.memory_space<hbm>>) target(%arg16 : memref<128xi32, #tpu.memory_space<vmem>>) target_semaphore(%run_scoped3A : memref<!tpu.dma_semaphore, #tpu.memory_space<semaphore_mem>>)
        %dma_wait3A = tpu.memref_slice %arg6[%mul3A_65] : memref<1280000xi32, #tpu.memory_space<hbm>> -> memref<128xi32, #tpu.memory_space<hbm>>
        %dma_wait3A_74 = tpu.memref_slice %arg6[%mul3A_65] : memref<1280000xi32, #tpu.memory_space<hbm>> -> memref<128xi32, #tpu.memory_space<hbm>>
        tpu.wait_dma2 semaphore(%run_scoped3A : memref<!tpu.dma_semaphore, #tpu.memory_space<semaphore_mem>>) src(%dma_wait3A_74 : memref<128xi32, #tpu.memory_space<hbm>>) dst(%arg16 : memref<128xi32, #tpu.memory_space<vmem>>)
        tpu.yield
      }) : () -> ()
      %scan3A = arith.constant 0 : i32
      %scan3A_66 = arith.constant 0 : i32
      %scan3A_67 = arith.constant 8 : i32
      %scan3A_68 = arith.addi %scan3A_66, %scan3A_67 : i32
      %scan3A_69 = arith.constant 1 : i32
      %scan3A_70 = scf.for %scan3A_73 = %scan3A_66 to %scan3A_68 step %scan3A_69 iter_args(%scan3A_74 = %scan3A) -> (i32)  : i32 {
        %mul3A_75 = arith.constant 16 : i32
        %mul3A_76 = arith.muli %scan3A_73, %mul3A_75 : i32
        %mul3A_77 = arith.constant 16 : i32
        %mul3A_78 = arith.muli %scan3A_73, %mul3A_77 : i32
        %add3A_79 = arith.addi %mul3A_65, %mul3A_78 : i32
        %broadcast_in_dim3A = vector.broadcast %add3A_79 : i32 to vector<16xi32>
        %add3A_80 = arith.addi %broadcast_in_dim3A, %iota3A : vector<16xi32>
        %get3A_81 = arith.index_cast %mul3A_76 : i32 to index
        %get3A_82 = tpu.vector_load %arg15[%get3A_81] {strides = array<i32>} : memref<128xi32, #tpu.memory_space<vmem>>, vector<16xi32>,
        %get3A_83 = arith.index_cast %mul3A_76 : i32 to index
        %get3A_84 = tpu.vector_load %arg16[%get3A_83] {strides = array<i32>} : memref<128xi32, #tpu.memory_space<vmem>>, vector<16xi32>,
        %gather3A = tpu.vector_load_idx %arg12[%get3A_82] : memref<40000xi32, #tpu.memory_space<vmem>>[vector<16xi32>], vector<16xi32>,
        %swap3A = arith.index_cast %mul3A_76 : i32 to index
        %swap3A_85 = tpu.vector_load %arg17[%swap3A] {strides = array<i32>} : memref<128xi32, #tpu.memory_space<vmem>>, vector<16xi32>,
        tpu.vector_store %arg17[%swap3A], %gather3A {strides = array<i32>} : memref<128xi32, #tpu.memory_space<vmem>>, vector<16xi32>,
        %gather3A_86 = tpu.vector_load_idx %arg13[%get3A_84] : memref<40000xi32, #tpu.memory_space<vmem>>[vector<16xi32>], vector<16xi32>,
        %swap3A_87 = arith.index_cast %mul3A_76 : i32 to index
        %swap3A_88 = tpu.vector_load %arg18[%swap3A_87] {strides = array<i32>} : memref<128xi32, #tpu.memory_space<vmem>>, vector<16xi32>,
        tpu.vector_store %arg18[%swap3A_87], %gather3A_86 {strides = array<i32>} : memref<128xi32, #tpu.memory_space<vmem>>, vector<16xi32>,
        %gather3A_89 = tpu.vector_load_idx %arg11[%get3A_82] : memref<40000xi32, #tpu.memory_space<vmem>>[vector<16xi32>], vector<16xi32>,
        %lt3A = arith.cmpi slt, %add3A_80, %get3A_1 : vector<16xi32>
        %jit3A_90 = arith.constant 5000 : i32
        %broadcast_in_dim3A_91 = vector.broadcast %jit3A_90 : i32 to vector<16xi32>
        %select_n3A_92 = arith.select %lt3A, %gather3A_89, %broadcast_in_dim3A_91 : vector<16xi1>, vector<16xi32>
        %swap3A_93 = arith.index_cast %mul3A_76 : i32 to index
        %swap3A_94 = tpu.vector_load %arg19[%swap3A_93] {strides = array<i32>} : memref<128xi32, #tpu.memory_space<vmem>>, vector<16xi32>,
        tpu.vector_store %arg19[%swap3A_93], %select_n3A_92 {strides = array<i32>} : memref<128xi32, #tpu.memory_space<vmem>>, vector<16xi32>,
        %scan3A_95 = arith.constant 0 : i32
        scf.yield %scan3A_95 : i32
      }
      %scan3A_71 = arith.constant 8 : i32
      "tpu.region"() ({
        %run_scoped3A = tpu.sem_alloc : memref<!tpu.dma_semaphore, #tpu.memory_space<semaphore_mem>>
        %dma_start3A = tpu.memref_slice %arg8[%mul3A_65] : memref<1280000xi32, #tpu.memory_space<hbm>> -> memref<128xi32, #tpu.memory_space<hbm>>
        %dma_start3A_73 = tpu.memref_slice %arg8[%mul3A_65] : memref<1280000xi32, #tpu.memory_space<hbm>> -> memref<128xi32, #tpu.memory_space<hbm>>
        tpu.enqueue_dma source(%arg17 : memref<128xi32, #tpu.memory_space<vmem>>) target(%dma_start3A_73 : memref<128xi32, #tpu.memory_space<hbm>>) target_semaphore(%run_scoped3A : memref<!tpu.dma_semaphore, #tpu.memory_space<semaphore_mem>>)
        %dma_wait3A = tpu.memref_slice %arg8[%mul3A_65] : memref<1280000xi32, #tpu.memory_space<hbm>> -> memref<128xi32, #tpu.memory_space<hbm>>
        %dma_wait3A_74 = tpu.memref_slice %arg8[%mul3A_65] : memref<1280000xi32, #tpu.memory_space<hbm>> -> memref<128xi32, #tpu.memory_space<hbm>>
        tpu.wait_dma2 semaphore(%run_scoped3A : memref<!tpu.dma_semaphore, #tpu.memory_space<semaphore_mem>>) src(%arg17 : memref<128xi32, #tpu.memory_space<vmem>>) dst(%dma_wait3A_74 : memref<128xi32, #tpu.memory_space<hbm>>)
        tpu.yield
      }) : () -> ()
      "tpu.region"() ({
        %run_scoped3A = tpu.sem_alloc : memref<!tpu.dma_semaphore, #tpu.memory_space<semaphore_mem>>
        %dma_start3A = tpu.memref_slice %arg9[%mul3A_65] : memref<1280000xi32, #tpu.memory_space<hbm>> -> memref<128xi32, #tpu.memory_space<hbm>>
        %dma_start3A_73 = tpu.memref_slice %arg9[%mul3A_65] : memref<1280000xi32, #tpu.memory_space<hbm>> -> memref<128xi32, #tpu.memory_space<hbm>>
        tpu.enqueue_dma source(%arg18 : memref<128xi32, #tpu.memory_space<vmem>>) target(%dma_start3A_73 : memref<128xi32, #tpu.memory_space<hbm>>) target_semaphore(%run_scoped3A : memref<!tpu.dma_semaphore, #tpu.memory_space<semaphore_mem>>)
        %dma_wait3A = tpu.memref_slice %arg9[%mul3A_65] : memref<1280000xi32, #tpu.memory_space<hbm>> -> memref<128xi32, #tpu.memory_space<hbm>>
        %dma_wait3A_74 = tpu.memref_slice %arg9[%mul3A_65] : memref<1280000xi32, #tpu.memory_space<hbm>> -> memref<128xi32, #tpu.memory_space<hbm>>
        tpu.wait_dma2 semaphore(%run_scoped3A : memref<!tpu.dma_semaphore, #tpu.memory_space<semaphore_mem>>) src(%arg18 : memref<128xi32, #tpu.memory_space<vmem>>) dst(%dma_wait3A_74 : memref<128xi32, #tpu.memory_space<hbm>>)
        tpu.yield
      }) : () -> ()
      "tpu.region"() ({
        %run_scoped3A = tpu.sem_alloc : memref<!tpu.dma_semaphore, #tpu.memory_space<semaphore_mem>>
        %dma_start3A = tpu.memref_slice %arg10[%mul3A_65] : memref<1280000xi32, #tpu.memory_space<hbm>> -> memref<128xi32, #tpu.memory_space<hbm>>
        %dma_start3A_73 = tpu.memref_slice %arg10[%mul3A_65] : memref<1280000xi32, #tpu.memory_space<hbm>> -> memref<128xi32, #tpu.memory_space<hbm>>
        tpu.enqueue_dma source(%arg19 : memref<128xi32, #tpu.memory_space<vmem>>) target(%dma_start3A_73 : memref<128xi32, #tpu.memory_space<hbm>>) target_semaphore(%run_scoped3A : memref<!tpu.dma_semaphore, #tpu.memory_space<semaphore_mem>>)
        %dma_wait3A = tpu.memref_slice %arg10[%mul3A_65] : memref<1280000xi32, #tpu.memory_space<hbm>> -> memref<128xi32, #tpu.memory_space<hbm>>
        %dma_wait3A_74 = tpu.memref_slice %arg10[%mul3A_65] : memref<1280000xi32, #tpu.memory_space<hbm>> -> memref<128xi32, #tpu.memory_space<hbm>>
        tpu.wait_dma2 semaphore(%run_scoped3A : memref<!tpu.dma_semaphore, #tpu.memory_space<semaphore_mem>>) src(%arg19 : memref<128xi32, #tpu.memory_space<vmem>>) dst(%dma_wait3A_74 : memref<128xi32, #tpu.memory_space<hbm>>)
        tpu.yield
      }) : () -> ()
      %while3A_72 = arith.constant 0 : i32
      scf.yield %while3A_72 : i32
    }
    return
  }
}

#map = affine_map<(d0, d1) -> (0, 0)>
#map1 = affine_map<(d0, d1) -> (0)>
module attributes {stable_mosaic.version = 14 : i64} {
  func.func @k(%arg0: i32, %arg1: i32, %arg2: memref<40000x128xf32, #tpu.memory_space<hbm>>, %arg3: memref<40000x128xf32, #tpu.memory_space<hbm>>, %arg4: memref<1280000xi32, #tpu.memory_space<hbm>>, %arg5: memref<1280000xi32, #tpu.memory_space<hbm>>, %arg6: memref<16xi32, #tpu.memory_space<hbm>>, %arg7: memref<1280000x128xf32, #tpu.memory_space<hbm>>, %arg8: memref<16xi32, #tpu.memory_space<vmem>>, %arg9: memref<128xi32, #tpu.memory_space<vmem>>, %arg10: memref<128xi32, #tpu.memory_space<vmem>>, %arg11: memref<128x128xf32, #tpu.memory_space<vmem>>, %arg12: memref<128x128xf32, #tpu.memory_space<vmem>>, %arg13: memref<!tpu.dma_semaphore, #tpu.memory_space<semaphore_mem>>, %arg14: memref<!tpu.dma_semaphore, #tpu.memory_space<semaphore_mem>>) attributes {dimension_semantics = [#tpu.dimension_semantics<core_parallel>, #tpu.dimension_semantics<subcore_parallel>], iteration_bounds = array<i64: 2, 16>, scalar_prefetch = 0 : i64, scratch_operands = 7 : i64, tpu.core_type = #tpu.core_type<sc_vector_subcore>, window_params = [{transform_indices = #map}, {transform_indices = #map}, {transform_indices = #map1}, {transform_indices = #map1}, {transform_indices = #map1}, {transform_indices = #map}]} {
    %mul3A = arith.constant 2 : i32
    %mul3A_0 = arith.muli %arg1, %mul3A : i32
    %add3A = arith.addi %mul3A_0, %arg0 : i32
    "tpu.region"() ({
      %run_scoped3A = tpu.sem_alloc : memref<!tpu.dma_semaphore, #tpu.memory_space<semaphore_mem>>
      tpu.enqueue_dma source(%arg6 : memref<16xi32, #tpu.memory_space<hbm>>) target(%arg8 : memref<16xi32, #tpu.memory_space<vmem>>) target_semaphore(%run_scoped3A : memref<!tpu.dma_semaphore, #tpu.memory_space<semaphore_mem>>)
      tpu.wait_dma2 semaphore(%run_scoped3A : memref<!tpu.dma_semaphore, #tpu.memory_space<semaphore_mem>>) src(%arg6 : memref<16xi32, #tpu.memory_space<hbm>>) dst(%arg8 : memref<16xi32, #tpu.memory_space<vmem>>)
      tpu.yield
    }) : () -> ()
    %get3A = arith.constant 0 : index
    %get3A_1 = tpu.vector_load %arg8[%get3A] {strides = array<i32>} : memref<16xi32, #tpu.memory_space<vmem>>, vector<16xi32>,
    %slice3A = vector.extract_strided_slice %get3A_1 {offsets = [0], sizes = [1], strides = [1]} : vector<16xi32> to vector<1xi32>
    %squeeze3A = vector.extract %slice3A[0] : i32 from vector<1xi32>
    %add3A_2 = arith.constant 127 : i32
    %add3A_3 = arith.addi %squeeze3A, %add3A_2 : i32
    %jit3A = arith.constant 128 : i32
    %div3A = arith.divsi %add3A_3, %jit3A : i32
    %sign3A = arith.constant 0 : i32
    %sign3A_4 = arith.cmpi sgt, %add3A_3, %sign3A : i32
    %sign3A_5 = arith.extui %sign3A_4 : i1 to i32
    %sign3A_6 = arith.constant 0 : i32
    %sign3A_7 = arith.cmpi slt, %add3A_3, %sign3A_6 : i32
    %sign3A_8 = arith.extui %sign3A_7 : i1 to i32
    %sign3A_9 = arith.subi %sign3A_5, %sign3A_8 : i32
    %sign3A_10 = arith.constant 0 : i32
    %sign3A_11 = arith.cmpi sgt, %jit3A, %sign3A_10 : i32
    %sign3A_12 = arith.extui %sign3A_11 : i1 to i32
    %sign3A_13 = arith.constant 0 : i32
    %sign3A_14 = arith.cmpi slt, %jit3A, %sign3A_13 : i32
    %sign3A_15 = arith.extui %sign3A_14 : i1 to i32
    %sign3A_16 = arith.subi %sign3A_12, %sign3A_15 : i32
    %ne3A = arith.cmpi ne, %sign3A_9, %sign3A_16 : i32
    %rem3A = arith.remsi %add3A_3, %jit3A : i32
    %ne3A_17 = arith.constant 0 : i32
    %ne3A_18 = arith.cmpi ne, %rem3A, %ne3A_17 : i32
    %and3A = arith.andi %ne3A, %ne3A_18 : i1
    %sub3A = arith.constant 1 : i32
    %sub3A_19 = arith.subi %div3A, %sub3A : i32
    %select_n3A = arith.select %and3A, %sub3A_19, %div3A : i32
    %sub3A_20 = arith.subi %select_n3A, %add3A : i32
    %add3A_21 = arith.constant 31 : i32
    %add3A_22 = arith.addi %sub3A_20, %add3A_21 : i32
    %max3A = arith.constant 0 : i32
    %max3A_23 = arith.maxsi %add3A_22, %max3A : i32
    %jit3A_24 = arith.constant 32 : i32
    %div3A_25 = arith.divsi %max3A_23, %jit3A_24 : i32
    %sign3A_26 = arith.constant 0 : i32
    %sign3A_27 = arith.cmpi sgt, %max3A_23, %sign3A_26 : i32
    %sign3A_28 = arith.extui %sign3A_27 : i1 to i32
    %sign3A_29 = arith.constant 0 : i32
    %sign3A_30 = arith.cmpi slt, %max3A_23, %sign3A_29 : i32
    %sign3A_31 = arith.extui %sign3A_30 : i1 to i32
    %sign3A_32 = arith.subi %sign3A_28, %sign3A_31 : i32
    %sign3A_33 = arith.constant 0 : i32
    %sign3A_34 = arith.cmpi sgt, %jit3A_24, %sign3A_33 : i32
    %sign3A_35 = arith.extui %sign3A_34 : i1 to i32
    %sign3A_36 = arith.constant 0 : i32
    %sign3A_37 = arith.cmpi slt, %jit3A_24, %sign3A_36 : i32
    %sign3A_38 = arith.extui %sign3A_37 : i1 to i32
    %sign3A_39 = arith.subi %sign3A_35, %sign3A_38 : i32
    %ne3A_40 = arith.cmpi ne, %sign3A_32, %sign3A_39 : i32
    %rem3A_41 = arith.remsi %max3A_23, %jit3A_24 : i32
    %ne3A_42 = arith.constant 0 : i32
    %ne3A_43 = arith.cmpi ne, %rem3A_41, %ne3A_42 : i32
    %and3A_44 = arith.andi %ne3A_40, %ne3A_43 : i1
    %sub3A_45 = arith.constant 1 : i32
    %sub3A_46 = arith.subi %div3A_25, %sub3A_45 : i32
    %select_n3A_47 = arith.select %and3A_44, %sub3A_46, %div3A_25 : i32
    %while3A = arith.constant 0 : i32
    %while3A_48 = arith.constant 0 : i32
    %while3A_49 = arith.subi %select_n3A_47, %while3A : i32
    %while3A_50 = arith.addi %while3A, %while3A_49 : i32
    %while3A_51 = arith.constant 1 : i32
    %while3A_52 = arith.divsi %while3A_49, %while3A_51 : i32
    %while3A_53 = arith.muli %while3A_52, %while3A_51 : i32
    %while3A_54 = arith.addi %while3A, %while3A_53 : i32
    %while3A_55 = arith.constant 1 : i32
    %while3A_56 = scf.for %while3A_59 = %while3A to %while3A_54 step %while3A_55 iter_args(%while3A_60 = %while3A_48) -> (i32)  : i32 {
      %mul3A_61 = arith.constant 32 : i32
      %mul3A_62 = arith.muli %while3A_59, %mul3A_61 : i32
      %add3A_63 = arith.addi %add3A, %mul3A_62 : i32
      %mul3A_64 = arith.constant 128 : i32
      %mul3A_65 = arith.muli %add3A_63, %mul3A_64 : i32
      "tpu.region"() ({
        %run_scoped3A = tpu.sem_alloc : memref<!tpu.dma_semaphore, #tpu.memory_space<semaphore_mem>>
        %dma_start3A_83 = tpu.memref_slice %arg4[%mul3A_65] : memref<1280000xi32, #tpu.memory_space<hbm>> -> memref<128xi32, #tpu.memory_space<hbm>>
        %dma_start3A_84 = tpu.memref_slice %arg4[%mul3A_65] : memref<1280000xi32, #tpu.memory_space<hbm>> -> memref<128xi32, #tpu.memory_space<hbm>>
        tpu.enqueue_dma source(%dma_start3A_84 : memref<128xi32, #tpu.memory_space<hbm>>) target(%arg9 : memref<128xi32, #tpu.memory_space<vmem>>) target_semaphore(%run_scoped3A : memref<!tpu.dma_semaphore, #tpu.memory_space<semaphore_mem>>)
        %dma_wait3A_85 = tpu.memref_slice %arg4[%mul3A_65] : memref<1280000xi32, #tpu.memory_space<hbm>> -> memref<128xi32, #tpu.memory_space<hbm>>
        %dma_wait3A_86 = tpu.memref_slice %arg4[%mul3A_65] : memref<1280000xi32, #tpu.memory_space<hbm>> -> memref<128xi32, #tpu.memory_space<hbm>>
        tpu.wait_dma2 semaphore(%run_scoped3A : memref<!tpu.dma_semaphore, #tpu.memory_space<semaphore_mem>>) src(%dma_wait3A_86 : memref<128xi32, #tpu.memory_space<hbm>>) dst(%arg9 : memref<128xi32, #tpu.memory_space<vmem>>)
        tpu.yield
      }) : () -> ()
      "tpu.region"() ({
        %run_scoped3A = tpu.sem_alloc : memref<!tpu.dma_semaphore, #tpu.memory_space<semaphore_mem>>
        %dma_start3A_83 = tpu.memref_slice %arg5[%mul3A_65] : memref<1280000xi32, #tpu.memory_space<hbm>> -> memref<128xi32, #tpu.memory_space<hbm>>
        %dma_start3A_84 = tpu.memref_slice %arg5[%mul3A_65] : memref<1280000xi32, #tpu.memory_space<hbm>> -> memref<128xi32, #tpu.memory_space<hbm>>
        tpu.enqueue_dma source(%dma_start3A_84 : memref<128xi32, #tpu.memory_space<hbm>>) target(%arg10 : memref<128xi32, #tpu.memory_space<vmem>>) target_semaphore(%run_scoped3A : memref<!tpu.dma_semaphore, #tpu.memory_space<semaphore_mem>>)
        %dma_wait3A_85 = tpu.memref_slice %arg5[%mul3A_65] : memref<1280000xi32, #tpu.memory_space<hbm>> -> memref<128xi32, #tpu.memory_space<hbm>>
        %dma_wait3A_86 = tpu.memref_slice %arg5[%mul3A_65] : memref<1280000xi32, #tpu.memory_space<hbm>> -> memref<128xi32, #tpu.memory_space<hbm>>
        tpu.wait_dma2 semaphore(%run_scoped3A : memref<!tpu.dma_semaphore, #tpu.memory_space<semaphore_mem>>) src(%dma_wait3A_86 : memref<128xi32, #tpu.memory_space<hbm>>) dst(%arg10 : memref<128xi32, #tpu.memory_space<vmem>>)
        tpu.yield
      }) : () -> ()
      %dma_start3A = arith.constant 0 : i32
      %dma_start3A_66 = arith.constant 0 : i32
      %dma_start3A_67 = tpu.memref_slice %arg2[%dma_start3A, %dma_start3A_66] : memref<40000x128xf32, #tpu.memory_space<hbm>> -> memref<40000x128xf32, #tpu.memory_space<hbm>>
      tpu.enqueue_indirect_dma source(%dma_start3A_67 : memref<40000x128xf32, #tpu.memory_space<hbm>>) target(%arg11 : memref<128x128xf32, #tpu.memory_space<vmem>>) offsets(%arg9 : memref<128xi32, #tpu.memory_space<vmem>>) semaphore(%arg13 : memref<!tpu.dma_semaphore, #tpu.memory_space<semaphore_mem>>)
      %dma_start3A_68 = arith.constant 0 : i32
      %dma_start3A_69 = arith.constant 0 : i32
      %dma_start3A_70 = tpu.memref_slice %arg3[%dma_start3A_68, %dma_start3A_69] : memref<40000x128xf32, #tpu.memory_space<hbm>> -> memref<40000x128xf32, #tpu.memory_space<hbm>>
      tpu.enqueue_indirect_dma source(%dma_start3A_70 : memref<40000x128xf32, #tpu.memory_space<hbm>>) target(%arg12 : memref<128x128xf32, #tpu.memory_space<vmem>>) offsets(%arg10 : memref<128xi32, #tpu.memory_space<vmem>>) semaphore(%arg14 : memref<!tpu.dma_semaphore, #tpu.memory_space<semaphore_mem>>)
      %dma_wait3A = arith.constant 0 : i32
      %dma_wait3A_71 = arith.constant 0 : i32
      %dma_wait3A_72 = tpu.memref_slice %arg2[%dma_wait3A, %dma_wait3A_71] : memref<40000x128xf32, #tpu.memory_space<hbm>> -> memref<40000x128xf32, #tpu.memory_space<hbm>>
      tpu.wait_indirect_dma semaphore(%arg13 : memref<!tpu.dma_semaphore, #tpu.memory_space<semaphore_mem>>) src(%dma_wait3A_72 : memref<40000x128xf32, #tpu.memory_space<hbm>>) dst(%arg11 : memref<128x128xf32, #tpu.memory_space<vmem>>)
      %dma_wait3A_73 = arith.constant 0 : i32
      %dma_wait3A_74 = arith.constant 0 : i32
      %dma_wait3A_75 = tpu.memref_slice %arg3[%dma_wait3A_73, %dma_wait3A_74] : memref<40000x128xf32, #tpu.memory_space<hbm>> -> memref<40000x128xf32, #tpu.memory_space<hbm>>
      tpu.wait_indirect_dma semaphore(%arg14 : memref<!tpu.dma_semaphore, #tpu.memory_space<semaphore_mem>>) src(%dma_wait3A_75 : memref<40000x128xf32, #tpu.memory_space<hbm>>) dst(%arg12 : memref<128x128xf32, #tpu.memory_space<vmem>>)
      %scan3A = arith.constant 0 : i32
      %scan3A_76 = arith.constant 0 : i32
      %scan3A_77 = arith.constant 128 : i32
      %scan3A_78 = arith.addi %scan3A_76, %scan3A_77 : i32
      %scan3A_79 = arith.constant 1 : i32
      %scan3A_80 = scf.for %scan3A_83 = %scan3A_76 to %scan3A_78 step %scan3A_79 iter_args(%scan3A_84 = %scan3A) -> (i32)  : i32 {
        %get3A_85 = arith.index_cast %scan3A_83 : i32 to index
        %get3A_86 = arith.constant 0 : index
        %get3A_87 = tpu.vector_load %arg11[%get3A_85, %get3A_86] {strides = array<i32>} : memref<128x128xf32, #tpu.memory_space<vmem>>, vector<16xf32>,
        %get3A_88 = arith.index_cast %scan3A_83 : i32 to index
        %get3A_89 = arith.constant 0 : index
        %get3A_90 = tpu.vector_load %arg12[%get3A_88, %get3A_89] {strides = array<i32>} : memref<128x128xf32, #tpu.memory_space<vmem>>, vector<16xf32>,
        %add3A_91 = arith.addf %get3A_87, %get3A_90 : vector<16xf32>
        %swap3A = arith.index_cast %scan3A_83 : i32 to index
        %swap3A_92 = arith.constant 0 : index
        %swap3A_93 = tpu.vector_load %arg11[%swap3A, %swap3A_92] {strides = array<i32>} : memref<128x128xf32, #tpu.memory_space<vmem>>, vector<16xf32>,
        tpu.vector_store %arg11[%swap3A, %swap3A_92], %add3A_91 {strides = array<i32>} : memref<128x128xf32, #tpu.memory_space<vmem>>, vector<16xf32>,
        %get3A_94 = arith.index_cast %scan3A_83 : i32 to index
        %get3A_95 = arith.constant 16 : index
        %get3A_96 = tpu.vector_load %arg11[%get3A_94, %get3A_95] {strides = array<i32>} : memref<128x128xf32, #tpu.memory_space<vmem>>, vector<16xf32>,
        %get3A_97 = arith.index_cast %scan3A_83 : i32 to index
        %get3A_98 = arith.constant 16 : index
        %get3A_99 = tpu.vector_load %arg12[%get3A_97, %get3A_98] {strides = array<i32>} : memref<128x128xf32, #tpu.memory_space<vmem>>, vector<16xf32>,
        %add3A_100 = arith.addf %get3A_96, %get3A_99 : vector<16xf32>
        %swap3A_101 = arith.index_cast %scan3A_83 : i32 to index
        %swap3A_102 = arith.constant 16 : index
        %swap3A_103 = tpu.vector_load %arg11[%swap3A_101, %swap3A_102] {strides = array<i32>} : memref<128x128xf32, #tpu.memory_space<vmem>>, vector<16xf32>,
        tpu.vector_store %arg11[%swap3A_101, %swap3A_102], %add3A_100 {strides = array<i32>} : memref<128x128xf32, #tpu.memory_space<vmem>>, vector<16xf32>,
        %get3A_104 = arith.index_cast %scan3A_83 : i32 to index
        %get3A_105 = arith.constant 32 : index
        %get3A_106 = tpu.vector_load %arg11[%get3A_104, %get3A_105] {strides = array<i32>} : memref<128x128xf32, #tpu.memory_space<vmem>>, vector<16xf32>,
        %get3A_107 = arith.index_cast %scan3A_83 : i32 to index
        %get3A_108 = arith.constant 32 : index
        %get3A_109 = tpu.vector_load %arg12[%get3A_107, %get3A_108] {strides = array<i32>} : memref<128x128xf32, #tpu.memory_space<vmem>>, vector<16xf32>,
        %add3A_110 = arith.addf %get3A_106, %get3A_109 : vector<16xf32>
        %swap3A_111 = arith.index_cast %scan3A_83 : i32 to index
        %swap3A_112 = arith.constant 32 : index
        %swap3A_113 = tpu.vector_load %arg11[%swap3A_111, %swap3A_112] {strides = array<i32>} : memref<128x128xf32, #tpu.memory_space<vmem>>, vector<16xf32>,
        tpu.vector_store %arg11[%swap3A_111, %swap3A_112], %add3A_110 {strides = array<i32>} : memref<128x128xf32, #tpu.memory_space<vmem>>, vector<16xf32>,
        %get3A_114 = arith.index_cast %scan3A_83 : i32 to index
        %get3A_115 = arith.constant 48 : index
        %get3A_116 = tpu.vector_load %arg11[%get3A_114, %get3A_115] {strides = array<i32>} : memref<128x128xf32, #tpu.memory_space<vmem>>, vector<16xf32>,
        %get3A_117 = arith.index_cast %scan3A_83 : i32 to index
        %get3A_118 = arith.constant 48 : index
        %get3A_119 = tpu.vector_load %arg12[%get3A_117, %get3A_118] {strides = array<i32>} : memref<128x128xf32, #tpu.memory_space<vmem>>, vector<16xf32>,
        %add3A_120 = arith.addf %get3A_116, %get3A_119 : vector<16xf32>
        %swap3A_121 = arith.index_cast %scan3A_83 : i32 to index
        %swap3A_122 = arith.constant 48 : index
        %swap3A_123 = tpu.vector_load %arg11[%swap3A_121, %swap3A_122] {strides = array<i32>} : memref<128x128xf32, #tpu.memory_space<vmem>>, vector<16xf32>,
        tpu.vector_store %arg11[%swap3A_121, %swap3A_122], %add3A_120 {strides = array<i32>} : memref<128x128xf32, #tpu.memory_space<vmem>>, vector<16xf32>,
        %get3A_124 = arith.index_cast %scan3A_83 : i32 to index
        %get3A_125 = arith.constant 64 : index
        %get3A_126 = tpu.vector_load %arg11[%get3A_124, %get3A_125] {strides = array<i32>} : memref<128x128xf32, #tpu.memory_space<vmem>>, vector<16xf32>,
        %get3A_127 = arith.index_cast %scan3A_83 : i32 to index
        %get3A_128 = arith.constant 64 : index
        %get3A_129 = tpu.vector_load %arg12[%get3A_127, %get3A_128] {strides = array<i32>} : memref<128x128xf32, #tpu.memory_space<vmem>>, vector<16xf32>,
        %add3A_130 = arith.addf %get3A_126, %get3A_129 : vector<16xf32>
        %swap3A_131 = arith.index_cast %scan3A_83 : i32 to index
        %swap3A_132 = arith.constant 64 : index
        %swap3A_133 = tpu.vector_load %arg11[%swap3A_131, %swap3A_132] {strides = array<i32>} : memref<128x128xf32, #tpu.memory_space<vmem>>, vector<16xf32>,
        tpu.vector_store %arg11[%swap3A_131, %swap3A_132], %add3A_130 {strides = array<i32>} : memref<128x128xf32, #tpu.memory_space<vmem>>, vector<16xf32>,
        %get3A_134 = arith.index_cast %scan3A_83 : i32 to index
        %get3A_135 = arith.constant 80 : index
        %get3A_136 = tpu.vector_load %arg11[%get3A_134, %get3A_135] {strides = array<i32>} : memref<128x128xf32, #tpu.memory_space<vmem>>, vector<16xf32>,
        %get3A_137 = arith.index_cast %scan3A_83 : i32 to index
        %get3A_138 = arith.constant 80 : index
        %get3A_139 = tpu.vector_load %arg12[%get3A_137, %get3A_138] {strides = array<i32>} : memref<128x128xf32, #tpu.memory_space<vmem>>, vector<16xf32>,
        %add3A_140 = arith.addf %get3A_136, %get3A_139 : vector<16xf32>
        %swap3A_141 = arith.index_cast %scan3A_83 : i32 to index
        %swap3A_142 = arith.constant 80 : index
        %swap3A_143 = tpu.vector_load %arg11[%swap3A_141, %swap3A_142] {strides = array<i32>} : memref<128x128xf32, #tpu.memory_space<vmem>>, vector<16xf32>,
        tpu.vector_store %arg11[%swap3A_141, %swap3A_142], %add3A_140 {strides = array<i32>} : memref<128x128xf32, #tpu.memory_space<vmem>>, vector<16xf32>,
        %get3A_144 = arith.index_cast %scan3A_83 : i32 to index
        %get3A_145 = arith.constant 96 : index
        %get3A_146 = tpu.vector_load %arg11[%get3A_144, %get3A_145] {strides = array<i32>} : memref<128x128xf32, #tpu.memory_space<vmem>>, vector<16xf32>,
        %get3A_147 = arith.index_cast %scan3A_83 : i32 to index
        %get3A_148 = arith.constant 96 : index
        %get3A_149 = tpu.vector_load %arg12[%get3A_147, %get3A_148] {strides = array<i32>} : memref<128x128xf32, #tpu.memory_space<vmem>>, vector<16xf32>,
        %add3A_150 = arith.addf %get3A_146, %get3A_149 : vector<16xf32>
        %swap3A_151 = arith.index_cast %scan3A_83 : i32 to index
        %swap3A_152 = arith.constant 96 : index
        %swap3A_153 = tpu.vector_load %arg11[%swap3A_151, %swap3A_152] {strides = array<i32>} : memref<128x128xf32, #tpu.memory_space<vmem>>, vector<16xf32>,
        tpu.vector_store %arg11[%swap3A_151, %swap3A_152], %add3A_150 {strides = array<i32>} : memref<128x128xf32, #tpu.memory_space<vmem>>, vector<16xf32>,
        %get3A_154 = arith.index_cast %scan3A_83 : i32 to index
        %get3A_155 = arith.constant 112 : index
        %get3A_156 = tpu.vector_load %arg11[%get3A_154, %get3A_155] {strides = array<i32>} : memref<128x128xf32, #tpu.memory_space<vmem>>, vector<16xf32>,
        %get3A_157 = arith.index_cast %scan3A_83 : i32 to index
        %get3A_158 = arith.constant 112 : index
        %get3A_159 = tpu.vector_load %arg12[%get3A_157, %get3A_158] {strides = array<i32>} : memref<128x128xf32, #tpu.memory_space<vmem>>, vector<16xf32>,
        %add3A_160 = arith.addf %get3A_156, %get3A_159 : vector<16xf32>
        %swap3A_161 = arith.index_cast %scan3A_83 : i32 to index
        %swap3A_162 = arith.constant 112 : index
        %swap3A_163 = tpu.vector_load %arg11[%swap3A_161, %swap3A_162] {strides = array<i32>} : memref<128x128xf32, #tpu.memory_space<vmem>>, vector<16xf32>,
        tpu.vector_store %arg11[%swap3A_161, %swap3A_162], %add3A_160 {strides = array<i32>} : memref<128x128xf32, #tpu.memory_space<vmem>>, vector<16xf32>,
        %scan3A_164 = arith.constant 0 : i32
        scf.yield %scan3A_164 : i32
      }
      %scan3A_81 = arith.constant 128 : i32
      "tpu.region"() ({
        %run_scoped3A = tpu.sem_alloc : memref<!tpu.dma_semaphore, #tpu.memory_space<semaphore_mem>>
        %dma_start3A_83 = arith.constant 0 : i32
        %dma_start3A_84 = tpu.memref_slice %arg7[%mul3A_65, %dma_start3A_83] : memref<1280000x128xf32, #tpu.memory_space<hbm>> -> memref<128x128xf32, #tpu.memory_space<hbm>>
        %dma_start3A_85 = arith.constant 0 : i32
        %dma_start3A_86 = tpu.memref_slice %arg7[%mul3A_65, %dma_start3A_85] : memref<1280000x128xf32, #tpu.memory_space<hbm>> -> memref<128x128xf32, #tpu.memory_space<hbm>>
        tpu.enqueue_dma source(%arg11 : memref<128x128xf32, #tpu.memory_space<vmem>>) target(%dma_start3A_86 : memref<128x128xf32, #tpu.memory_space<hbm>>) target_semaphore(%run_scoped3A : memref<!tpu.dma_semaphore, #tpu.memory_space<semaphore_mem>>)
        %dma_wait3A_87 = arith.constant 0 : i32
        %dma_wait3A_88 = tpu.memref_slice %arg7[%mul3A_65, %dma_wait3A_87] : memref<1280000x128xf32, #tpu.memory_space<hbm>> -> memref<128x128xf32, #tpu.memory_space<hbm>>
        %dma_wait3A_89 = arith.constant 0 : i32
        %dma_wait3A_90 = tpu.memref_slice %arg7[%mul3A_65, %dma_wait3A_89] : memref<1280000x128xf32, #tpu.memory_space<hbm>> -> memref<128x128xf32, #tpu.memory_space<hbm>>
        tpu.wait_dma2 semaphore(%run_scoped3A : memref<!tpu.dma_semaphore, #tpu.memory_space<semaphore_mem>>) src(%arg11 : memref<128x128xf32, #tpu.memory_space<vmem>>) dst(%dma_wait3A_90 : memref<128x128xf32, #tpu.memory_space<hbm>>)
        tpu.yield
      }) : () -> ()
      %while3A_82 = arith.constant 0 : i32
      scf.yield %while3A_82 : i32
    }
    %while3A_57 = arith.constant 1 : i32
    %while3A_58 = scf.for %while3A_59 = %while3A_54 to %while3A_50 step %while3A_57 iter_args(%while3A_60 = %while3A_56) -> (i32)  : i32 {
      %mul3A_61 = arith.constant 32 : i32
      %mul3A_62 = arith.muli %while3A_59, %mul3A_61 : i32
      %add3A_63 = arith.addi %add3A, %mul3A_62 : i32
      %mul3A_64 = arith.constant 128 : i32
      %mul3A_65 = arith.muli %add3A_63, %mul3A_64 : i32
      "tpu.region"() ({
        %run_scoped3A = tpu.sem_alloc : memref<!tpu.dma_semaphore, #tpu.memory_space<semaphore_mem>>
        %dma_start3A_83 = tpu.memref_slice %arg4[%mul3A_65] : memref<1280000xi32, #tpu.memory_space<hbm>> -> memref<128xi32, #tpu.memory_space<hbm>>
        %dma_start3A_84 = tpu.memref_slice %arg4[%mul3A_65] : memref<1280000xi32, #tpu.memory_space<hbm>> -> memref<128xi32, #tpu.memory_space<hbm>>
        tpu.enqueue_dma source(%dma_start3A_84 : memref<128xi32, #tpu.memory_space<hbm>>) target(%arg9 : memref<128xi32, #tpu.memory_space<vmem>>) target_semaphore(%run_scoped3A : memref<!tpu.dma_semaphore, #tpu.memory_space<semaphore_mem>>)
        %dma_wait3A_85 = tpu.memref_slice %arg4[%mul3A_65] : memref<1280000xi32, #tpu.memory_space<hbm>> -> memref<128xi32, #tpu.memory_space<hbm>>
        %dma_wait3A_86 = tpu.memref_slice %arg4[%mul3A_65] : memref<1280000xi32, #tpu.memory_space<hbm>> -> memref<128xi32, #tpu.memory_space<hbm>>
        tpu.wait_dma2 semaphore(%run_scoped3A : memref<!tpu.dma_semaphore, #tpu.memory_space<semaphore_mem>>) src(%dma_wait3A_86 : memref<128xi32, #tpu.memory_space<hbm>>) dst(%arg9 : memref<128xi32, #tpu.memory_space<vmem>>)
        tpu.yield
      }) : () -> ()
      "tpu.region"() ({
        %run_scoped3A = tpu.sem_alloc : memref<!tpu.dma_semaphore, #tpu.memory_space<semaphore_mem>>
        %dma_start3A_83 = tpu.memref_slice %arg5[%mul3A_65] : memref<1280000xi32, #tpu.memory_space<hbm>> -> memref<128xi32, #tpu.memory_space<hbm>>
        %dma_start3A_84 = tpu.memref_slice %arg5[%mul3A_65] : memref<1280000xi32, #tpu.memory_space<hbm>> -> memref<128xi32, #tpu.memory_space<hbm>>
        tpu.enqueue_dma source(%dma_start3A_84 : memref<128xi32, #tpu.memory_space<hbm>>) target(%arg10 : memref<128xi32, #tpu.memory_space<vmem>>) target_semaphore(%run_scoped3A : memref<!tpu.dma_semaphore, #tpu.memory_space<semaphore_mem>>)
        %dma_wait3A_85 = tpu.memref_slice %arg5[%mul3A_65] : memref<1280000xi32, #tpu.memory_space<hbm>> -> memref<128xi32, #tpu.memory_space<hbm>>
        %dma_wait3A_86 = tpu.memref_slice %arg5[%mul3A_65] : memref<1280000xi32, #tpu.memory_space<hbm>> -> memref<128xi32, #tpu.memory_space<hbm>>
        tpu.wait_dma2 semaphore(%run_scoped3A : memref<!tpu.dma_semaphore, #tpu.memory_space<semaphore_mem>>) src(%dma_wait3A_86 : memref<128xi32, #tpu.memory_space<hbm>>) dst(%arg10 : memref<128xi32, #tpu.memory_space<vmem>>)
        tpu.yield
      }) : () -> ()
      %dma_start3A = arith.constant 0 : i32
      %dma_start3A_66 = arith.constant 0 : i32
      %dma_start3A_67 = tpu.memref_slice %arg2[%dma_start3A, %dma_start3A_66] : memref<40000x128xf32, #tpu.memory_space<hbm>> -> memref<40000x128xf32, #tpu.memory_space<hbm>>
      tpu.enqueue_indirect_dma source(%dma_start3A_67 : memref<40000x128xf32, #tpu.memory_space<hbm>>) target(%arg11 : memref<128x128xf32, #tpu.memory_space<vmem>>) offsets(%arg9 : memref<128xi32, #tpu.memory_space<vmem>>) semaphore(%arg13 : memref<!tpu.dma_semaphore, #tpu.memory_space<semaphore_mem>>)
      %dma_start3A_68 = arith.constant 0 : i32
      %dma_start3A_69 = arith.constant 0 : i32
      %dma_start3A_70 = tpu.memref_slice %arg3[%dma_start3A_68, %dma_start3A_69] : memref<40000x128xf32, #tpu.memory_space<hbm>> -> memref<40000x128xf32, #tpu.memory_space<hbm>>
      tpu.enqueue_indirect_dma source(%dma_start3A_70 : memref<40000x128xf32, #tpu.memory_space<hbm>>) target(%arg12 : memref<128x128xf32, #tpu.memory_space<vmem>>) offsets(%arg10 : memref<128xi32, #tpu.memory_space<vmem>>) semaphore(%arg14 : memref<!tpu.dma_semaphore, #tpu.memory_space<semaphore_mem>>)
      %dma_wait3A = arith.constant 0 : i32
      %dma_wait3A_71 = arith.constant 0 : i32
      %dma_wait3A_72 = tpu.memref_slice %arg2[%dma_wait3A, %dma_wait3A_71] : memref<40000x128xf32, #tpu.memory_space<hbm>> -> memref<40000x128xf32, #tpu.memory_space<hbm>>
      tpu.wait_indirect_dma semaphore(%arg13 : memref<!tpu.dma_semaphore, #tpu.memory_space<semaphore_mem>>) src(%dma_wait3A_72 : memref<40000x128xf32, #tpu.memory_space<hbm>>) dst(%arg11 : memref<128x128xf32, #tpu.memory_space<vmem>>)
      %dma_wait3A_73 = arith.constant 0 : i32
      %dma_wait3A_74 = arith.constant 0 : i32
      %dma_wait3A_75 = tpu.memref_slice %arg3[%dma_wait3A_73, %dma_wait3A_74] : memref<40000x128xf32, #tpu.memory_space<hbm>> -> memref<40000x128xf32, #tpu.memory_space<hbm>>
      tpu.wait_indirect_dma semaphore(%arg14 : memref<!tpu.dma_semaphore, #tpu.memory_space<semaphore_mem>>) src(%dma_wait3A_75 : memref<40000x128xf32, #tpu.memory_space<hbm>>) dst(%arg12 : memref<128x128xf32, #tpu.memory_space<vmem>>)
      %scan3A = arith.constant 0 : i32
      %scan3A_76 = arith.constant 0 : i32
      %scan3A_77 = arith.constant 128 : i32
      %scan3A_78 = arith.addi %scan3A_76, %scan3A_77 : i32
      %scan3A_79 = arith.constant 1 : i32
      %scan3A_80 = scf.for %scan3A_83 = %scan3A_76 to %scan3A_78 step %scan3A_79 iter_args(%scan3A_84 = %scan3A) -> (i32)  : i32 {
        %get3A_85 = arith.index_cast %scan3A_83 : i32 to index
        %get3A_86 = arith.constant 0 : index
        %get3A_87 = tpu.vector_load %arg11[%get3A_85, %get3A_86] {strides = array<i32>} : memref<128x128xf32, #tpu.memory_space<vmem>>, vector<16xf32>,
        %get3A_88 = arith.index_cast %scan3A_83 : i32 to index
        %get3A_89 = arith.constant 0 : index
        %get3A_90 = tpu.vector_load %arg12[%get3A_88, %get3A_89] {strides = array<i32>} : memref<128x128xf32, #tpu.memory_space<vmem>>, vector<16xf32>,
        %add3A_91 = arith.addf %get3A_87, %get3A_90 : vector<16xf32>
        %swap3A = arith.index_cast %scan3A_83 : i32 to index
        %swap3A_92 = arith.constant 0 : index
        %swap3A_93 = tpu.vector_load %arg11[%swap3A, %swap3A_92] {strides = array<i32>} : memref<128x128xf32, #tpu.memory_space<vmem>>, vector<16xf32>,
        tpu.vector_store %arg11[%swap3A, %swap3A_92], %add3A_91 {strides = array<i32>} : memref<128x128xf32, #tpu.memory_space<vmem>>, vector<16xf32>,
        %get3A_94 = arith.index_cast %scan3A_83 : i32 to index
        %get3A_95 = arith.constant 16 : index
        %get3A_96 = tpu.vector_load %arg11[%get3A_94, %get3A_95] {strides = array<i32>} : memref<128x128xf32, #tpu.memory_space<vmem>>, vector<16xf32>,
        %get3A_97 = arith.index_cast %scan3A_83 : i32 to index
        %get3A_98 = arith.constant 16 : index
        %get3A_99 = tpu.vector_load %arg12[%get3A_97, %get3A_98] {strides = array<i32>} : memref<128x128xf32, #tpu.memory_space<vmem>>, vector<16xf32>,
        %add3A_100 = arith.addf %get3A_96, %get3A_99 : vector<16xf32>
        %swap3A_101 = arith.index_cast %scan3A_83 : i32 to index
        %swap3A_102 = arith.constant 16 : index
        %swap3A_103 = tpu.vector_load %arg11[%swap3A_101, %swap3A_102] {strides = array<i32>} : memref<128x128xf32, #tpu.memory_space<vmem>>, vector<16xf32>,
        tpu.vector_store %arg11[%swap3A_101, %swap3A_102], %add3A_100 {strides = array<i32>} : memref<128x128xf32, #tpu.memory_space<vmem>>, vector<16xf32>,
        %get3A_104 = arith.index_cast %scan3A_83 : i32 to index
        %get3A_105 = arith.constant 32 : index
        %get3A_106 = tpu.vector_load %arg11[%get3A_104, %get3A_105] {strides = array<i32>} : memref<128x128xf32, #tpu.memory_space<vmem>>, vector<16xf32>,
        %get3A_107 = arith.index_cast %scan3A_83 : i32 to index
        %get3A_108 = arith.constant 32 : index
        %get3A_109 = tpu.vector_load %arg12[%get3A_107, %get3A_108] {strides = array<i32>} : memref<128x128xf32, #tpu.memory_space<vmem>>, vector<16xf32>,
        %add3A_110 = arith.addf %get3A_106, %get3A_109 : vector<16xf32>
        %swap3A_111 = arith.index_cast %scan3A_83 : i32 to index
        %swap3A_112 = arith.constant 32 : index
        %swap3A_113 = tpu.vector_load %arg11[%swap3A_111, %swap3A_112] {strides = array<i32>} : memref<128x128xf32, #tpu.memory_space<vmem>>, vector<16xf32>,
        tpu.vector_store %arg11[%swap3A_111, %swap3A_112], %add3A_110 {strides = array<i32>} : memref<128x128xf32, #tpu.memory_space<vmem>>, vector<16xf32>,
        %get3A_114 = arith.index_cast %scan3A_83 : i32 to index
        %get3A_115 = arith.constant 48 : index
        %get3A_116 = tpu.vector_load %arg11[%get3A_114, %get3A_115] {strides = array<i32>} : memref<128x128xf32, #tpu.memory_space<vmem>>, vector<16xf32>,
        %get3A_117 = arith.index_cast %scan3A_83 : i32 to index
        %get3A_118 = arith.constant 48 : index
        %get3A_119 = tpu.vector_load %arg12[%get3A_117, %get3A_118] {strides = array<i32>} : memref<128x128xf32, #tpu.memory_space<vmem>>, vector<16xf32>,
        %add3A_120 = arith.addf %get3A_116, %get3A_119 : vector<16xf32>
        %swap3A_121 = arith.index_cast %scan3A_83 : i32 to index
        %swap3A_122 = arith.constant 48 : index
        %swap3A_123 = tpu.vector_load %arg11[%swap3A_121, %swap3A_122] {strides = array<i32>} : memref<128x128xf32, #tpu.memory_space<vmem>>, vector<16xf32>,
        tpu.vector_store %arg11[%swap3A_121, %swap3A_122], %add3A_120 {strides = array<i32>} : memref<128x128xf32, #tpu.memory_space<vmem>>, vector<16xf32>,
        %get3A_124 = arith.index_cast %scan3A_83 : i32 to index
        %get3A_125 = arith.constant 64 : index
        %get3A_126 = tpu.vector_load %arg11[%get3A_124, %get3A_125] {strides = array<i32>} : memref<128x128xf32, #tpu.memory_space<vmem>>, vector<16xf32>,
        %get3A_127 = arith.index_cast %scan3A_83 : i32 to index
        %get3A_128 = arith.constant 64 : index
        %get3A_129 = tpu.vector_load %arg12[%get3A_127, %get3A_128] {strides = array<i32>} : memref<128x128xf32, #tpu.memory_space<vmem>>, vector<16xf32>,
        %add3A_130 = arith.addf %get3A_126, %get3A_129 : vector<16xf32>
        %swap3A_131 = arith.index_cast %scan3A_83 : i32 to index
        %swap3A_132 = arith.constant 64 : index
        %swap3A_133 = tpu.vector_load %arg11[%swap3A_131, %swap3A_132] {strides = array<i32>} : memref<128x128xf32, #tpu.memory_space<vmem>>, vector<16xf32>,
        tpu.vector_store %arg11[%swap3A_131, %swap3A_132], %add3A_130 {strides = array<i32>} : memref<128x128xf32, #tpu.memory_space<vmem>>, vector<16xf32>,
        %get3A_134 = arith.index_cast %scan3A_83 : i32 to index
        %get3A_135 = arith.constant 80 : index
        %get3A_136 = tpu.vector_load %arg11[%get3A_134, %get3A_135] {strides = array<i32>} : memref<128x128xf32, #tpu.memory_space<vmem>>, vector<16xf32>,
        %get3A_137 = arith.index_cast %scan3A_83 : i32 to index
        %get3A_138 = arith.constant 80 : index
        %get3A_139 = tpu.vector_load %arg12[%get3A_137, %get3A_138] {strides = array<i32>} : memref<128x128xf32, #tpu.memory_space<vmem>>, vector<16xf32>,
        %add3A_140 = arith.addf %get3A_136, %get3A_139 : vector<16xf32>
        %swap3A_141 = arith.index_cast %scan3A_83 : i32 to index
        %swap3A_142 = arith.constant 80 : index
        %swap3A_143 = tpu.vector_load %arg11[%swap3A_141, %swap3A_142] {strides = array<i32>} : memref<128x128xf32, #tpu.memory_space<vmem>>, vector<16xf32>,
        tpu.vector_store %arg11[%swap3A_141, %swap3A_142], %add3A_140 {strides = array<i32>} : memref<128x128xf32, #tpu.memory_space<vmem>>, vector<16xf32>,
        %get3A_144 = arith.index_cast %scan3A_83 : i32 to index
        %get3A_145 = arith.constant 96 : index
        %get3A_146 = tpu.vector_load %arg11[%get3A_144, %get3A_145] {strides = array<i32>} : memref<128x128xf32, #tpu.memory_space<vmem>>, vector<16xf32>,
        %get3A_147 = arith.index_cast %scan3A_83 : i32 to index
        %get3A_148 = arith.constant 96 : index
        %get3A_149 = tpu.vector_load %arg12[%get3A_147, %get3A_148] {strides = array<i32>} : memref<128x128xf32, #tpu.memory_space<vmem>>, vector<16xf32>,
        %add3A_150 = arith.addf %get3A_146, %get3A_149 : vector<16xf32>
        %swap3A_151 = arith.index_cast %scan3A_83 : i32 to index
        %swap3A_152 = arith.constant 96 : index
        %swap3A_153 = tpu.vector_load %arg11[%swap3A_151, %swap3A_152] {strides = array<i32>} : memref<128x128xf32, #tpu.memory_space<vmem>>, vector<16xf32>,
        tpu.vector_store %arg11[%swap3A_151, %swap3A_152], %add3A_150 {strides = array<i32>} : memref<128x128xf32, #tpu.memory_space<vmem>>, vector<16xf32>,
        %get3A_154 = arith.index_cast %scan3A_83 : i32 to index
        %get3A_155 = arith.constant 112 : index
        %get3A_156 = tpu.vector_load %arg11[%get3A_154, %get3A_155] {strides = array<i32>} : memref<128x128xf32, #tpu.memory_space<vmem>>, vector<16xf32>,
        %get3A_157 = arith.index_cast %scan3A_83 : i32 to index
        %get3A_158 = arith.constant 112 : index
        %get3A_159 = tpu.vector_load %arg12[%get3A_157, %get3A_158] {strides = array<i32>} : memref<128x128xf32, #tpu.memory_space<vmem>>, vector<16xf32>,
        %add3A_160 = arith.addf %get3A_156, %get3A_159 : vector<16xf32>
        %swap3A_161 = arith.index_cast %scan3A_83 : i32 to index
        %swap3A_162 = arith.constant 112 : index
        %swap3A_163 = tpu.vector_load %arg11[%swap3A_161, %swap3A_162] {strides = array<i32>} : memref<128x128xf32, #tpu.memory_space<vmem>>, vector<16xf32>,
        tpu.vector_store %arg11[%swap3A_161, %swap3A_162], %add3A_160 {strides = array<i32>} : memref<128x128xf32, #tpu.memory_space<vmem>>, vector<16xf32>,
        %scan3A_164 = arith.constant 0 : i32
        scf.yield %scan3A_164 : i32
      }
      %scan3A_81 = arith.constant 128 : i32
      "tpu.region"() ({
        %run_scoped3A = tpu.sem_alloc : memref<!tpu.dma_semaphore, #tpu.memory_space<semaphore_mem>>
        %dma_start3A_83 = arith.constant 0 : i32
        %dma_start3A_84 = tpu.memref_slice %arg7[%mul3A_65, %dma_start3A_83] : memref<1280000x128xf32, #tpu.memory_space<hbm>> -> memref<128x128xf32, #tpu.memory_space<hbm>>
        %dma_start3A_85 = arith.constant 0 : i32
        %dma_start3A_86 = tpu.memref_slice %arg7[%mul3A_65, %dma_start3A_85] : memref<1280000x128xf32, #tpu.memory_space<hbm>> -> memref<128x128xf32, #tpu.memory_space<hbm>>
        tpu.enqueue_dma source(%arg11 : memref<128x128xf32, #tpu.memory_space<vmem>>) target(%dma_start3A_86 : memref<128x128xf32, #tpu.memory_space<hbm>>) target_semaphore(%run_scoped3A : memref<!tpu.dma_semaphore, #tpu.memory_space<semaphore_mem>>)
        %dma_wait3A_87 = arith.constant 0 : i32
        %dma_wait3A_88 = tpu.memref_slice %arg7[%mul3A_65, %dma_wait3A_87] : memref<1280000x128xf32, #tpu.memory_space<hbm>> -> memref<128x128xf32, #tpu.memory_space<hbm>>
        %dma_wait3A_89 = arith.constant 0 : i32
        %dma_wait3A_90 = tpu.memref_slice %arg7[%mul3A_65, %dma_wait3A_89] : memref<1280000x128xf32, #tpu.memory_space<hbm>> -> memref<128x128xf32, #tpu.memory_space<hbm>>
        tpu.wait_dma2 semaphore(%run_scoped3A : memref<!tpu.dma_semaphore, #tpu.memory_space<semaphore_mem>>) src(%arg11 : memref<128x128xf32, #tpu.memory_space<vmem>>) dst(%dma_wait3A_90 : memref<128x128xf32, #tpu.memory_space<hbm>>)
        tpu.yield
      }) : () -> ()
      %while3A_82 = arith.constant 0 : i32
      scf.yield %while3A_82 : i32
    }
    return
  }
}

#map = affine_map<(d0, d1) -> (0, 0)>
#map1 = affine_map<(d0, d1) -> (0)>
#map2 = affine_map<(d0, d1) -> (0, 0, 0)>
module attributes {stable_mosaic.version = 14 : i64} {
  func.func @k(%arg0: i32, %arg1: i32, %arg2: memref<10000x128xf32, #tpu.memory_space<hbm>>, %arg3: memref<1280000xi32, #tpu.memory_space<hbm>>, %arg4: memref<1280000xi32, #tpu.memory_space<hbm>>, %arg5: memref<1280000xi32, #tpu.memory_space<hbm>>, %arg6: memref<20000xf32, #tpu.memory_space<hbm>>, %arg7: memref<16xi32, #tpu.memory_space<hbm>>, %arg8: memref<5120x128xf32, #tpu.memory_space<hbm>>, %arg9: memref<2x5120x128xf32, #tpu.memory_space<hbm>>, %arg10: memref<16xi32, #tpu.memory_space<vmem>>, %arg11: memref<128xi32, #tpu.memory_space<vmem>>, %arg12: memref<128xi32, #tpu.memory_space<vmem>>, %arg13: memref<128xi32, #tpu.memory_space<vmem>>, %arg14: memref<128xf32, #tpu.memory_space<vmem>>, %arg15: memref<128x128xf32, #tpu.memory_space<vmem>>, %arg16: memref<20000xf32, #tpu.memory_space<vmem>>, %arg17: memref<5120x128xf32, #tpu.memory_space<vmem_shared>>) attributes {dimension_semantics = [#tpu.dimension_semantics<core_parallel>, #tpu.dimension_semantics<subcore_parallel>], iteration_bounds = array<i64: 2, 16>, scalar_prefetch = 0 : i64, scratch_operands = 8 : i64, tpu.core_type = #tpu.core_type<sc_vector_subcore>, window_params = [{transform_indices = #map}, {transform_indices = #map1}, {transform_indices = #map1}, {transform_indices = #map1}, {transform_indices = #map1}, {transform_indices = #map1}, {transform_indices = #map}, {transform_indices = #map2}]} {
    %mul3A = arith.constant 2 : i32
    %mul3A_0 = arith.muli %arg1, %mul3A : i32
    %add3A = arith.addi %mul3A_0, %arg0 : i32
    "tpu.region"() ({
      %run_scoped3A = tpu.sem_alloc : memref<!tpu.dma_semaphore, #tpu.memory_space<semaphore_mem>>
      tpu.enqueue_dma source(%arg7 : memref<16xi32, #tpu.memory_space<hbm>>) target(%arg10 : memref<16xi32, #tpu.memory_space<vmem>>) target_semaphore(%run_scoped3A : memref<!tpu.dma_semaphore, #tpu.memory_space<semaphore_mem>>)
      tpu.wait_dma2 semaphore(%run_scoped3A : memref<!tpu.dma_semaphore, #tpu.memory_space<semaphore_mem>>) src(%arg7 : memref<16xi32, #tpu.memory_space<hbm>>) dst(%arg10 : memref<16xi32, #tpu.memory_space<vmem>>)
      tpu.yield
    }) : () -> ()
    %get3A = arith.constant 0 : index
    %get3A_1 = tpu.vector_load %arg10[%get3A] {strides = array<i32>} : memref<16xi32, #tpu.memory_space<vmem>>, vector<16xi32>,
    %slice3A = vector.extract_strided_slice %get3A_1 {offsets = [0], sizes = [1], strides = [1]} : vector<16xi32> to vector<1xi32>
    %squeeze3A = vector.extract %slice3A[0] : i32 from vector<1xi32>
    "tpu.region"() ({
      %run_scoped3A = tpu.sem_alloc : memref<!tpu.dma_semaphore, #tpu.memory_space<semaphore_mem>>
      tpu.enqueue_dma source(%arg6 : memref<20000xf32, #tpu.memory_space<hbm>>) target(%arg16 : memref<20000xf32, #tpu.memory_space<vmem>>) target_semaphore(%run_scoped3A : memref<!tpu.dma_semaphore, #tpu.memory_space<semaphore_mem>>)
      tpu.wait_dma2 semaphore(%run_scoped3A : memref<!tpu.dma_semaphore, #tpu.memory_space<semaphore_mem>>) src(%arg6 : memref<20000xf32, #tpu.memory_space<hbm>>) dst(%arg16 : memref<20000xf32, #tpu.memory_space<vmem>>)
      tpu.yield
    }) : () -> ()
    %mul3A_2 = arith.constant 320 : i32
    %mul3A_3 = arith.muli %arg1, %mul3A_2 : i32
    %mul3A_4 = arith.constant 320 : i32
    %mul3A_5 = arith.muli %arg1, %mul3A_4 : i32
    "tpu.region"() ({
      %run_scoped3A = tpu.sem_alloc : memref<!tpu.dma_semaphore, #tpu.memory_space<semaphore_mem>>
      %dma_start3A = arith.constant 0 : i32
      %dma_start3A_112 = tpu.memref_slice %arg17[%mul3A_5, %dma_start3A] : memref<5120x128xf32, #tpu.memory_space<vmem_shared>> -> memref<320x128xf32, #tpu.memory_space<vmem_shared>>
      %dma_start3A_113 = arith.constant 0 : i32
      %dma_start3A_114 = tpu.memref_slice %arg8[%mul3A_3, %dma_start3A_113] : memref<5120x128xf32, #tpu.memory_space<hbm>> -> memref<320x128xf32, #tpu.memory_space<hbm>>
      tpu.enqueue_dma source(%dma_start3A_114 : memref<320x128xf32, #tpu.memory_space<hbm>>) target(%dma_start3A_112 : memref<320x128xf32, #tpu.memory_space<vmem_shared>>) target_semaphore(%run_scoped3A : memref<!tpu.dma_semaphore, #tpu.memory_space<semaphore_mem>>)
      %dma_wait3A = arith.constant 0 : i32
      %dma_wait3A_115 = tpu.memref_slice %arg17[%mul3A_5, %dma_wait3A] : memref<5120x128xf32, #tpu.memory_space<vmem_shared>> -> memref<320x128xf32, #tpu.memory_space<vmem_shared>>
      %dma_wait3A_116 = arith.constant 0 : i32
      %dma_wait3A_117 = tpu.memref_slice %arg8[%mul3A_3, %dma_wait3A_116] : memref<5120x128xf32, #tpu.memory_space<hbm>> -> memref<320x128xf32, #tpu.memory_space<hbm>>
      tpu.wait_dma2 semaphore(%run_scoped3A : memref<!tpu.dma_semaphore, #tpu.memory_space<semaphore_mem>>) src(%dma_wait3A_117 : memref<320x128xf32, #tpu.memory_space<hbm>>) dst(%dma_wait3A_115 : memref<320x128xf32, #tpu.memory_space<vmem_shared>>)
      tpu.yield
    }) : () -> ()
    %iota3A = tpu.iota {dimensions = array<i32: 0>} : vector<16xi32>
    %jit3A = arith.constant 4 : i32
    %div3A = vector.broadcast %jit3A : i32 to vector<16xi32>
    %div3A_6 = arith.divsi %iota3A, %div3A : vector<16xi32>
    %sign3A = arith.constant 0 : i32
    %sign3A_7 = vector.broadcast %sign3A : i32 to vector<16xi32>
    %sign3A_8 = arith.cmpi sgt, %iota3A, %sign3A_7 : vector<16xi32>
    %sign3A_9 = arith.extui %sign3A_8 : vector<16xi1> to vector<16xi32>
    %sign3A_10 = arith.constant 0 : i32
    %sign3A_11 = vector.broadcast %sign3A_10 : i32 to vector<16xi32>
    %sign3A_12 = arith.cmpi slt, %iota3A, %sign3A_11 : vector<16xi32>
    %sign3A_13 = arith.extui %sign3A_12 : vector<16xi1> to vector<16xi32>
    %sign3A_14 = arith.subi %sign3A_9, %sign3A_13 : vector<16xi32>
    %sign3A_15 = arith.constant 0 : i32
    %sign3A_16 = arith.cmpi sgt, %jit3A, %sign3A_15 : i32
    %sign3A_17 = arith.extui %sign3A_16 : i1 to i32
    %sign3A_18 = arith.constant 0 : i32
    %sign3A_19 = arith.cmpi slt, %jit3A, %sign3A_18 : i32
    %sign3A_20 = arith.extui %sign3A_19 : i1 to i32
    %sign3A_21 = arith.subi %sign3A_17, %sign3A_20 : i32
    %ne3A = vector.broadcast %sign3A_21 : i32 to vector<16xi32>
    %ne3A_22 = arith.cmpi ne, %sign3A_14, %ne3A : vector<16xi32>
    %rem3A = vector.broadcast %jit3A : i32 to vector<16xi32>
    %rem3A_23 = arith.remsi %iota3A, %rem3A : vector<16xi32>
    %ne3A_24 = arith.constant 0 : i32
    %ne3A_25 = vector.broadcast %ne3A_24 : i32 to vector<16xi32>
    %ne3A_26 = arith.cmpi ne, %rem3A_23, %ne3A_25 : vector<16xi32>
    %and3A = arith.andi %ne3A_22, %ne3A_26 : vector<16xi1>
    %sub3A = arith.constant 1 : i32
    %sub3A_27 = vector.broadcast %sub3A : i32 to vector<16xi32>
    %sub3A_28 = arith.subi %div3A_6, %sub3A_27 : vector<16xi32>
    %select_n3A = arith.select %and3A, %sub3A_28, %div3A_6 : vector<16xi1>, vector<16xi32>
    %mul3A_29 = arith.constant 4 : i32
    %mul3A_30 = vector.broadcast %mul3A_29 : i32 to vector<16xi32>
    %mul3A_31 = arith.muli %mul3A_30, %select_n3A : vector<16xi32>
    %sub3A_32 = arith.subi %iota3A, %mul3A_31 : vector<16xi32>
    %broadcast_in_dim3A = arith.constant 1.000000e+00 : f32
    %broadcast_in_dim3A_33 = vector.broadcast %broadcast_in_dim3A : f32 to vector<16xf32>
    %broadcast_in_dim3A_34 = arith.constant 0.000000e+00 : f32
    %broadcast_in_dim3A_35 = vector.broadcast %broadcast_in_dim3A_34 : f32 to vector<16xf32>
    %scan3A = arith.constant 0 : i32
    %scan3A_36 = arith.constant 0 : i32
    %scan3A_37 = arith.constant 128 : i32
    %scan3A_38 = arith.addi %scan3A_36, %scan3A_37 : i32
    %scan3A_39 = arith.constant 1 : i32
    %scan3A_40 = scf.for %scan3A_112 = %scan3A_36 to %scan3A_38 step %scan3A_39 iter_args(%scan3A_113 = %scan3A) -> (i32)  : i32 {
      %swap3A = arith.index_cast %scan3A_112 : i32 to index
      %swap3A_114 = arith.constant 16 : index
      %swap3A_115 = tpu.vector_load %arg15[%swap3A, %swap3A_114] {strides = array<i32>} : memref<128x128xf32, #tpu.memory_space<vmem>>, vector<16xf32>,
      tpu.vector_store %arg15[%swap3A, %swap3A_114], %broadcast_in_dim3A_33 {strides = array<i32>} : memref<128x128xf32, #tpu.memory_space<vmem>>, vector<16xf32>,
      %swap3A_116 = arith.index_cast %scan3A_112 : i32 to index
      %swap3A_117 = arith.constant 32 : index
      %swap3A_118 = tpu.vector_load %arg15[%swap3A_116, %swap3A_117] {strides = array<i32>} : memref<128x128xf32, #tpu.memory_space<vmem>>, vector<16xf32>,
      tpu.vector_store %arg15[%swap3A_116, %swap3A_117], %broadcast_in_dim3A_35 {strides = array<i32>} : memref<128x128xf32, #tpu.memory_space<vmem>>, vector<16xf32>,
      %swap3A_119 = arith.index_cast %scan3A_112 : i32 to index
      %swap3A_120 = arith.constant 48 : index
      %swap3A_121 = tpu.vector_load %arg15[%swap3A_119, %swap3A_120] {strides = array<i32>} : memref<128x128xf32, #tpu.memory_space<vmem>>, vector<16xf32>,
      tpu.vector_store %arg15[%swap3A_119, %swap3A_120], %broadcast_in_dim3A_35 {strides = array<i32>} : memref<128x128xf32, #tpu.memory_space<vmem>>, vector<16xf32>,
      %swap3A_122 = arith.index_cast %scan3A_112 : i32 to index
      %swap3A_123 = arith.constant 64 : index
      %swap3A_124 = tpu.vector_load %arg15[%swap3A_122, %swap3A_123] {strides = array<i32>} : memref<128x128xf32, #tpu.memory_space<vmem>>, vector<16xf32>,
      tpu.vector_store %arg15[%swap3A_122, %swap3A_123], %broadcast_in_dim3A_35 {strides = array<i32>} : memref<128x128xf32, #tpu.memory_space<vmem>>, vector<16xf32>,
      %swap3A_125 = arith.index_cast %scan3A_112 : i32 to index
      %swap3A_126 = arith.constant 80 : index
      %swap3A_127 = tpu.vector_load %arg15[%swap3A_125, %swap3A_126] {strides = array<i32>} : memref<128x128xf32, #tpu.memory_space<vmem>>, vector<16xf32>,
      tpu.vector_store %arg15[%swap3A_125, %swap3A_126], %broadcast_in_dim3A_35 {strides = array<i32>} : memref<128x128xf32, #tpu.memory_space<vmem>>, vector<16xf32>,
      %swap3A_128 = arith.index_cast %scan3A_112 : i32 to index
      %swap3A_129 = arith.constant 96 : index
      %swap3A_130 = tpu.vector_load %arg15[%swap3A_128, %swap3A_129] {strides = array<i32>} : memref<128x128xf32, #tpu.memory_space<vmem>>, vector<16xf32>,
      tpu.vector_store %arg15[%swap3A_128, %swap3A_129], %broadcast_in_dim3A_35 {strides = array<i32>} : memref<128x128xf32, #tpu.memory_space<vmem>>, vector<16xf32>,
      %swap3A_131 = arith.index_cast %scan3A_112 : i32 to index
      %swap3A_132 = arith.constant 112 : index
      %swap3A_133 = tpu.vector_load %arg15[%swap3A_131, %swap3A_132] {strides = array<i32>} : memref<128x128xf32, #tpu.memory_space<vmem>>, vector<16xf32>,
      tpu.vector_store %arg15[%swap3A_131, %swap3A_132], %broadcast_in_dim3A_35 {strides = array<i32>} : memref<128x128xf32, #tpu.memory_space<vmem>>, vector<16xf32>,
      %scan3A_134 = arith.constant 0 : i32
      scf.yield %scan3A_134 : i32
    }
    %scan3A_41 = arith.constant 128 : i32
    %barrier3A = arith.constant 0 : index
    tpu.barrier barrier_id(%barrier3A)
    %add3A_42 = arith.constant 127 : i32
    %add3A_43 = arith.addi %squeeze3A, %add3A_42 : i32
    %jit3A_44 = arith.constant 128 : i32
    %div3A_45 = arith.divsi %add3A_43, %jit3A_44 : i32
    %sign3A_46 = arith.constant 0 : i32
    %sign3A_47 = arith.cmpi sgt, %add3A_43, %sign3A_46 : i32
    %sign3A_48 = arith.extui %sign3A_47 : i1 to i32
    %sign3A_49 = arith.constant 0 : i32
    %sign3A_50 = arith.cmpi slt, %add3A_43, %sign3A_49 : i32
    %sign3A_51 = arith.extui %sign3A_50 : i1 to i32
    %sign3A_52 = arith.subi %sign3A_48, %sign3A_51 : i32
    %sign3A_53 = arith.constant 0 : i32
    %sign3A_54 = arith.cmpi sgt, %jit3A_44, %sign3A_53 : i32
    %sign3A_55 = arith.extui %sign3A_54 : i1 to i32
    %sign3A_56 = arith.constant 0 : i32
    %sign3A_57 = arith.cmpi slt, %jit3A_44, %sign3A_56 : i32
    %sign3A_58 = arith.extui %sign3A_57 : i1 to i32
    %sign3A_59 = arith.subi %sign3A_55, %sign3A_58 : i32
    %ne3A_60 = arith.cmpi ne, %sign3A_52, %sign3A_59 : i32
    %rem3A_61 = arith.remsi %add3A_43, %jit3A_44 : i32
    %ne3A_62 = arith.constant 0 : i32
    %ne3A_63 = arith.cmpi ne, %rem3A_61, %ne3A_62 : i32
    %and3A_64 = arith.andi %ne3A_60, %ne3A_63 : i1
    %sub3A_65 = arith.constant 1 : i32
    %sub3A_66 = arith.subi %div3A_45, %sub3A_65 : i32
    %select_n3A_67 = arith.select %and3A_64, %sub3A_66, %div3A_45 : i32
    %sub3A_68 = arith.subi %select_n3A_67, %add3A : i32
    %add3A_69 = arith.constant 31 : i32
    %add3A_70 = arith.addi %sub3A_68, %add3A_69 : i32
    %max3A = arith.constant 0 : i32
    %max3A_71 = arith.maxsi %add3A_70, %max3A : i32
    %jit3A_72 = arith.constant 32 : i32
    %div3A_73 = arith.divsi %max3A_71, %jit3A_72 : i32
    %sign3A_74 = arith.constant 0 : i32
    %sign3A_75 = arith.cmpi sgt, %max3A_71, %sign3A_74 : i32
    %sign3A_76 = arith.extui %sign3A_75 : i1 to i32
    %sign3A_77 = arith.constant 0 : i32
    %sign3A_78 = arith.cmpi slt, %max3A_71, %sign3A_77 : i32
    %sign3A_79 = arith.extui %sign3A_78 : i1 to i32
    %sign3A_80 = arith.subi %sign3A_76, %sign3A_79 : i32
    %sign3A_81 = arith.constant 0 : i32
    %sign3A_82 = arith.cmpi sgt, %jit3A_72, %sign3A_81 : i32
    %sign3A_83 = arith.extui %sign3A_82 : i1 to i32
    %sign3A_84 = arith.constant 0 : i32
    %sign3A_85 = arith.cmpi slt, %jit3A_72, %sign3A_84 : i32
    %sign3A_86 = arith.extui %sign3A_85 : i1 to i32
    %sign3A_87 = arith.subi %sign3A_83, %sign3A_86 : i32
    %ne3A_88 = arith.cmpi ne, %sign3A_80, %sign3A_87 : i32
    %rem3A_89 = arith.remsi %max3A_71, %jit3A_72 : i32
    %ne3A_90 = arith.constant 0 : i32
    %ne3A_91 = arith.cmpi ne, %rem3A_89, %ne3A_90 : i32
    %and3A_92 = arith.andi %ne3A_88, %ne3A_91 : i1
    %sub3A_93 = arith.constant 1 : i32
    %sub3A_94 = arith.subi %div3A_73, %sub3A_93 : i32
    %select_n3A_95 = arith.select %and3A_92, %sub3A_94, %div3A_73 : i32
    %while3A = arith.constant 0 : i32
    %while3A_96 = arith.constant 0 : i32
    %while3A_97 = arith.subi %select_n3A_95, %while3A : i32
    %while3A_98 = arith.addi %while3A, %while3A_97 : i32
    %while3A_99 = arith.constant 1 : i32
    %while3A_100 = arith.divsi %while3A_97, %while3A_99 : i32
    %while3A_101 = arith.muli %while3A_100, %while3A_99 : i32
    %while3A_102 = arith.addi %while3A, %while3A_101 : i32
    %while3A_103 = arith.constant 1 : i32
    %while3A_104 = scf.for %while3A_112 = %while3A to %while3A_102 step %while3A_103 iter_args(%while3A_113 = %while3A_96) -> (i32)  : i32 {
      %mul3A_114 = arith.constant 32 : i32
      %mul3A_115 = arith.muli %while3A_112, %mul3A_114 : i32
      %add3A_116 = arith.addi %add3A, %mul3A_115 : i32
      %mul3A_117 = arith.constant 128 : i32
      %mul3A_118 = arith.muli %add3A_116, %mul3A_117 : i32
      "tpu.region"() ({
        %run_scoped3A = tpu.sem_alloc : memref<!tpu.dma_semaphore, #tpu.memory_space<semaphore_mem>>
        %dma_start3A = tpu.memref_slice %arg3[%mul3A_118] : memref<1280000xi32, #tpu.memory_space<hbm>> -> memref<128xi32, #tpu.memory_space<hbm>>
        %dma_start3A_127 = tpu.memref_slice %arg3[%mul3A_118] : memref<1280000xi32, #tpu.memory_space<hbm>> -> memref<128xi32, #tpu.memory_space<hbm>>
        tpu.enqueue_dma source(%dma_start3A_127 : memref<128xi32, #tpu.memory_space<hbm>>) target(%arg11 : memref<128xi32, #tpu.memory_space<vmem>>) target_semaphore(%run_scoped3A : memref<!tpu.dma_semaphore, #tpu.memory_space<semaphore_mem>>)
        %dma_wait3A = tpu.memref_slice %arg3[%mul3A_118] : memref<1280000xi32, #tpu.memory_space<hbm>> -> memref<128xi32, #tpu.memory_space<hbm>>
        %dma_wait3A_128 = tpu.memref_slice %arg3[%mul3A_118] : memref<1280000xi32, #tpu.memory_space<hbm>> -> memref<128xi32, #tpu.memory_space<hbm>>
        tpu.wait_dma2 semaphore(%run_scoped3A : memref<!tpu.dma_semaphore, #tpu.memory_space<semaphore_mem>>) src(%dma_wait3A_128 : memref<128xi32, #tpu.memory_space<hbm>>) dst(%arg11 : memref<128xi32, #tpu.memory_space<vmem>>)
        tpu.yield
      }) : () -> ()
      "tpu.region"() ({
        %run_scoped3A = tpu.sem_alloc : memref<!tpu.dma_semaphore, #tpu.memory_space<semaphore_mem>>
        %dma_start3A = tpu.memref_slice %arg4[%mul3A_118] : memref<1280000xi32, #tpu.memory_space<hbm>> -> memref<128xi32, #tpu.memory_space<hbm>>
        %dma_start3A_127 = tpu.memref_slice %arg4[%mul3A_118] : memref<1280000xi32, #tpu.memory_space<hbm>> -> memref<128xi32, #tpu.memory_space<hbm>>
        tpu.enqueue_dma source(%dma_start3A_127 : memref<128xi32, #tpu.memory_space<hbm>>) target(%arg12 : memref<128xi32, #tpu.memory_space<vmem>>) target_semaphore(%run_scoped3A : memref<!tpu.dma_semaphore, #tpu.memory_space<semaphore_mem>>)
        %dma_wait3A = tpu.memref_slice %arg4[%mul3A_118] : memref<1280000xi32, #tpu.memory_space<hbm>> -> memref<128xi32, #tpu.memory_space<hbm>>
        %dma_wait3A_128 = tpu.memref_slice %arg4[%mul3A_118] : memref<1280000xi32, #tpu.memory_space<hbm>> -> memref<128xi32, #tpu.memory_space<hbm>>
        tpu.wait_dma2 semaphore(%run_scoped3A : memref<!tpu.dma_semaphore, #tpu.memory_space<semaphore_mem>>) src(%dma_wait3A_128 : memref<128xi32, #tpu.memory_space<hbm>>) dst(%arg12 : memref<128xi32, #tpu.memory_space<vmem>>)
        tpu.yield
      }) : () -> ()
      "tpu.region"() ({
        %run_scoped3A = tpu.sem_alloc : memref<!tpu.dma_semaphore, #tpu.memory_space<semaphore_mem>>
        %dma_start3A = tpu.memref_slice %arg5[%mul3A_118] : memref<1280000xi32, #tpu.memory_space<hbm>> -> memref<128xi32, #tpu.memory_space<hbm>>
        %dma_start3A_127 = tpu.memref_slice %arg5[%mul3A_118] : memref<1280000xi32, #tpu.memory_space<hbm>> -> memref<128xi32, #tpu.memory_space<hbm>>
        tpu.enqueue_dma source(%dma_start3A_127 : memref<128xi32, #tpu.memory_space<hbm>>) target(%arg13 : memref<128xi32, #tpu.memory_space<vmem>>) target_semaphore(%run_scoped3A : memref<!tpu.dma_semaphore, #tpu.memory_space<semaphore_mem>>)
        %dma_wait3A = tpu.memref_slice %arg5[%mul3A_118] : memref<1280000xi32, #tpu.memory_space<hbm>> -> memref<128xi32, #tpu.memory_space<hbm>>
        %dma_wait3A_128 = tpu.memref_slice %arg5[%mul3A_118] : memref<1280000xi32, #tpu.memory_space<hbm>> -> memref<128xi32, #tpu.memory_space<hbm>>
        tpu.wait_dma2 semaphore(%run_scoped3A : memref<!tpu.dma_semaphore, #tpu.memory_space<semaphore_mem>>) src(%dma_wait3A_128 : memref<128xi32, #tpu.memory_space<hbm>>) dst(%arg13 : memref<128xi32, #tpu.memory_space<vmem>>)
        tpu.yield
      }) : () -> ()
      "tpu.region"() ({
        %run_scoped3A = tpu.sem_alloc : memref<!tpu.dma_semaphore, #tpu.memory_space<semaphore_mem>>
        %dma_start3A = arith.constant 0 : i32
        %dma_start3A_127 = tpu.memref_slice %arg2[%add3A_116, %dma_start3A] : memref<10000x128xf32, #tpu.memory_space<hbm>> -> memref<1x128xf32, #tpu.memory_space<hbm>>
        %dma_start3A_128 = tpu.memref_squeeze %dma_start3A_127 : memref<1x128xf32, #tpu.memory_space<hbm>> -> memref<128xf32, #tpu.memory_space<hbm>>
        %dma_start3A_129 = arith.constant 0 : i32
        %dma_start3A_130 = tpu.memref_slice %arg2[%add3A_116, %dma_start3A_129] : memref<10000x128xf32, #tpu.memory_space<hbm>> -> memref<1x128xf32, #tpu.memory_space<hbm>>
        %dma_start3A_131 = tpu.memref_squeeze %dma_start3A_130 : memref<1x128xf32, #tpu.memory_space<hbm>> -> memref<128xf32, #tpu.memory_space<hbm>>
        tpu.enqueue_dma source(%dma_start3A_131 : memref<128xf32, #tpu.memory_space<hbm>>) target(%arg14 : memref<128xf32, #tpu.memory_space<vmem>>) target_semaphore(%run_scoped3A : memref<!tpu.dma_semaphore, #tpu.memory_space<semaphore_mem>>)
        %dma_wait3A = arith.constant 0 : i32
        %dma_wait3A_132 = tpu.memref_slice %arg2[%add3A_116, %dma_wait3A] : memref<10000x128xf32, #tpu.memory_space<hbm>> -> memref<1x128xf32, #tpu.memory_space<hbm>>
        %dma_wait3A_133 = tpu.memref_squeeze %dma_wait3A_132 : memref<1x128xf32, #tpu.memory_space<hbm>> -> memref<128xf32, #tpu.memory_space<hbm>>
        %dma_wait3A_134 = arith.constant 0 : i32
        %dma_wait3A_135 = tpu.memref_slice %arg2[%add3A_116, %dma_wait3A_134] : memref<10000x128xf32, #tpu.memory_space<hbm>> -> memref<1x128xf32, #tpu.memory_space<hbm>>
        %dma_wait3A_136 = tpu.memref_squeeze %dma_wait3A_135 : memref<1x128xf32, #tpu.memory_space<hbm>> -> memref<128xf32, #tpu.memory_space<hbm>>
        tpu.wait_dma2 semaphore(%run_scoped3A : memref<!tpu.dma_semaphore, #tpu.memory_space<semaphore_mem>>) src(%dma_wait3A_136 : memref<128xf32, #tpu.memory_space<hbm>>) dst(%arg14 : memref<128xf32, #tpu.memory_space<vmem>>)
        tpu.yield
      }) : () -> ()
      %scan3A_119 = arith.constant 0 : i32
      %scan3A_120 = arith.constant 0 : i32
      %scan3A_121 = arith.constant 128 : i32
      %scan3A_122 = arith.addi %scan3A_120, %scan3A_121 : i32
      %scan3A_123 = arith.constant 1 : i32
      %scan3A_124 = scf.for %scan3A_127 = %scan3A_120 to %scan3A_122 step %scan3A_123 iter_args(%scan3A_128 = %scan3A_119) -> (i32)  : i32 {
        %broadcast_in_dim3A_129 = vector.broadcast %scan3A_127 : i32 to vector<16xi32>
        %gather3A = tpu.vector_load_idx %arg12[%broadcast_in_dim3A_129] : memref<128xi32, #tpu.memory_space<vmem>>[vector<16xi32>], vector<16xi32>,
        %gather3A_130 = tpu.vector_load_idx %arg13[%broadcast_in_dim3A_129] : memref<128xi32, #tpu.memory_space<vmem>>[vector<16xi32>], vector<16xi32>,
        %mul3A_131 = arith.constant 4 : i32
        %mul3A_132 = vector.broadcast %mul3A_131 : i32 to vector<16xi32>
        %mul3A_133 = arith.muli %gather3A, %mul3A_132 : vector<16xi32>
        %add3A_134 = arith.addi %mul3A_133, %select_n3A : vector<16xi32>
        %gather3A_135 = tpu.vector_load_idx %arg16[%add3A_134] : memref<20000xf32, #tpu.memory_space<vmem>>[vector<16xi32>], vector<16xf32>,
        %mul3A_136 = arith.constant 4 : i32
        %mul3A_137 = vector.broadcast %mul3A_136 : i32 to vector<16xi32>
        %mul3A_138 = arith.muli %gather3A_130, %mul3A_137 : vector<16xi32>
        %add3A_139 = arith.addi %mul3A_138, %sub3A_32 : vector<16xi32>
        %gather3A_140 = tpu.vector_load_idx %arg16[%add3A_139] : memref<20000xf32, #tpu.memory_space<vmem>>[vector<16xi32>], vector<16xf32>,
        %gather3A_141 = tpu.vector_load_idx %arg14[%broadcast_in_dim3A_129] : memref<128xf32, #tpu.memory_space<vmem>>[vector<16xi32>], vector<16xf32>,
        %mul3A_142 = arith.mulf %gather3A_141, %gather3A_135 : vector<16xf32>
        %mul3A_143 = arith.mulf %mul3A_142, %gather3A_140 : vector<16xf32>
        %swap3A = arith.index_cast %scan3A_127 : i32 to index
        %swap3A_144 = arith.constant 0 : index
        %swap3A_145 = tpu.vector_load %arg15[%swap3A, %swap3A_144] {strides = array<i32>} : memref<128x128xf32, #tpu.memory_space<vmem>>, vector<16xf32>,
        tpu.vector_store %arg15[%swap3A, %swap3A_144], %mul3A_143 {strides = array<i32>} : memref<128x128xf32, #tpu.memory_space<vmem>>, vector<16xf32>,
        %scan3A_146 = arith.constant 0 : i32
        scf.yield %scan3A_146 : i32
      }
      %scan3A_125 = arith.constant 128 : i32
      "tpu.region"() ({
        %run_scoped3A = tpu.sem_alloc : memref<!tpu.dma_semaphore, #tpu.memory_space<semaphore_mem>>
        %dma_start3A = arith.constant 0 : i32
        %dma_start3A_127 = arith.constant 0 : i32
        %dma_start3A_128 = tpu.memref_slice %arg17[%dma_start3A, %dma_start3A_127] : memref<5120x128xf32, #tpu.memory_space<vmem_shared>> -> memref<5120x128xf32, #tpu.memory_space<vmem_shared>>
        tpu.enqueue_indirect_dma source(%arg15 : memref<128x128xf32, #tpu.memory_space<vmem>>) target(%dma_start3A_128 : memref<5120x128xf32, #tpu.memory_space<vmem_shared>>) offsets(%arg11 : memref<128xi32, #tpu.memory_space<vmem>>) semaphore(%run_scoped3A : memref<!tpu.dma_semaphore, #tpu.memory_space<semaphore_mem>>) {add = true}
        %dma_wait3A = arith.constant 0 : i32
        %dma_wait3A_129 = arith.constant 0 : i32
        %dma_wait3A_130 = tpu.memref_slice %arg17[%dma_wait3A, %dma_wait3A_129] : memref<5120x128xf32, #tpu.memory_space<vmem_shared>> -> memref<5120x128xf32, #tpu.memory_space<vmem_shared>>
        tpu.wait_indirect_dma semaphore(%run_scoped3A : memref<!tpu.dma_semaphore, #tpu.memory_space<semaphore_mem>>) src(%arg15 : memref<128x128xf32, #tpu.memory_space<vmem>>) dst(%dma_wait3A_130 : memref<5120x128xf32, #tpu.memory_space<vmem_shared>>)
        tpu.yield
      }) : () -> ()
      %while3A_126 = arith.constant 0 : i32
      scf.yield %while3A_126 : i32
    }
    %while3A_105 = arith.constant 1 : i32
    %while3A_106 = scf.for %while3A_112 = %while3A_102 to %while3A_98 step %while3A_105 iter_args(%while3A_113 = %while3A_104) -> (i32)  : i32 {
      %mul3A_114 = arith.constant 32 : i32
      %mul3A_115 = arith.muli %while3A_112, %mul3A_114 : i32
      %add3A_116 = arith.addi %add3A, %mul3A_115 : i32
      %mul3A_117 = arith.constant 128 : i32
      %mul3A_118 = arith.muli %add3A_116, %mul3A_117 : i32
      "tpu.region"() ({
        %run_scoped3A = tpu.sem_alloc : memref<!tpu.dma_semaphore, #tpu.memory_space<semaphore_mem>>
        %dma_start3A = tpu.memref_slice %arg3[%mul3A_118] : memref<1280000xi32, #tpu.memory_space<hbm>> -> memref<128xi32, #tpu.memory_space<hbm>>
        %dma_start3A_127 = tpu.memref_slice %arg3[%mul3A_118] : memref<1280000xi32, #tpu.memory_space<hbm>> -> memref<128xi32, #tpu.memory_space<hbm>>
        tpu.enqueue_dma source(%dma_start3A_127 : memref<128xi32, #tpu.memory_space<hbm>>) target(%arg11 : memref<128xi32, #tpu.memory_space<vmem>>) target_semaphore(%run_scoped3A : memref<!tpu.dma_semaphore, #tpu.memory_space<semaphore_mem>>)
        %dma_wait3A = tpu.memref_slice %arg3[%mul3A_118] : memref<1280000xi32, #tpu.memory_space<hbm>> -> memref<128xi32, #tpu.memory_space<hbm>>
        %dma_wait3A_128 = tpu.memref_slice %arg3[%mul3A_118] : memref<1280000xi32, #tpu.memory_space<hbm>> -> memref<128xi32, #tpu.memory_space<hbm>>
        tpu.wait_dma2 semaphore(%run_scoped3A : memref<!tpu.dma_semaphore, #tpu.memory_space<semaphore_mem>>) src(%dma_wait3A_128 : memref<128xi32, #tpu.memory_space<hbm>>) dst(%arg11 : memref<128xi32, #tpu.memory_space<vmem>>)
        tpu.yield
      }) : () -> ()
      "tpu.region"() ({
        %run_scoped3A = tpu.sem_alloc : memref<!tpu.dma_semaphore, #tpu.memory_space<semaphore_mem>>
        %dma_start3A = tpu.memref_slice %arg4[%mul3A_118] : memref<1280000xi32, #tpu.memory_space<hbm>> -> memref<128xi32, #tpu.memory_space<hbm>>
        %dma_start3A_127 = tpu.memref_slice %arg4[%mul3A_118] : memref<1280000xi32, #tpu.memory_space<hbm>> -> memref<128xi32, #tpu.memory_space<hbm>>
        tpu.enqueue_dma source(%dma_start3A_127 : memref<128xi32, #tpu.memory_space<hbm>>) target(%arg12 : memref<128xi32, #tpu.memory_space<vmem>>) target_semaphore(%run_scoped3A : memref<!tpu.dma_semaphore, #tpu.memory_space<semaphore_mem>>)
        %dma_wait3A = tpu.memref_slice %arg4[%mul3A_118] : memref<1280000xi32, #tpu.memory_space<hbm>> -> memref<128xi32, #tpu.memory_space<hbm>>
        %dma_wait3A_128 = tpu.memref_slice %arg4[%mul3A_118] : memref<1280000xi32, #tpu.memory_space<hbm>> -> memref<128xi32, #tpu.memory_space<hbm>>
        tpu.wait_dma2 semaphore(%run_scoped3A : memref<!tpu.dma_semaphore, #tpu.memory_space<semaphore_mem>>) src(%dma_wait3A_128 : memref<128xi32, #tpu.memory_space<hbm>>) dst(%arg12 : memref<128xi32, #tpu.memory_space<vmem>>)
        tpu.yield
      }) : () -> ()
      "tpu.region"() ({
        %run_scoped3A = tpu.sem_alloc : memref<!tpu.dma_semaphore, #tpu.memory_space<semaphore_mem>>
        %dma_start3A = tpu.memref_slice %arg5[%mul3A_118] : memref<1280000xi32, #tpu.memory_space<hbm>> -> memref<128xi32, #tpu.memory_space<hbm>>
        %dma_start3A_127 = tpu.memref_slice %arg5[%mul3A_118] : memref<1280000xi32, #tpu.memory_space<hbm>> -> memref<128xi32, #tpu.memory_space<hbm>>
        tpu.enqueue_dma source(%dma_start3A_127 : memref<128xi32, #tpu.memory_space<hbm>>) target(%arg13 : memref<128xi32, #tpu.memory_space<vmem>>) target_semaphore(%run_scoped3A : memref<!tpu.dma_semaphore, #tpu.memory_space<semaphore_mem>>)
        %dma_wait3A = tpu.memref_slice %arg5[%mul3A_118] : memref<1280000xi32, #tpu.memory_space<hbm>> -> memref<128xi32, #tpu.memory_space<hbm>>
        %dma_wait3A_128 = tpu.memref_slice %arg5[%mul3A_118] : memref<1280000xi32, #tpu.memory_space<hbm>> -> memref<128xi32, #tpu.memory_space<hbm>>
        tpu.wait_dma2 semaphore(%run_scoped3A : memref<!tpu.dma_semaphore, #tpu.memory_space<semaphore_mem>>) src(%dma_wait3A_128 : memref<128xi32, #tpu.memory_space<hbm>>) dst(%arg13 : memref<128xi32, #tpu.memory_space<vmem>>)
        tpu.yield
      }) : () -> ()
      "tpu.region"() ({
        %run_scoped3A = tpu.sem_alloc : memref<!tpu.dma_semaphore, #tpu.memory_space<semaphore_mem>>
        %dma_start3A = arith.constant 0 : i32
        %dma_start3A_127 = tpu.memref_slice %arg2[%add3A_116, %dma_start3A] : memref<10000x128xf32, #tpu.memory_space<hbm>> -> memref<1x128xf32, #tpu.memory_space<hbm>>
        %dma_start3A_128 = tpu.memref_squeeze %dma_start3A_127 : memref<1x128xf32, #tpu.memory_space<hbm>> -> memref<128xf32, #tpu.memory_space<hbm>>
        %dma_start3A_129 = arith.constant 0 : i32
        %dma_start3A_130 = tpu.memref_slice %arg2[%add3A_116, %dma_start3A_129] : memref<10000x128xf32, #tpu.memory_space<hbm>> -> memref<1x128xf32, #tpu.memory_space<hbm>>
        %dma_start3A_131 = tpu.memref_squeeze %dma_start3A_130 : memref<1x128xf32, #tpu.memory_space<hbm>> -> memref<128xf32, #tpu.memory_space<hbm>>
        tpu.enqueue_dma source(%dma_start3A_131 : memref<128xf32, #tpu.memory_space<hbm>>) target(%arg14 : memref<128xf32, #tpu.memory_space<vmem>>) target_semaphore(%run_scoped3A : memref<!tpu.dma_semaphore, #tpu.memory_space<semaphore_mem>>)
        %dma_wait3A = arith.constant 0 : i32
        %dma_wait3A_132 = tpu.memref_slice %arg2[%add3A_116, %dma_wait3A] : memref<10000x128xf32, #tpu.memory_space<hbm>> -> memref<1x128xf32, #tpu.memory_space<hbm>>
        %dma_wait3A_133 = tpu.memref_squeeze %dma_wait3A_132 : memref<1x128xf32, #tpu.memory_space<hbm>> -> memref<128xf32, #tpu.memory_space<hbm>>
        %dma_wait3A_134 = arith.constant 0 : i32
        %dma_wait3A_135 = tpu.memref_slice %arg2[%add3A_116, %dma_wait3A_134] : memref<10000x128xf32, #tpu.memory_space<hbm>> -> memref<1x128xf32, #tpu.memory_space<hbm>>
        %dma_wait3A_136 = tpu.memref_squeeze %dma_wait3A_135 : memref<1x128xf32, #tpu.memory_space<hbm>> -> memref<128xf32, #tpu.memory_space<hbm>>
        tpu.wait_dma2 semaphore(%run_scoped3A : memref<!tpu.dma_semaphore, #tpu.memory_space<semaphore_mem>>) src(%dma_wait3A_136 : memref<128xf32, #tpu.memory_space<hbm>>) dst(%arg14 : memref<128xf32, #tpu.memory_space<vmem>>)
        tpu.yield
      }) : () -> ()
      %scan3A_119 = arith.constant 0 : i32
      %scan3A_120 = arith.constant 0 : i32
      %scan3A_121 = arith.constant 128 : i32
      %scan3A_122 = arith.addi %scan3A_120, %scan3A_121 : i32
      %scan3A_123 = arith.constant 1 : i32
      %scan3A_124 = scf.for %scan3A_127 = %scan3A_120 to %scan3A_122 step %scan3A_123 iter_args(%scan3A_128 = %scan3A_119) -> (i32)  : i32 {
        %broadcast_in_dim3A_129 = vector.broadcast %scan3A_127 : i32 to vector<16xi32>
        %gather3A = tpu.vector_load_idx %arg12[%broadcast_in_dim3A_129] : memref<128xi32, #tpu.memory_space<vmem>>[vector<16xi32>], vector<16xi32>,
        %gather3A_130 = tpu.vector_load_idx %arg13[%broadcast_in_dim3A_129] : memref<128xi32, #tpu.memory_space<vmem>>[vector<16xi32>], vector<16xi32>,
        %mul3A_131 = arith.constant 4 : i32
        %mul3A_132 = vector.broadcast %mul3A_131 : i32 to vector<16xi32>
        %mul3A_133 = arith.muli %gather3A, %mul3A_132 : vector<16xi32>
        %add3A_134 = arith.addi %mul3A_133, %select_n3A : vector<16xi32>
        %gather3A_135 = tpu.vector_load_idx %arg16[%add3A_134] : memref<20000xf32, #tpu.memory_space<vmem>>[vector<16xi32>], vector<16xf32>,
        %mul3A_136 = arith.constant 4 : i32
        %mul3A_137 = vector.broadcast %mul3A_136 : i32 to vector<16xi32>
        %mul3A_138 = arith.muli %gather3A_130, %mul3A_137 : vector<16xi32>
        %add3A_139 = arith.addi %mul3A_138, %sub3A_32 : vector<16xi32>
        %gather3A_140 = tpu.vector_load_idx %arg16[%add3A_139] : memref<20000xf32, #tpu.memory_space<vmem>>[vector<16xi32>], vector<16xf32>,
        %gather3A_141 = tpu.vector_load_idx %arg14[%broadcast_in_dim3A_129] : memref<128xf32, #tpu.memory_space<vmem>>[vector<16xi32>], vector<16xf32>,
        %mul3A_142 = arith.mulf %gather3A_141, %gather3A_135 : vector<16xf32>
        %mul3A_143 = arith.mulf %mul3A_142, %gather3A_140 : vector<16xf32>
        %swap3A = arith.index_cast %scan3A_127 : i32 to index
        %swap3A_144 = arith.constant 0 : index
        %swap3A_145 = tpu.vector_load %arg15[%swap3A, %swap3A_144] {strides = array<i32>} : memref<128x128xf32, #tpu.memory_space<vmem>>, vector<16xf32>,
        tpu.vector_store %arg15[%swap3A, %swap3A_144], %mul3A_143 {strides = array<i32>} : memref<128x128xf32, #tpu.memory_space<vmem>>, vector<16xf32>,
        %scan3A_146 = arith.constant 0 : i32
        scf.yield %scan3A_146 : i32
      }
      %scan3A_125 = arith.constant 128 : i32
      "tpu.region"() ({
        %run_scoped3A = tpu.sem_alloc : memref<!tpu.dma_semaphore, #tpu.memory_space<semaphore_mem>>
        %dma_start3A = arith.constant 0 : i32
        %dma_start3A_127 = arith.constant 0 : i32
        %dma_start3A_128 = tpu.memref_slice %arg17[%dma_start3A, %dma_start3A_127] : memref<5120x128xf32, #tpu.memory_space<vmem_shared>> -> memref<5120x128xf32, #tpu.memory_space<vmem_shared>>
        tpu.enqueue_indirect_dma source(%arg15 : memref<128x128xf32, #tpu.memory_space<vmem>>) target(%dma_start3A_128 : memref<5120x128xf32, #tpu.memory_space<vmem_shared>>) offsets(%arg11 : memref<128xi32, #tpu.memory_space<vmem>>) semaphore(%run_scoped3A : memref<!tpu.dma_semaphore, #tpu.memory_space<semaphore_mem>>) {add = true}
        %dma_wait3A = arith.constant 0 : i32
        %dma_wait3A_129 = arith.constant 0 : i32
        %dma_wait3A_130 = tpu.memref_slice %arg17[%dma_wait3A, %dma_wait3A_129] : memref<5120x128xf32, #tpu.memory_space<vmem_shared>> -> memref<5120x128xf32, #tpu.memory_space<vmem_shared>>
        tpu.wait_indirect_dma semaphore(%run_scoped3A : memref<!tpu.dma_semaphore, #tpu.memory_space<semaphore_mem>>) src(%arg15 : memref<128x128xf32, #tpu.memory_space<vmem>>) dst(%dma_wait3A_130 : memref<5120x128xf32, #tpu.memory_space<vmem_shared>>)
        tpu.yield
      }) : () -> ()
      %while3A_126 = arith.constant 0 : i32
      scf.yield %while3A_126 : i32
    }
    %barrier3A_107 = arith.constant 0 : index
    tpu.barrier barrier_id(%barrier3A_107)
    %mul3A_108 = arith.constant 320 : i32
    %mul3A_109 = arith.muli %arg1, %mul3A_108 : i32
    %mul3A_110 = arith.constant 320 : i32
    %mul3A_111 = arith.muli %arg1, %mul3A_110 : i32
    "tpu.region"() ({
      %run_scoped3A = tpu.sem_alloc : memref<!tpu.dma_semaphore, #tpu.memory_space<semaphore_mem>>
      %dma_start3A = arith.constant 0 : i32
      %dma_start3A_112 = tpu.memref_slice %arg9[%arg0, %mul3A_111, %dma_start3A] : memref<2x5120x128xf32, #tpu.memory_space<hbm>> -> memref<1x320x128xf32, #tpu.memory_space<hbm>>
      %dma_start3A_113 = tpu.memref_squeeze %dma_start3A_112 : memref<1x320x128xf32, #tpu.memory_space<hbm>> -> memref<320x128xf32, #tpu.memory_space<hbm>>
      %dma_start3A_114 = arith.constant 0 : i32
      %dma_start3A_115 = tpu.memref_slice %arg17[%mul3A_109, %dma_start3A_114] : memref<5120x128xf32, #tpu.memory_space<vmem_shared>> -> memref<320x128xf32, #tpu.memory_space<vmem_shared>>
      tpu.enqueue_dma source(%dma_start3A_115 : memref<320x128xf32, #tpu.memory_space<vmem_shared>>) target(%dma_start3A_113 : memref<320x128xf32, #tpu.memory_space<hbm>>) target_semaphore(%run_scoped3A : memref<!tpu.dma_semaphore, #tpu.memory_space<semaphore_mem>>)
      %dma_wait3A = arith.constant 0 : i32
      %dma_wait3A_116 = tpu.memref_slice %arg9[%arg0, %mul3A_111, %dma_wait3A] : memref<2x5120x128xf32, #tpu.memory_space<hbm>> -> memref<1x320x128xf32, #tpu.memory_space<hbm>>
      %dma_wait3A_117 = tpu.memref_squeeze %dma_wait3A_116 : memref<1x320x128xf32, #tpu.memory_space<hbm>> -> memref<320x128xf32, #tpu.memory_space<hbm>>
      %dma_wait3A_118 = arith.constant 0 : i32
      %dma_wait3A_119 = tpu.memref_slice %arg17[%mul3A_109, %dma_wait3A_118] : memref<5120x128xf32, #tpu.memory_space<vmem_shared>> -> memref<320x128xf32, #tpu.memory_space<vmem_shared>>
      tpu.wait_dma2 semaphore(%run_scoped3A : memref<!tpu.dma_semaphore, #tpu.memory_space<semaphore_mem>>) src(%dma_wait3A_119 : memref<320x128xf32, #tpu.memory_space<vmem_shared>>) dst(%dma_wait3A_117 : memref<320x128xf32, #tpu.memory_space<hbm>>)
      tpu.yield
    }) : () -> ()
    return
  }
}

module attributes {stable_mosaic.version = 14 : i64} {
  func.func @body(%arg0: i32, %arg1: memref<1000x128xf32, #tpu.memory_space<vmem>>, %arg2: memref<128x128xf32, #tpu.memory_space<vmem>>, %arg3: memref<128x128xf32, #tpu.memory_space<vmem>>, %arg4: memref<1x128xf32, #tpu.memory_space<vmem>>, %arg5: memref<1000x128xf32, #tpu.memory_space<vmem>>, %arg6: memref<1000x128xf32, #tpu.memory_space<vmem>>) attributes {dimension_semantics = [#tpu.dimension_semantics<arbitrary>], iteration_bounds = array<i64: 40>, scalar_prefetch = 0 : i64, scratch_operands = 0 : i64, tpu.core_type = #tpu.core_type<tc>, window_params = [{transform_indices = @transform_0, window_bounds = array<i64: 1000, 128>}, {pipeline_mode = #tpu.pipeline_mode<synchronous>, transform_indices = @transform_1, window_bounds = array<i64: 128, 128>}, {pipeline_mode = #tpu.pipeline_mode<synchronous>, transform_indices = @transform_2, window_bounds = array<i64: 128, 128>}, {pipeline_mode = #tpu.pipeline_mode<synchronous>, transform_indices = @transform_3, window_bounds = array<i64: 1, 128>}, {transform_indices = @transform_4, window_bounds = array<i64: 1000, 128>}, {transform_indices = @transform_5, window_bounds = array<i64: 1000, 128>}]} {
    %get3A = arith.constant 0 : index
    %get3A_0 = arith.constant 0 : index
    %get3A_1 = vector.load %arg1[%get3A, %get3A_0] : memref<1000x128xf32, #tpu.memory_space<vmem>>, vector<1000x128xf32>
    %get3A_2 = arith.constant 0 : index
    %get3A_3 = arith.constant 0 : index
    %get3A_4 = vector.load %arg2[%get3A_2, %get3A_3] : memref<128x128xf32, #tpu.memory_space<vmem>>, vector<128x128xf32>
    %dot_general3A = arith.constant dense<0.000000e+00> : vector<1000x128xf32>
    %dot_general3A_5 = tpu.matmul %get3A_1, %get3A_4, %dot_general3A {dimension_numbers = #tpu.dot_dimension_numbers<[1], [0], [0], [1], [0, 0, 1, 1], [], []>, transpose_lhs_hint = false} : vector<1000x128xf32>, vector<128x128xf32>, vector<1000x128xf32> -> vector<1000x128xf32>
    %swap3A = arith.constant 0 : index
    %swap3A_6 = arith.constant 0 : index
    %swap3A_7 = vector.load %arg5[%swap3A, %swap3A_6] : memref<1000x128xf32, #tpu.memory_space<vmem>>, vector<1000x128xf32>
    tpu.vector_store %arg5[%swap3A, %swap3A_6], %dot_general3A_5 {strides = array<i32>} : memref<1000x128xf32, #tpu.memory_space<vmem>>, vector<1000x128xf32>,
    %get3A_8 = arith.constant 0 : index
    %get3A_9 = arith.constant 0 : index
    %get3A_10 = vector.load %arg3[%get3A_8, %get3A_9] : memref<128x128xf32, #tpu.memory_space<vmem>>, vector<128x128xf32>
    %dot_general3A_11 = arith.constant dense<0.000000e+00> : vector<1000x128xf32>
    %dot_general3A_12 = tpu.matmul %get3A_1, %get3A_10, %dot_general3A_11 {dimension_numbers = #tpu.dot_dimension_numbers<[1], [0], [0], [1], [0, 0, 1, 1], [], []>, transpose_lhs_hint = false} : vector<1000x128xf32>, vector<128x128xf32>, vector<1000x128xf32> -> vector<1000x128xf32>
    %get3A_13 = arith.constant 0 : index
    %get3A_14 = arith.constant 0 : index
    %get3A_15 = vector.load %arg4[%get3A_13, %get3A_14] : memref<1x128xf32, #tpu.memory_space<vmem>>, vector<1x128xf32>
    %add3A = vector.broadcast %get3A_15 : vector<1x128xf32> to vector<1000x128xf32>
    %add3A_16 = arith.addf %dot_general3A_12, %add3A : vector<1000x128xf32>
    %swap3A_17 = arith.constant 0 : index
    %swap3A_18 = arith.constant 0 : index
    %swap3A_19 = vector.load %arg6[%swap3A_17, %swap3A_18] : memref<1000x128xf32, #tpu.memory_space<vmem>>, vector<1000x128xf32>
    tpu.vector_store %arg6[%swap3A_17, %swap3A_18], %add3A_16 {strides = array<i32>} : memref<1000x128xf32, #tpu.memory_space<vmem>>, vector<1000x128xf32>,
    return
  }
  func.func @transform_0(%arg0: i32) -> (i32, i32) {
    %c0_i32 = arith.constant 0 : i32
    %c0_i32_0 = arith.constant 0 : i32
    return %arg0, %c0_i32 : i32, i32
  }
  func.func @transform_1(%arg0: i32) -> (i32, i32) {
    %c0_i32 = arith.constant 0 : i32
    %c0_i32_0 = arith.constant 0 : i32
    %c0_i32_1 = arith.constant 0 : i32
    return %c0_i32, %c0_i32_0 : i32, i32
  }
  func.func @transform_2(%arg0: i32) -> (i32, i32) {
    %c0_i32 = arith.constant 0 : i32
    %c0_i32_0 = arith.constant 0 : i32
    %c0_i32_1 = arith.constant 0 : i32
    return %c0_i32, %c0_i32_0 : i32, i32
  }
  func.func @transform_3(%arg0: i32) -> (i32, i32) {
    %c0_i32 = arith.constant 0 : i32
    %c0_i32_0 = arith.constant 0 : i32
    %c0_i32_1 = arith.constant 0 : i32
    return %c0_i32, %c0_i32_0 : i32, i32
  }
  func.func @transform_4(%arg0: i32) -> (i32, i32) {
    %c0_i32 = arith.constant 0 : i32
    %c0_i32_0 = arith.constant 0 : i32
    return %arg0, %c0_i32 : i32, i32
  }
  func.func @transform_5(%arg0: i32) -> (i32, i32) {
    %c0_i32 = arith.constant 0 : i32
    %c0_i32_0 = arith.constant 0 : i32
    return %arg0, %c0_i32 : i32, i32
  }
}

module attributes {stable_mosaic.version = 14 : i64} {
  func.func @body(%arg0: i32, %arg1: memref<1xi32, #tpu.memory_space<smem>>, %arg2: memref<1024x128xf32, #tpu.memory_space<vmem>>, %arg3: memref<128x128xf32, #tpu.memory_space<vmem>>, %arg4: memref<1x128xf32, #tpu.memory_space<vmem>>, %arg5: memref<1x128xf32, #tpu.memory_space<vmem>>, %arg6: memref<1x1xf32, #tpu.memory_space<vmem>>, %arg7: memref<8x128xf32, #tpu.memory_space<vmem>>) attributes {dimension_semantics = [#tpu.dimension_semantics<arbitrary>], iteration_bounds = array<i64: 1250>, scalar_prefetch = 1 : i64, scratch_operands = 0 : i64, tpu.core_type = #tpu.core_type<tc>, window_params = [{transform_indices = @transform_0, window_bounds = array<i64: 1024, 128>}, {pipeline_mode = #tpu.pipeline_mode<synchronous>, transform_indices = @transform_1, window_bounds = array<i64: 128, 128>}, {pipeline_mode = #tpu.pipeline_mode<synchronous>, transform_indices = @transform_2, window_bounds = array<i64: 1, 128>}, {pipeline_mode = #tpu.pipeline_mode<synchronous>, transform_indices = @transform_3, window_bounds = array<i64: 1, 128>}, {pipeline_mode = #tpu.pipeline_mode<synchronous>, transform_indices = @transform_4, window_bounds = array<i64: 1, 1>}, {transform_indices = @transform_5, window_bounds = array<i64: 8, 128>}]} {
    %mul3A = arith.constant 1024 : i32
    %mul3A_0 = arith.muli %arg0, %mul3A : i32
    %get3A = arith.constant 0 : index
    %get3A_1 = memref.load %arg1[%get3A] : memref<1xi32, #tpu.memory_space<smem>>
    %lt3A = arith.cmpi slt, %mul3A_0, %get3A_1 : i32
    %convert_element_type3A = arith.extui %lt3A : i1 to i32
    %cond3A = arith.constant 0 : i32
    %cond3A_2 = arith.cmpi ne, %convert_element_type3A, %cond3A : i32
    scf.if %cond3A_2 {
      %get3A_3 = arith.constant 0 : index
      %get3A_4 = arith.constant 0 : index
      %get3A_5 = vector.load %arg2[%get3A_3, %get3A_4] : memref<1024x128xf32, #tpu.memory_space<vmem>>, vector<1024x128xf32>
      %max3A = arith.constant 0.000000e+00 : f32
      %max3A_6 = vector.broadcast %max3A : f32 to vector<1024x128xf32>
      %max3A_7 = arith.maximumf %get3A_5, %max3A_6 : vector<1024x128xf32>
      %abs3A = math.absf %get3A_5 : vector<1024x128xf32>
      %neg3A = arith.constant 0.000000e+00 : f32
      %neg3A_8 = vector.broadcast %neg3A : f32 to vector<1024x128xf32>
      %neg3A_9 = arith.subf %neg3A_8, %abs3A : vector<1024x128xf32>
      %exp3A = math.exp %neg3A_9 : vector<1024x128xf32>
      %log1p3A = math.log1p %exp3A : vector<1024x128xf32>
      %add3A = arith.addf %max3A_7, %log1p3A : vector<1024x128xf32>
      %get3A_10 = arith.constant 0 : index
      %get3A_11 = arith.constant 0 : index
      %get3A_12 = vector.load %arg3[%get3A_10, %get3A_11] : memref<128x128xf32, #tpu.memory_space<vmem>>, vector<128x128xf32>
      %dot_general3A = arith.constant dense<0.000000e+00> : vector<1024x128xf32>
      %dot_general3A_13 = tpu.matmul %add3A, %get3A_12, %dot_general3A {dimension_numbers = #tpu.dot_dimension_numbers<[1], [0], [0], [1], [0, 0, 1, 1], [], []>, transpose_lhs_hint = false} : vector<1024x128xf32>, vector<128x128xf32>, vector<1024x128xf32> -> vector<1024x128xf32>
      %get3A_14 = arith.constant 0 : index
      %get3A_15 = arith.constant 0 : index
      %get3A_16 = vector.load %arg4[%get3A_14, %get3A_15] : memref<1x128xf32, #tpu.memory_space<vmem>>, vector<1x128xf32>
      %add3A_17 = vector.broadcast %get3A_16 : vector<1x128xf32> to vector<1024x128xf32>
      %add3A_18 = arith.addf %dot_general3A_13, %add3A_17 : vector<1024x128xf32>
      %max3A_19 = arith.constant 0.000000e+00 : f32
      %max3A_20 = vector.broadcast %max3A_19 : f32 to vector<1024x128xf32>
      %max3A_21 = arith.maximumf %add3A_18, %max3A_20 : vector<1024x128xf32>
      %abs3A_22 = math.absf %add3A_18 : vector<1024x128xf32>
      %neg3A_23 = arith.constant 0.000000e+00 : f32
      %neg3A_24 = vector.broadcast %neg3A_23 : f32 to vector<1024x128xf32>
      %neg3A_25 = arith.subf %neg3A_24, %abs3A_22 : vector<1024x128xf32>
      %exp3A_26 = math.exp %neg3A_25 : vector<1024x128xf32>
      %log1p3A_27 = math.log1p %exp3A_26 : vector<1024x128xf32>
      %add3A_28 = arith.addf %max3A_21, %log1p3A_27 : vector<1024x128xf32>
      %get3A_29 = arith.constant 0 : index
      %get3A_30 = arith.constant 0 : index
      %get3A_31 = vector.load %arg5[%get3A_29, %get3A_30] : memref<1x128xf32, #tpu.memory_space<vmem>>, vector<1x128xf32>
      %mul3A_32 = vector.broadcast %get3A_31 : vector<1x128xf32> to vector<1024x128xf32>
      %mul3A_33 = arith.mulf %add3A_28, %mul3A_32 : vector<1024x128xf32>
      %reduce_sum3A = arith.constant dense<0.000000e+00> : vector<1024xf32>
      %reduce_sum3A_34 = vector.multi_reduction <add>, %mul3A_33, %reduce_sum3A [1] : vector<1024x128xf32> to vector<1024xf32>
      %broadcast_in_dim3A = vector.shape_cast %reduce_sum3A_34 : vector<1024xf32> to vector<1024x1xf32>
      %get3A_35 = arith.constant 0 : index
      %get3A_36 = arith.constant 0 : index
      %get3A_37 = vector.load %arg6[%get3A_35, %get3A_36] : memref<1x1xf32, #tpu.memory_space<vmem>>, vector<1x1xf32>
      %add3A_38 = vector.broadcast %get3A_37 : vector<1x1xf32> to vector<1024x1xf32>
      %add3A_39 = arith.addf %broadcast_in_dim3A, %add3A_38 : vector<1024x1xf32>
      %reshape3A = vector.shape_cast %add3A_39 : vector<1024x1xf32> to vector<8x128xf32>
      %swap3A = arith.constant 0 : index
      %swap3A_40 = arith.constant 0 : index
      %swap3A_41 = vector.load %arg7[%swap3A, %swap3A_40] : memref<8x128xf32, #tpu.memory_space<vmem>>, vector<8x128xf32>
      tpu.vector_store %arg7[%swap3A, %swap3A_40], %reshape3A {strides = array<i32>} : memref<8x128xf32, #tpu.memory_space<vmem>>, vector<8x128xf32>,
    } else {
    }
    return
  }
  func.func @transform_0(%arg0: i32, %arg1: memref<1xi32, #tpu.memory_space<smem>>) -> (i32, i32) {
    %get3A = arith.constant 0 : index
    %get3A_0 = memref.load %arg1[%get3A] : memref<1xi32, #tpu.memory_space<smem>>
    %add3A = arith.constant 1024 : i32
    %add3A_1 = arith.addi %get3A_0, %add3A : i32
    %sub3A = arith.constant 1 : i32
    %sub3A_2 = arith.subi %add3A_1, %sub3A : i32
    %jit3A = arith.constant 1024 : i32
    %div3A = arith.divsi %sub3A_2, %jit3A : i32
    %sign3A = arith.constant 0 : i32
    %sign3A_3 = arith.cmpi sgt, %sub3A_2, %sign3A : i32
    %sign3A_4 = arith.extui %sign3A_3 : i1 to i32
    %sign3A_5 = arith.constant 0 : i32
    %sign3A_6 = arith.cmpi slt, %sub3A_2, %sign3A_5 : i32
    %sign3A_7 = arith.extui %sign3A_6 : i1 to i32
    %sign3A_8 = arith.subi %sign3A_4, %sign3A_7 : i32
    %sign3A_9 = arith.constant 0 : i32
    %sign3A_10 = arith.cmpi sgt, %jit3A, %sign3A_9 : i32
    %sign3A_11 = arith.extui %sign3A_10 : i1 to i32
    %sign3A_12 = arith.constant 0 : i32
    %sign3A_13 = arith.cmpi slt, %jit3A, %sign3A_12 : i32
    %sign3A_14 = arith.extui %sign3A_13 : i1 to i32
    %sign3A_15 = arith.subi %sign3A_11, %sign3A_14 : i32
    %ne3A = arith.cmpi ne, %sign3A_8, %sign3A_15 : i32
    %rem3A = arith.remsi %sub3A_2, %jit3A : i32
    %ne3A_16 = arith.constant 0 : i32
    %ne3A_17 = arith.cmpi ne, %rem3A, %ne3A_16 : i32
    %and3A = arith.andi %ne3A, %ne3A_17 : i1
    %sub3A_18 = arith.constant 1 : i32
    %sub3A_19 = arith.subi %div3A, %sub3A_18 : i32
    %select_n3A = arith.select %and3A, %sub3A_19, %div3A : i32
    %max3A = arith.constant 1 : i32
    %max3A_20 = arith.maxsi %select_n3A, %max3A : i32
    %sub3A_21 = arith.constant 1 : i32
    %sub3A_22 = arith.subi %max3A_20, %sub3A_21 : i32
    %min3A = arith.minsi %arg0, %sub3A_22 : i32
    %c0_i32 = arith.constant 0 : i32
    %c0_i32_23 = arith.constant 0 : i32
    return %min3A, %c0_i32 : i32, i32
  }
  func.func @transform_1(%arg0: i32, %arg1: memref<1xi32, #tpu.memory_space<smem>>) -> (i32, i32) {
    %c0_i32 = arith.constant 0 : i32
    %c0_i32_0 = arith.constant 0 : i32
    %c0_i32_1 = arith.constant 0 : i32
    return %c0_i32, %c0_i32_0 : i32, i32
  }
  func.func @transform_2(%arg0: i32, %arg1: memref<1xi32, #tpu.memory_space<smem>>) -> (i32, i32) {
    %c0_i32 = arith.constant 0 : i32
    %c0_i32_0 = arith.constant 0 : i32
    %c0_i32_1 = arith.constant 0 : i32
    return %c0_i32, %c0_i32_0 : i32, i32
  }
  func.func @transform_3(%arg0: i32, %arg1: memref<1xi32, #tpu.memory_space<smem>>) -> (i32, i32) {
    %c0_i32 = arith.constant 0 : i32
    %c0_i32_0 = arith.constant 0 : i32
    %c0_i32_1 = arith.constant 0 : i32
    return %c0_i32, %c0_i32_0 : i32, i32
  }
  func.func @transform_4(%arg0: i32, %arg1: memref<1xi32, #tpu.memory_space<smem>>) -> (i32, i32) {
    %c0_i32 = arith.constant 0 : i32
    %c0_i32_0 = arith.constant 0 : i32
    %c0_i32_1 = arith.constant 0 : i32
    return %c0_i32, %c0_i32_0 : i32, i32
  }
  func.func @transform_5(%arg0: i32, %arg1: memref<1xi32, #tpu.memory_space<smem>>) -> (i32, i32) {
    %get3A = arith.constant 0 : index
    %get3A_0 = memref.load %arg1[%get3A] : memref<1xi32, #tpu.memory_space<smem>>
    %add3A = arith.constant 1024 : i32
    %add3A_1 = arith.addi %get3A_0, %add3A : i32
    %sub3A = arith.constant 1 : i32
    %sub3A_2 = arith.subi %add3A_1, %sub3A : i32
    %jit3A = arith.constant 1024 : i32
    %div3A = arith.divsi %sub3A_2, %jit3A : i32
    %sign3A = arith.constant 0 : i32
    %sign3A_3 = arith.cmpi sgt, %sub3A_2, %sign3A : i32
    %sign3A_4 = arith.extui %sign3A_3 : i1 to i32
    %sign3A_5 = arith.constant 0 : i32
    %sign3A_6 = arith.cmpi slt, %sub3A_2, %sign3A_5 : i32
    %sign3A_7 = arith.extui %sign3A_6 : i1 to i32
    %sign3A_8 = arith.subi %sign3A_4, %sign3A_7 : i32
    %sign3A_9 = arith.constant 0 : i32
    %sign3A_10 = arith.cmpi sgt, %jit3A, %sign3A_9 : i32
    %sign3A_11 = arith.extui %sign3A_10 : i1 to i32
    %sign3A_12 = arith.constant 0 : i32
    %sign3A_13 = arith.cmpi slt, %jit3A, %sign3A_12 : i32
    %sign3A_14 = arith.extui %sign3A_13 : i1 to i32
    %sign3A_15 = arith.subi %sign3A_11, %sign3A_14 : i32
    %ne3A = arith.cmpi ne, %sign3A_8, %sign3A_15 : i32
    %rem3A = arith.remsi %sub3A_2, %jit3A : i32
    %ne3A_16 = arith.constant 0 : i32
    %ne3A_17 = arith.cmpi ne, %rem3A, %ne3A_16 : i32
    %and3A = arith.andi %ne3A, %ne3A_17 : i1
    %sub3A_18 = arith.constant 1 : i32
    %sub3A_19 = arith.subi %div3A, %sub3A_18 : i32
    %select_n3A = arith.select %and3A, %sub3A_19, %div3A : i32
    %max3A = arith.constant 1 : i32
    %max3A_20 = arith.maxsi %select_n3A, %max3A : i32
    %sub3A_21 = arith.constant 1 : i32
    %sub3A_22 = arith.subi %max3A_20, %sub3A_21 : i32
    %min3A = arith.minsi %arg0, %sub3A_22 : i32
    %c0_i32 = arith.constant 0 : i32
    %c0_i32_23 = arith.constant 0 : i32
    return %min3A, %c0_i32 : i32, i32
  }
}

module attributes {stable_mosaic.version = 14 : i64} {
  func.func @body(%arg0: memref<2x5120x128xf32, #tpu.memory_space<vmem>>, %arg1: memref<5000x16xf32, #tpu.memory_space<vmem>>) attributes {dimension_semantics = [], scalar_prefetch = 0 : i64, scratch_operands = 0 : i64, tpu.core_type = #tpu.core_type<tc>} {
    %get3A = arith.constant 0 : index
    %get3A_0 = arith.constant 0 : index
    %get3A_1 = arith.constant 0 : index
    %get3A_2 = vector.load %arg0[%get3A, %get3A_0, %get3A_1] : memref<2x5120x128xf32, #tpu.memory_space<vmem>>, vector<2x5120x128xf32>
    %slice3A = vector.extract_strided_slice %get3A_2 {offsets = [0, 0, 0], sizes = [1, 5120, 128], strides = [1, 1, 1]} : vector<2x5120x128xf32> to vector<1x5120x128xf32>
    %squeeze3A = vector.shape_cast %slice3A : vector<1x5120x128xf32> to vector<5120x128xf32>
    %slice3A_3 = vector.extract_strided_slice %get3A_2 {offsets = [1, 0, 0], sizes = [1, 5120, 128], strides = [1, 1, 1]} : vector<2x5120x128xf32> to vector<1x5120x128xf32>
    %squeeze3A_4 = vector.shape_cast %slice3A_3 : vector<1x5120x128xf32> to vector<5120x128xf32>
    %add3A = arith.addf %squeeze3A, %squeeze3A_4 : vector<5120x128xf32>
    %slice3A_5 = vector.extract_strided_slice %add3A {offsets = [0, 0], sizes = [5000, 16], strides = [1, 1]} : vector<5120x128xf32> to vector<5000x16xf32>
    %slice3A_6 = vector.extract_strided_slice %add3A {offsets = [0, 16], sizes = [5000, 1], strides = [1, 1]} : vector<5120x128xf32> to vector<5000x1xf32>
    %max3A = arith.constant 1.000000e+00 : f32
    %max3A_7 = vector.broadcast %max3A : f32 to vector<5000x1xf32>
    %max3A_8 = arith.maximumf %slice3A_6, %max3A_7 : vector<5000x1xf32>
    %div3A = vector.broadcast %max3A_8 : vector<5000x1xf32> to vector<5000x16xf32>
    %div3A_9 = arith.divf %slice3A_5, %div3A : vector<5000x16xf32>
    %swap3A = arith.constant 0 : index
    %swap3A_10 = arith.constant 0 : index
    %swap3A_11 = vector.load %arg1[%swap3A, %swap3A_10] : memref<5000x16xf32, #tpu.memory_space<vmem>>, vector<5000x16xf32>
    tpu.vector_store %arg1[%swap3A, %swap3A_10], %div3A_9 {strides = array<i32>} : memref<5000x16xf32, #tpu.memory_space<vmem>>, vector<5000x16xf32>,
    return
  }
}

</mosaic_0001>

<sc_bundles>
// kernel: gather_offload_async_start
scs
__scs_entry_jumppad:
0x0: {  	(pc) =	sbr.rel $0x88, $3  }
0x1: {  	(tag) =	ssettag $0x0;
	lr =	simm.s32 $0x1  }
0x2: {  	[smem:$0x3F98] =	sst lr;
	_ =	strace $0xD0000000  }
0x3: {  	_ = 	snop  }
0x4: {  	_ = 	snop  }
0x5: {  	_ = 	snop  }
0x6: {  	_ = 	snop  }
0x7: {  	_ = 	snop  }
__scs_overlays_trampoline_lowered:
0x8: {  	[smem:$0x3FA7] =	sst s0  }
0x9: {  	[smem:$0x3FA8] =	sst s1  }
0xa: {  	[smem:$0x3FA9] =	sst s2  }
0xb: {  	[smem:$0x3FAA] =	sst s3  }
0xc: {  	[smem:$0x3FAB] =	sst s4  }
0xd: {  	[smem:$0x3FAC] =	sst s5  }
0xe: {  	[smem:$0x3FAD] =	sst s6  }
0xf: {  	[smem:$0x3FAE] =	sst s7  }
0x10: {  	[smem:$0x3FAF] =	sst s8  }
0x11: {  	[smem:$0x3FB0] =	sst s9;
	s0 =	simm.s32 @!p0 $0x0  }
0x12: {  	s1 =	sld [smem:$0x3F96];
	s0 =	simm.s32 @p0 $0x1  }
0x13: {  	[smem:$0x3FB1] =	sst s0;
	s0 =	simm.s32 @!p1 $0x0  }
0x14: {  	s2 =	sld [smem:$0x3F95];
	s0 =	simm.s32 @p1 $0x1  }
0x15: {  	[smem:$0x3FB2] =	sst s0;
	s0 =	simm.s32 @!p2 $0x0  }
0x16: {  	s3 =	sld [smem:$0x3FDB];
	s0 =	simm.s32 @p2 $0x1  }
0x17: {  	s4 =	simm.s32 $0x1BF5;
	[smem:$0x3FB4] =	sst s0  }
0x18: {  	s0 =	sld [smem:$0x3F97];
	_ =	swait.ge [sflag:s4], $0x0  }
0x19: {  	s7 =	sld [smem:$0x3F98]  }
0x1a: {  	s8 =	sadd.s32 $0xFFFFE003, lr  }
0x1b: {  	s9 =	sadd.s32 $0xFFFFFEF7, lr;
	s5 =	simm.s32 $0xFFFFFFFF;
	p2 =	slt.u32 s8, $0xFFFFF086  }
0x1c: {  	p1 =	slt.u32 s9, $0xF7A;
	s5 =	simm.s32 @!p2 $0x0  }
0x1d: {  	s5 =	simm.s32 @p1 $0x1;
	p0 =	seq.s32 s7, s2  }
0x1e: {  	s7 =	smul.u32 @!p0 $0xF7A, s2;
	p2 =	seq.s32 @!p0 s5, $0x0  }
0x1f: {  	s9 =	smul.u32 $0xF7A, s1;
	s8 =	simm.s32 @!p0 $0x1BF5;
	p2 =	por !p2, p0  }
0x20: {  	[sflag:s8] =	ssyncset.s32 @!p0 $0xFFFFF086;
	s6 =	sadd.s32 @!p0 s3, s7;
	s7 =	simm.s32 @!p0 $0x108  }
0x21: {  	s3 =	sadd.s32 s3, s9;
	s6 =	sadd.s32 @!p0 $0x88, s6;
	s7 =	simm.s32 @p2 $0x1082  }
0x22: {  	[simem:s7], [sflag:s8] =	dma.local @!p0 [hbm:s6], $0xF7A  }
0x23: {  	s9 =	sor.u32 $0xD0000000, s2;
	s6 =	simm.s32 $0x108;
	_ =	swait.ge @!p0 [sflag:s8], $0x0  }
0x24: {  	s3 =	sadd.s32 $0x88, s3;
	s6 =	simm.s32 @!p1 $0x1082;
	[sflag:s4] =	ssyncset.s32 $0xFFFFF086  }
0x25: {  	[simem:s6], [sflag:s4] =	dma.local [hbm:s3], $0xF7A  }
0x26: {  	[smem:$0x3F98] =	sst s1;
	(tag) =	ssettag s2;
	_ =	strace s9  }
0x27: {  	s1 =	sld [smem:$0x3FA8]  }
0x28: {  	s2 =	sld [smem:$0x3FA9]  }
0x29: {  	s4 =	sld [smem:$0x3FAB]  }
0x2a: {  	p0 =	seq.s32 s5, $0x0;
	s5 =	sld [smem:$0x3FAC]  }
0x2b: {  	s6 =	sld [smem:$0x3FAD]  }
0x2c: {  	s7 =	sld [smem:$0x3FAE]  }
0x2d: {  	s3 =	simm.s32 $0x108;
	s8 =	sld [smem:$0x3FAF]  }
0x2e: {  	s3 =	simm.s32 @!p0 $0x1082;
	s9 =	sld [smem:$0x3FB0]  }
0x2f: {  	lr =	sadd.s32 s0, s3;
	s0 =	sld [smem:$0x3FA7]  }
0x30: {  	s3 =	sld [smem:$0x3FAA]  }
0x31: {  	[smem:$0x3FB3] =	sst s10  }
0x32: {  	s10 =	sld [smem:$0x3FB1];
	_ =	sdelay $0x3  }
0x33: {  	p0 =	seq.s32 s10, $0x1;
	s10 =	sld [smem:$0x3FB3];
	_ =	sdelay $0x3  }
0x34: {  	[smem:$0x3FB3] =	sst s10  }
0x35: {  	s10 =	sld [smem:$0x3FB2];
	_ =	sdelay $0x3  }
0x36: {  	p1 =	seq.s32 s10, $0x1;
	s10 =	sld [smem:$0x3FB3];
	_ =	sdelay $0x3  }
0x37: {  	[smem:$0x3FB3] =	sst s10  }
0x38: {  	s10 =	sld [smem:$0x3FB4]  }
0x39: {  	_ = 	snop;
	(pc) =	sbr.ind lr, $3  }
0x3a: {  	_ = 	snop  }
0x3b: {  	_ = 	snop  }
0x3c: {  	p2 =	seq.s32 s10, $0x1;
	s10 =	sld [smem:$0x3FB3]  }
0x3d: {  	_ =	shalt  }
0x3e: {  	_ =	shalt  }
0x3f: {  	_ =	shalt  }
0x40: {  	_ =	shalt  }
0x41: {  	_ =	shalt  }
0x42: {  	_ =	shalt  }
0x43: {  	_ =	shalt  }
0x44: {  	_ =	shalt  }
0x45: {  	_ =	shalt  }
0x46: {  	_ =	shalt  }
0x47: {  	_ =	shalt  }
0x48: {  	_ =	shalt  }
0x49: {  	_ =	shalt  }
0x4a: {  	_ =	shalt  }
0x4b: {  	_ =	shalt  }
0x4c: {  	_ =	shalt  }
0x4d: {  	_ =	shalt  }
0x4e: {  	_ =	shalt  }
0x4f: {  	_ =	shalt  }
0x50: {  	_ =	shalt  }
0x51: {  	_ =	shalt  }
0x52: {  	_ =	shalt  }
0x53: {  	_ =	shalt  }
0x54: {  	_ =	shalt  }
0x55: {  	_ =	shalt  }
0x56: {  	_ =	shalt  }
0x57: {  	_ =	shalt  }
0x58: {  	_ =	shalt  }
0x59: {  	_ =	shalt  }
0x5a: {  	_ =	shalt  }
0x5b: {  	_ =	shalt  }
0x5c: {  	_ =	shalt  }
0x5d: {  	_ =	shalt  }
0x5e: {  	_ =	shalt  }
0x5f: {  	_ =	shalt  }
0x60: {  	_ =	shalt  }
0x61: {  	_ =	shalt  }
0x62: {  	_ =	shalt  }
0x63: {  	_ =	shalt  }
0x64: {  	_ =	shalt  }
0x65: {  	_ =	shalt  }
0x66: {  	_ =	shalt  }
0x67: {  	_ =	shalt  }
0x68: {  	_ =	shalt  }
0x69: {  	_ =	shalt  }
0x6a: {  	_ =	shalt  }
0x6b: {  	_ =	shalt  }
0x6c: {  	_ =	shalt  }
0x6d: {  	_ =	shalt  }
0x6e: {  	_ =	shalt  }
0x6f: {  	_ =	shalt  }
0x70: {  	_ =	shalt  }
0x71: {  	_ =	shalt  }
0x72: {  	_ =	shalt  }
0x73: {  	_ =	shalt  }
0x74: {  	_ =	shalt  }
0x75: {  	_ =	shalt  }
0x76: {  	_ =	shalt  }
0x77: {  	_ =	shalt  }
0x78: {  	_ =	shalt  }
0x79: {  	_ =	shalt  }
0x7a: {  	_ =	shalt  }
0x7b: {  	_ =	shalt  }
0x7c: {  	_ =	shalt  }
0x7d: {  	_ =	shalt  }
0x7e: {  	_ =	shalt  }
0x7f: {  	_ =	shalt  }
0x80: {  	_ =	shalt  }
0x81: {  	_ =	shalt  }
0x82: {  	_ =	shalt  }
0x83: {  	_ =	shalt  }
0x84: {  	_ =	shalt  }
0x85: {  	_ =	shalt  }
0x86: {  	_ =	shalt  }
0x87: {  	_ =	shalt  }
.Lfunc_end0:
.L_simem_size_0:
called_computation.1_lowered:
.L_overlay_start_0:
0x88: {  	s2 =	sld [smem:$0x3FD9]  }
0x89: {  	s3 =	sld [smem:$0x3FFE];
	_ =	sdelay $0x1  }
0x8a: {  	s1 =	srdreg.scid  }
0x8b: {  	s0 =	sand.u32 $0x1, s1  }
0x8c: {  	s17 =	sshll.u32 s0, $0xA;
	s2 =	sadd.s32 s3, s2  }
0x8d: {  	s2 =	sadd.s32 s2, s17  }
0x8e: {  	[smem:$0x3FBF] =	sst s2  }
0x8f: {  	_ = 	snop  }
0x90: {  	(tm) =	ssettm $0x1  }
0x91: {  	s18 =	sld [smem:$0x3FFB];
	_ =	sdelay $0x3  }
0x92: {  	_ =	strace s18  }
0x93: {  	s2 =	sld [smem:$0x3FFC];
	_ =	sdelay $0x3  }
0x94: {  	_ =	strace s2  }
0x95: {  	s2 =	sld [smem:$0x3FFD];
	_ =	sdelay $0x3  }
0x96: {  	_ =	strace s2  }
0x97: {  	_ =	strace $0x8FFFFFFF  }
0x98: {  	s19 =	sld [smem:$0x3FDB];
	_ =	sdelay $0x1  }
0x99: {  	s20 =	simm.s32 $_scs_section_size  }
0x9a: {  	s4 =	simm.s32 $_size__tile_overlayer_lowered;
	s5 =	simm.s32 $_tile_overlayer_lowered  }
0x9b: {  	s6 =	simm.s32 $0x1BFF;
	s21 =	sshll.u32 s5, $0x1;
	s3 =	sadd.s32 s20, s19  }
0x9c: {  	s22 =	simm.s32 $0x0;
	s4 =	sshll.u32 s4, $0x1;
	s5 =	sadd.s32 s21, s3  }
0x9d: {  	[timem:s22], [sflag:s6] =	dma.local [hbm:s5], s4  }
0x9e: {  	_ =	swait.ge [sflag:s6], s4  }
0x9f: {  	s4 =	ssub.s32 $0x0, s4;
	[sflag:s6] =	ssyncset.done $0x0  }
0xa0: {  	[sflag:s6] =	ssyncadd.s32 s4;
	_ =	sdelay $0x1  }
0xa1: {  	s23 =	simm.s32 $0x1B8B  }
0xa2: {  	_ =	swait.ge [sflag:s23], $0x1  }
0xa3: {  	[sflag:s23] =	ssyncset.done $0x0  }
0xa4: {  	[sflag:s23] =	ssyncadd.s32 $0xFFFFFFFF  }
0xa5: {  	s4 =	sld [smem:$0x0]  }
0xa6: {  	s5 =	sand.u32 $0xFFFFFFFE, s1  }
0xa7: {  	p0 =	sne.s32 s1, s5  }
0xa8: {  	s5 =	sshll.u32 @p0 s5, $0xE  }
0xa9: {  	s5 =	sadd.s32 @p0 $0x11B8D, s5;
	s6 =	sshll.u32 @p0 s4, $0x11  }
0xaa: {  	s5 =	sor.u32 @p0 s6, s5  }
0xab: {  	[sflag:s5] =	ssyncadd.remote.s32 @p0 $0x1;
	_ =	sdelay $0x1  }
0xac: {  	s5 =	simm.s32 @p0 $0x1B8D  }
0xad: {  	_ =	swait.eq @p0 [sflag:s5], $0x1  }
0xae: {  	[sflag:s5] =	ssyncadd.s32 @p0 $0xFFFFFFFF  }
0xaf: {  	s6 =	sshll.u32 @!p0 s1, $0xE  }
0xb0: {  	s6 =	sor.u32 @!p0 $0x4000, s6;
	s5 =	simm.s32 @!p0 $0x1B8D  }
0xb1: {  	s4 =	sshll.u32 @!p0 s4, $0x11;
	s6 =	sadd.s32 @!p0 $0x11B8D, s6;
	_ =	swait.eq @!p0 [sflag:s5], $0x1  }
0xb2: {  	s4 =	sor.u32 @!p0 s4, s6;
	[sflag:s5] =	ssyncadd.s32 @!p0 $0xFFFFFFFF  }
0xb3: {  	s25 =	simm.s32 $0x1B8E;
	s24 =	sld [smem:$0x3FFE];
	[sflag:s4] =	ssyncadd.remote.s32 @!p0 $0x1  }
0xb4: {  	s26 =	simm.s32 $execute0_lowered;
	[smem:$0x3FD2] =	sst s25  }
0xb5: {  	s5 =	sshll.u32 s26, $0x1;
	_ =	strace $0x8000004C;
	[dreg:$0x1] =	wrdreg $0xFFFFFFFF  }
0xb6: {  	s28 =	simm.s32 $_size_execute0_lowered;
	s3 =	sadd.s32 s3, s5;
	[dreg:$0x0] =	wrdreg $0x0  }
0xb7: {  	s5 =	sshll.u32 s28, $0x1;
	[dreg:$0x2] =	wrdreg s3  }
0xb8: {  	[dreg:$0x3] =	wrdreg s5  }
0xb9: {  	[dreg:$0x4] =	wrdreg $0xC0  }
0xba: {  	_ =	task [dreg:s22], $0x5FFFF  }
0xbb: {  	[dreg:$0x1] =	wrdreg $0xFFFFFFFF  }
0xbc: {  	[dreg:$0x0] =	wrdreg $0x60  }
0xbd: {  	[dreg:$0x2] =	wrdreg s24  }
0xbe: {  	[dreg:$0x3] =	wrdreg $0x9  }
0xbf: {  	_ =	task.clear_ibuf [dreg:s22], $0x4FFFF;
	_ =	strace $0x9000004C  }
0xc0: {  	s29 =	simm.s32 $0x9;
	_ =	strace $0x8000004E  }
0xc1: {  	_ =	swait.ge [sflag:s29], $0x1  }
0xc2: {  	[sflag:s29] =	ssyncadd.s32 $0xFFFFFFFF  }
0xc3: {  	_ =	strace $0x9000004E  }
0xc4: {  	_ =	sfence  }
0xc5: {  	s30 =	sld [smem:$0x0];
	_ =	sdelay $0x2  }
0xc6: {  	s31 =	sshll.u32 s1, $0xD;
	s1 =	sshrl.u32 s1, $0x2  }
0xc7: {  	s4 =	sand.u32 $0x4000, s31;
	s1 =	sadd.s32 s1, s30  }
0xc8: {  	s0 =	sor.u32 s4, s0;
	s1 =	sshll.u32 s1, $0x11  }
0xc9: {  	s0 =	sor.u32 s1, s0  }
0xca: {  	s0 =	sadd.s32 $0x8F2B, s0  }
0xcb: {  	[sflag:s0] =	ssyncadd.remote.s32 $0x1  }
0xcc: {  	_ =	sfence.sel $0xFFFF  }
0xcd: {  	[dreg:$0x0] =	wrdreg $0xFFFFFFFF;
	(pc) =	sbr.abs _section_cstart, $3  }
0xce: {  	[dreg:$0x1] =	wrdreg $0xFFFFFFFF  }
0xcf: {  	_ =	task.clear_ibuf [dreg:s22], $0x2FFFF;
	_ =	strace $0x9FFFFFFF  }
0xd0: {  	(tm) =	ssettm $0x7FFFFFFF  }
0xd1: {  	_ =	shalt  }
tec
execute0_lowered:
.L_overlay_start_1:
0x0: {  	(tag) =	ssettag $0x1  }
0x1: {  	s2 =	rddreg [dreg:$0x0]  }
0x2: {  	s0 =	rddreg [dreg:$0x1];
	s1 =	stileid.u32  }
0x3: {  	s3 =	srdreg.scid;
	_ =	strace $0x8000004D;
	s4 =	simm.s32 $0x1  }
0x4: {  	s7 =	simm.s32 $0x1;
	s8 =	simm.s32 $0x1;
	s9 =	simm.s32 $0x3  }
0x5: {  	s10 =	simm.s32 $0x0;
	s5 =	sand.u32 $0x1, s3;
	s6 =	sshll.u32 s1, $0x1  }
0x6: {  	s13 =	simm.s32 $0x0;
	s12 =	simm.s32 $0x0;
	s5 =	sor.u32 s6, s5  }
.Ltmp0:
0x7: {  	[sflag:s4] =	ssyncpa.u1 $0x0;
	p0 =	slt.u32 s5, $0x13;
	(pc) =	sbr.rel .LBB2_1-.Ltmp0, $4  }
0x8: {  	s6 =	simm.s32 $0x2;
	s7 =	simm.s32 @!p0 $0x0;
	p0 =	sne.s32 s5, $0x12  }
0x9: {  	[sflag:s6] =	ssyncpa.u1 $0x0;
	s5 =	smul.u32 $0x320, s5;
	s8 =	simm.s32 @!p0 $0x0  }
0xa: {  	s3 =	sadd.s32 $0x4000, s2;
	[sflag:s9] =	ssyncpa.u1 $0x0;
	s7 =	sadd.s32 s8, s7  }
0xb: {  	vm0 =	vmmov $0xffff;
	s8 =	sadd.s32 $0x5400, s2;
	s11 =	smov.u32 s5;
	s9 =	sadd.s32 $0x1, s7  }
.LBB2_4:
0xc: {  	v2 =	vnsel vm1, $0x0, v2  }
0xd: {  	vm1 =	vgt.s32 v0, $0x0;
	v2 =	vmin.u32 v2, $0x9C3F  }
0xe: {  	v0 =	vnsel vm1, $0x0, v0  }
0xf: {  	v0 =	vmin.u32 v0, $0x9C3F  }
0x10: {  	[tilespmem:s18], [sflag:$0x1] =	stream.indirect_vreg.gather [hbm4b:s2+s10], $0x1, v1, vm0, $0x4038;
	[tilespmem:$0xC80] =	vst v63  }
0x11: {  	(ifvalue) =	ssetifvalue $0x7FFFFFFF  }
0x12: {  	[tilespmem:s15], [sflag:$0x1] =	stream.indirect_vreg.gather [hbm4b:s2+s10], $0x1, v2, vm0, $0x4038;
	[tilespmem:$0xC80] =	vst v63  }
0x13: {  	s29 =	sadd.s32 $0x10, s15;
	(ifvalue) =	ssetifvalue $0x7FFFFFFF  }
0x14: {  	[tilespmem:s29], [sflag:$0x1] =	stream.indirect_vreg.gather [hbm4b:s2+s10], $0x1, v0, vm0, $0x4038;
	[tilespmem:$0xC80] =	vst v63  }
0x15: {  	_ =	swait.ge [sflag:s4], $0x320  }
0x16: {  	s30 =	sshrl.u32 s13, $0x3;
	[sflag:s4] =	ssyncset.done $0x0  }
0x17: {  	s31 =	sand.u32 $0x7, s13;
	s15 =	sadd.s32 s8, s30;
	[sflag:s4] =	ssyncadd.s32 $0xFFFFFCE0  }
0x18: {  	[hbm4b:s15+s31] =	stream.linear.scatter [tilespmem:s14], [sflag:$0x3], $0x320, $0x38;
	[tilespmem:$0xC80] =	vst v63  }
.LBB2_5:
0x19: {  	s15 =	sadd.s32 $0x6400, s11  }
0x1a: {  	p1 =	sgt.s32 s15, $0x9C3F  }
0x1b: {  	s15 =	smov.u32 @p1 s5;
	p1 =	sne.s32 s12, s9  }
.Ltmp1:
0x1c: {  	p0 =	slt.u32 s12, $0x2;
	(pc) =	sbr.rel @!p1 .LBB2_6-.Ltmp1, $4  }
0x1d: {  	s14 =	simm.s32 @!p0 $0x3  }
0x1e: {  	_ =	swait.ge @!p0 [sflag:s14], $0x320  }
0x1f: {  	s16 =	sadd.s32 $0x1, s12;
	s13 =	smov.u32 s11;
	[sflag:s14] =	ssyncset.done @!p0 $0x0  }
0x20: {  	s12 =	smov.u32 s16;
	s11 =	smov.u32 s15;
	[sflag:s14] =	ssyncadd.s32 @!p0 $0xFFFFFCE0  }
.LBB2_1:
0x21: {  	p0 =	sge.u32 s12, s7  }
0x22: {  	s14 =	sxor.u32 @!p0 $0x1, s12  }
0x23: {  	s14 =	smul.u32 @!p0 $0xC80, s14  }
0x24: {  	s31 =	sadd.s32 $0xFFFFFFFF, s12;
	s15 =	sshrl.u32 @!p0 s11, $0x3  }
0x25: {  	s16 =	sand.u32 @!p0 $0x7, s11;
	s15 =	sadd.s32 @!p0 s3, s15;
	s14 =	sshra.s32 @!p0 s14, $0x2  }
0x26: {  	[tilespmem:s14], [sflag:$0x2] =	stream.linear.gather @!p0 [hbm4b:s15+s16], $0x320, $0x38;
	[tilespmem:$0xC80] =	vst v63  }
0x27: {  	p0 =	sge.u32 s31, s7  }
.Ltmp2:
0x28: {  	_ = 	snop;
	(pc) =	sbr.rel @p0 .LBB2_5-.Ltmp2, $1  }
0x29: {  	_ =	sdelay $0x3  }
0x2a: {  	s14 =	sand.u32 $0x1, s12  }
0x2b: {  	_ =	swait.ge [sflag:s6], $0x320;
	p0 =	seq.s32 s14, $0x1;
	s14 =	simm.s32 $0x320  }
0x2c: {  	[sflag:s6] =	ssyncset.done $0x0;
	s14 =	simm.s32 @!p0 $0x0  }
0x2d: {  	[sflag:s6] =	ssyncadd.s32 $0xFFFFFCE0;
	(ifvalue) =	ssetifvalue $0x7FFFFFFF;
	v0 =	vld.msk [tilespmem:s14+$0x0 ss:$0x1], $0xffff;
	_ =	sdelay $0x4  }
0x2e: {  	s15 =	sadd.s32 $0x10, s14;
	vm1 =	vgt.s32 v0, $0x0  }
0x2f: {  	v2 =	vld.msk [tilespmem:s15+$0x0 ss:$0x1], $0xffff;
	v1 =	vnsel vm1, $0x0, v0  }
0x30: {  	v1 =	vmin.u32 v1, $0x9C3F;
	_ =	sdelay $0x2  }
0x31: {  	s17 =	simm.s32 $0x20;
	s14 =	sadd.s32 $0x640, s14;
	s16 =	sadd.s32 $0x10, s15  }
0x32: {  	s15 =	sadd.s32 $0x10, s14;
	s18 =	smov.u32 s14;
	v0 =	vld.msk [tilespmem:s16+$0x0 ss:$0x1], $0xffff;
	vm1 =	vgt.s32 v2, $0x0;
	(ifvalue) =	ssetifvalue $0x7FFFFFFF  }
.LBB2_3:
0x33: {  	[tilespmem:s18], [sflag:$0x1] =	stream.indirect_vreg.gather [hbm4b:s2+s10], $0x1, v1, vm0, $0x4038;
	[tilespmem:$0xC80] =	vst v63  }
0x34: {  	s17 =	sadd.s32 $0x10, s17  }
0x35: {  	v2 =	vnsel vm1, $0x0, v2;
	p0 =	slt.u32 s17, $0x310  }
.Ltmp3:
0x36: {  	s18 =	smov.u32 s15;
	v1 =	vmin.u32 v2, $0x9C3F;
	(pc) =	sbr.rel @p0 .LBB2_3-.Ltmp3, $3  }
0x37: {  	_ =	sdelay $0x1  }
0x38: {  	s16 =	sadd.s32 $0x10, s16  }
0x39: {  	vm1 =	vgt.s32 v0, $0x0;
	s15 =	sadd.s32 $0x10, s15;
	v2 =	vmov v0;
	(ifvalue) =	ssetifvalue $0x7FFFFFFF;
	v0 =	vld.msk [tilespmem:s16+$0x0 ss:$0x1], $0xffff  }
.Ltmp4:
0x3a: {  	_ = 	snop;
	(pc) =	sbr.rel .LBB2_4-.Ltmp4, $1  }
0x3b: {  	_ =	sdelay $0x3  }
.LBB2_6:
0x3c: {  	_ =	sfence.sel $0x180000  }
0x3d: {  	s2 =	simm.s32 $0x2;
	[bflag:$0x0] =	sbarrier.arrive $0xFFFF  }
0x3e: {  	s30 =	simm.s32 $0x3;
	[sflag:s2] =	ssyncpa.u1 $0x1  }
0x3f: {  	s31 =	simm.s32 $0x1;
	[sflag:s30] =	ssyncpa.u1 $0x1  }
0x40: {  	[sflag:s31] =	ssyncpa.u1 $0x1  }
0x41: {  	p0 =	sne.s32 s1, $0x0;
	_ =	strace $0x9000004D  }
0x42: {  	s0 =	sadd.s32 @!p0 $0x100000, s0;
	[bflag:$0x2] =	sbarrier.arrive $0xFFFF  }
0x43: {  	[sflag:s0] =	ssyncadd.tile.s32 @!p0 $0x1;
	_ =	shalt  }
.Lfunc_end2:
_tile_overlayer_lowered:
.L_overlay_start_2:
0x44: {  	(tag) =	ssettag $0x2  }
0x45: {  	s0 =	rddreg [dreg:$0x0];
	s2 =	stileid.u32  }
0x46: {  	s1 =	rddreg [dreg:$0x1];
	p0 =	sne.s32 s2, $0x0  }
0x47: {  	s3 =	rddreg [dreg:$0x2];
	[bflag:$0x3] =	sbarrier.arrive $0xFFFF;
	s2 =	simm.s32 @!p0 $0x1C01  }
0x48: {  	[timem:s3], [sflag:s2] =	dma.local @!p0 [hbm:s0], s1  }
0x49: {  	s0 =	simm.s32 @!p0 $0x1  }
0x4a: {  	_ =	swait.ge @!p0 [sflag:s0], s1  }
0x4b: {  	s1 =	ssub.s32 @!p0 $0x0, s1;
	[sflag:s0] =	ssyncset.done @!p0 $0x0  }
0x4c: {  	[sflag:s0] =	ssyncadd.s32 @!p0 s1  }
0x4d: {  	[bflag:$0x3] =	sbarrier.arrive $0xFFFF  }
0x4e: {  	_ =	shalt  }

// kernel: kernel.12.cloned.1.call-start
scs
__scs_entry_jumppad:
0x0: {  	(pc) =	sbr.rel $0x88, $3  }
0x1: {  	(tag) =	ssettag $0x0;
	lr =	simm.s32 $0x1  }
0x2: {  	[smem:$0x3F98] =	sst lr;
	_ =	strace $0xD0000000  }
0x3: {  	_ = 	snop  }
0x4: {  	_ = 	snop  }
0x5: {  	_ = 	snop  }
0x6: {  	_ = 	snop  }
0x7: {  	_ = 	snop  }
__scs_overlays_trampoline_lowered:
0x8: {  	[smem:$0x3FA7] =	sst s0  }
0x9: {  	[smem:$0x3FA8] =	sst s1  }
0xa: {  	[smem:$0x3FA9] =	sst s2  }
0xb: {  	[smem:$0x3FAA] =	sst s3  }
0xc: {  	[smem:$0x3FAB] =	sst s4  }
0xd: {  	[smem:$0x3FAC] =	sst s5  }
0xe: {  	[smem:$0x3FAD] =	sst s6  }
0xf: {  	[smem:$0x3FAE] =	sst s7  }
0x10: {  	[smem:$0x3FAF] =	sst s8  }
0x11: {  	[smem:$0x3FB0] =	sst s9;
	s0 =	simm.s32 @!p0 $0x0  }
0x12: {  	s1 =	sld [smem:$0x3F96];
	s0 =	simm.s32 @p0 $0x1  }
0x13: {  	[smem:$0x3FB1] =	sst s0;
	s0 =	simm.s32 @!p1 $0x0  }
0x14: {  	s2 =	sld [smem:$0x3F95];
	s0 =	simm.s32 @p1 $0x1  }
0x15: {  	[smem:$0x3FB2] =	sst s0;
	s0 =	simm.s32 @!p2 $0x0  }
0x16: {  	s3 =	sld [smem:$0x3FDB];
	s0 =	simm.s32 @p2 $0x1  }
0x17: {  	s4 =	simm.s32 $0x1BF5;
	[smem:$0x3FB4] =	sst s0  }
0x18: {  	s0 =	sld [smem:$0x3F97];
	_ =	swait.ge [sflag:s4], $0x0  }
0x19: {  	s7 =	sld [smem:$0x3F98]  }
0x1a: {  	s8 =	sadd.s32 $0xFFFFE003, lr  }
0x1b: {  	s9 =	sadd.s32 $0xFFFFFEF7, lr;
	s5 =	simm.s32 $0xFFFFFFFF;
	p2 =	slt.u32 s8, $0xFFFFF086  }
0x1c: {  	p1 =	slt.u32 s9, $0xF7A;
	s5 =	simm.s32 @!p2 $0x0  }
0x1d: {  	s5 =	simm.s32 @p1 $0x1;
	p0 =	seq.s32 s7, s2  }
0x1e: {  	s7 =	smul.u32 @!p0 $0xF7A, s2;
	p2 =	seq.s32 @!p0 s5, $0x0  }
0x1f: {  	s9 =	smul.u32 $0xF7A, s1;
	s8 =	simm.s32 @!p0 $0x1BF5;
	p2 =	por !p2, p0  }
0x20: {  	[sflag:s8] =	ssyncset.s32 @!p0 $0xFFFFF086;
	s6 =	sadd.s32 @!p0 s3, s7;
	s7 =	simm.s32 @!p0 $0x108  }
0x21: {  	s3 =	sadd.s32 s3, s9;
	s6 =	sadd.s32 @!p0 $0x88, s6;
	s7 =	simm.s32 @p2 $0x1082  }
0x22: {  	[simem:s7], [sflag:s8] =	dma.local @!p0 [hbm:s6], $0xF7A  }
0x23: {  	s9 =	sor.u32 $0xD0000000, s2;
	s6 =	simm.s32 $0x108;
	_ =	swait.ge @!p0 [sflag:s8], $0x0  }
0x24: {  	s3 =	sadd.s32 $0x88, s3;
	s6 =	simm.s32 @!p1 $0x1082;
	[sflag:s4] =	ssyncset.s32 $0xFFFFF086  }
0x25: {  	[simem:s6], [sflag:s4] =	dma.local [hbm:s3], $0xF7A  }
0x26: {  	[smem:$0x3F98] =	sst s1;
	(tag) =	ssettag s2;
	_ =	strace s9  }
0x27: {  	s1 =	sld [smem:$0x3FA8]  }
0x28: {  	s2 =	sld [smem:$0x3FA9]  }
0x29: {  	s4 =	sld [smem:$0x3FAB]  }
0x2a: {  	p0 =	seq.s32 s5, $0x0;
	s5 =	sld [smem:$0x3FAC]  }
0x2b: {  	s6 =	sld [smem:$0x3FAD]  }
0x2c: {  	s7 =	sld [smem:$0x3FAE]  }
0x2d: {  	s3 =	simm.s32 $0x108;
	s8 =	sld [smem:$0x3FAF]  }
0x2e: {  	s3 =	simm.s32 @!p0 $0x1082;
	s9 =	sld [smem:$0x3FB0]  }
0x2f: {  	lr =	sadd.s32 s0, s3;
	s0 =	sld [smem:$0x3FA7]  }
0x30: {  	s3 =	sld [smem:$0x3FAA]  }
0x31: {  	[smem:$0x3FB3] =	sst s10  }
0x32: {  	s10 =	sld [smem:$0x3FB1];
	_ =	sdelay $0x3  }
0x33: {  	p0 =	seq.s32 s10, $0x1;
	s10 =	sld [smem:$0x3FB3];
	_ =	sdelay $0x3  }
0x34: {  	[smem:$0x3FB3] =	sst s10  }
0x35: {  	s10 =	sld [smem:$0x3FB2];
	_ =	sdelay $0x3  }
0x36: {  	p1 =	seq.s32 s10, $0x1;
	s10 =	sld [smem:$0x3FB3];
	_ =	sdelay $0x3  }
0x37: {  	[smem:$0x3FB3] =	sst s10  }
0x38: {  	s10 =	sld [smem:$0x3FB4]  }
0x39: {  	_ = 	snop;
	(pc) =	sbr.ind lr, $3  }
0x3a: {  	_ = 	snop  }
0x3b: {  	_ = 	snop  }
0x3c: {  	p2 =	seq.s32 s10, $0x1;
	s10 =	sld [smem:$0x3FB3]  }
0x3d: {  	_ =	shalt  }
0x3e: {  	_ =	shalt  }
0x3f: {  	_ =	shalt  }
0x40: {  	_ =	shalt  }
0x41: {  	_ =	shalt  }
0x42: {  	_ =	shalt  }
0x43: {  	_ =	shalt  }
0x44: {  	_ =	shalt  }
0x45: {  	_ =	shalt  }
0x46: {  	_ =	shalt  }
0x47: {  	_ =	shalt  }
0x48: {  	_ =	shalt  }
0x49: {  	_ =	shalt  }
0x4a: {  	_ =	shalt  }
0x4b: {  	_ =	shalt  }
0x4c: {  	_ =	shalt  }
0x4d: {  	_ =	shalt  }
0x4e: {  	_ =	shalt  }
0x4f: {  	_ =	shalt  }
0x50: {  	_ =	shalt  }
0x51: {  	_ =	shalt  }
0x52: {  	_ =	shalt  }
0x53: {  	_ =	shalt  }
0x54: {  	_ =	shalt  }
0x55: {  	_ =	shalt  }
0x56: {  	_ =	shalt  }
0x57: {  	_ =	shalt  }
0x58: {  	_ =	shalt  }
0x59: {  	_ =	shalt  }
0x5a: {  	_ =	shalt  }
0x5b: {  	_ =	shalt  }
0x5c: {  	_ =	shalt  }
0x5d: {  	_ =	shalt  }
0x5e: {  	_ =	shalt  }
0x5f: {  	_ =	shalt  }
0x60: {  	_ =	shalt  }
0x61: {  	_ =	shalt  }
0x62: {  	_ =	shalt  }
0x63: {  	_ =	shalt  }
0x64: {  	_ =	shalt  }
0x65: {  	_ =	shalt  }
0x66: {  	_ =	shalt  }
0x67: {  	_ =	shalt  }
0x68: {  	_ =	shalt  }
0x69: {  	_ =	shalt  }
0x6a: {  	_ =	shalt  }
0x6b: {  	_ =	shalt  }
0x6c: {  	_ =	shalt  }
0x6d: {  	_ =	shalt  }
0x6e: {  	_ =	shalt  }
0x6f: {  	_ =	shalt  }
0x70: {  	_ =	shalt  }
0x71: {  	_ =	shalt  }
0x72: {  	_ =	shalt  }
0x73: {  	_ =	shalt  }
0x74: {  	_ =	shalt  }
0x75: {  	_ =	shalt  }
0x76: {  	_ =	shalt  }
0x77: {  	_ =	shalt  }
0x78: {  	_ =	shalt  }
0x79: {  	_ =	shalt  }
0x7a: {  	_ =	shalt  }
0x7b: {  	_ =	shalt  }
0x7c: {  	_ =	shalt  }
0x7d: {  	_ =	shalt  }
0x7e: {  	_ =	shalt  }
0x7f: {  	_ =	shalt  }
0x80: {  	_ =	shalt  }
0x81: {  	_ =	shalt  }
0x82: {  	_ =	shalt  }
0x83: {  	_ =	shalt  }
0x84: {  	_ =	shalt  }
0x85: {  	_ =	shalt  }
0x86: {  	_ =	shalt  }
0x87: {  	_ =	shalt  }
.Lfunc_end0:
.L_simem_size_0:
called_computation.3_lowered:
.L_overlay_start_0:
0x88: {  	s2 =	sld [smem:$0x3FD9]  }
0x89: {  	s3 =	sld [smem:$0x3FFE];
	_ =	sdelay $0x1  }
0x8a: {  	s1 =	srdreg.scid  }
0x8b: {  	s0 =	sand.u32 $0x1, s1  }
0x8c: {  	s17 =	sshll.u32 s0, $0xA;
	s2 =	sadd.s32 s3, s2  }
0x8d: {  	s2 =	sadd.s32 s2, s17  }
0x8e: {  	[smem:$0x3FBF] =	sst s2  }
0x8f: {  	_ = 	snop  }
0x90: {  	(tm) =	ssettm $0x1  }
0x91: {  	s18 =	sld [smem:$0x3FFB];
	_ =	sdelay $0x3  }
0x92: {  	_ =	strace s18  }
0x93: {  	s2 =	sld [smem:$0x3FFC];
	_ =	sdelay $0x3  }
0x94: {  	_ =	strace s2  }
0x95: {  	s2 =	sld [smem:$0x3FFD];
	_ =	sdelay $0x3  }
0x96: {  	_ =	strace s2  }
0x97: {  	_ =	strace $0x8FFFFFFF  }
0x98: {  	s19 =	sld [smem:$0x3FDB];
	_ =	sdelay $0x1  }
0x99: {  	s20 =	simm.s32 $_scs_section_size  }
0x9a: {  	s4 =	simm.s32 $_size__tile_overlayer_lowered;
	s5 =	simm.s32 $_tile_overlayer_lowered  }
0x9b: {  	s6 =	simm.s32 $0x1BFF;
	s21 =	sshll.u32 s5, $0x1;
	s3 =	sadd.s32 s20, s19  }
0x9c: {  	s22 =	simm.s32 $0x0;
	s4 =	sshll.u32 s4, $0x1;
	s5 =	sadd.s32 s21, s3  }
0x9d: {  	[timem:s22], [sflag:s6] =	dma.local [hbm:s5], s4  }
0x9e: {  	_ =	swait.ge [sflag:s6], s4  }
0x9f: {  	s4 =	ssub.s32 $0x0, s4;
	[sflag:s6] =	ssyncset.done $0x0  }
0xa0: {  	[sflag:s6] =	ssyncadd.s32 s4;
	_ =	sdelay $0x1  }
0xa1: {  	s23 =	simm.s32 $0x1B8B  }
0xa2: {  	_ =	swait.ge [sflag:s23], $0x1  }
0xa3: {  	[sflag:s23] =	ssyncset.done $0x0  }
0xa4: {  	[sflag:s23] =	ssyncadd.s32 $0xFFFFFFFF  }
0xa5: {  	s4 =	sld [smem:$0x0]  }
0xa6: {  	s5 =	sand.u32 $0xFFFFFFFE, s1  }
0xa7: {  	p0 =	sne.s32 s1, s5  }
0xa8: {  	s5 =	sshll.u32 @p0 s5, $0xE  }
0xa9: {  	s5 =	sadd.s32 @p0 $0x11B8D, s5;
	s6 =	sshll.u32 @p0 s4, $0x11  }
0xaa: {  	s5 =	sor.u32 @p0 s6, s5  }
0xab: {  	[sflag:s5] =	ssyncadd.remote.s32 @p0 $0x1;
	_ =	sdelay $0x1  }
0xac: {  	s5 =	simm.s32 @p0 $0x1B8D  }
0xad: {  	_ =	swait.eq @p0 [sflag:s5], $0x1  }
0xae: {  	[sflag:s5] =	ssyncadd.s32 @p0 $0xFFFFFFFF  }
0xaf: {  	s6 =	sshll.u32 @!p0 s1, $0xE  }
0xb0: {  	s6 =	sor.u32 @!p0 $0x4000, s6;
	s5 =	simm.s32 @!p0 $0x1B8D  }
0xb1: {  	s4 =	sshll.u32 @!p0 s4, $0x11;
	s6 =	sadd.s32 @!p0 $0x11B8D, s6;
	_ =	swait.eq @!p0 [sflag:s5], $0x1  }
0xb2: {  	s4 =	sor.u32 @!p0 s4, s6;
	[sflag:s5] =	ssyncadd.s32 @!p0 $0xFFFFFFFF  }
0xb3: {  	s25 =	simm.s32 $0x1B8E;
	s24 =	sld [smem:$0x3FFE];
	[sflag:s4] =	ssyncadd.remote.s32 @!p0 $0x1  }
0xb4: {  	s26 =	simm.s32 $execute0_lowered;
	[smem:$0x3FD2] =	sst s25  }
0xb5: {  	s5 =	sshll.u32 s26, $0x1;
	_ =	strace $0x80000052;
	[dreg:$0x1] =	wrdreg $0xFFFFFFFF  }
0xb6: {  	s28 =	simm.s32 $_size_execute0_lowered;
	s3 =	sadd.s32 s3, s5;
	[dreg:$0x0] =	wrdreg $0x0  }
0xb7: {  	s5 =	sshll.u32 s28, $0x1;
	[dreg:$0x2] =	wrdreg s3  }
0xb8: {  	[dreg:$0x3] =	wrdreg s5  }
0xb9: {  	[dreg:$0x4] =	wrdreg $0xC0  }
0xba: {  	_ =	task [dreg:s22], $0x5FFFF  }
0xbb: {  	[dreg:$0x1] =	wrdreg $0xFFFFFFFF  }
0xbc: {  	[dreg:$0x0] =	wrdreg $0x60  }
0xbd: {  	[dreg:$0x2] =	wrdreg s24  }
0xbe: {  	[dreg:$0x3] =	wrdreg $0x9  }
0xbf: {  	_ =	task.clear_ibuf [dreg:s22], $0x4FFFF;
	_ =	strace $0x90000052  }
0xc0: {  	s29 =	simm.s32 $0x9;
	_ =	strace $0x80000054  }
0xc1: {  	_ =	swait.ge [sflag:s29], $0x1  }
0xc2: {  	[sflag:s29] =	ssyncadd.s32 $0xFFFFFFFF  }
0xc3: {  	_ =	strace $0x90000054  }
0xc4: {  	_ =	sfence  }
0xc5: {  	s30 =	sld [smem:$0x0];
	_ =	sdelay $0x2  }
0xc6: {  	s31 =	sshll.u32 s1, $0xD;
	s1 =	sshrl.u32 s1, $0x2  }
0xc7: {  	s4 =	sand.u32 $0x4000, s31;
	s1 =	sadd.s32 s1, s30  }
0xc8: {  	s0 =	sor.u32 s4, s0;
	s1 =	sshll.u32 s1, $0x11  }
0xc9: {  	s0 =	sor.u32 s1, s0  }
0xca: {  	s0 =	sadd.s32 $0x8F2B, s0  }
0xcb: {  	[sflag:s0] =	ssyncadd.remote.s32 $0x1  }
0xcc: {  	_ =	sfence.sel $0xFFFF  }
0xcd: {  	[dreg:$0x0] =	wrdreg $0xFFFFFFFF;
	(pc) =	sbr.abs _section_cstart, $3  }
0xce: {  	[dreg:$0x1] =	wrdreg $0xFFFFFFFF  }
0xcf: {  	_ =	task.clear_ibuf [dreg:s22], $0x2FFFF;
	_ =	strace $0x9FFFFFFF  }
0xd0: {  	(tm) =	ssettm $0x7FFFFFFF  }
0xd1: {  	_ =	shalt  }
tec
execute0_lowered:
.L_overlay_start_1:
0x0: {  	(tag) =	ssettag $0x1  }
0x1: {  	s1 =	rddreg [dreg:$0x0];
	s2 =	simm.s32 $0x0  }
0x2: {  	s0 =	srdreg.scid;
	s14 =	stileid.u32;
	s17 =	simm.s32 $0x1  }
0x3: {  	s18 =	simm.s32 $0x9C80;
	s19 =	simm.s32 $0x13900;
	s20 =	simm.s32 $0x1D600  }
0x4: {  	s21 =	simm.s32 $0x1D680;
	s22 =	simm.s32 $0x1D700;
	s23 =	simm.s32 $0x1D780  }
0x5: {  	s24 =	simm.s32 $0x1D800;
	s25 =	simm.s32 $0x0;
	[smem:$0x7FF] =	sst s2  }
0x6: {  	s3 =	sadd.s32 $0x1400, s1;
	s4 =	sadd.s32 $0x5400, s1;
	s5 =	sadd.s32 $0x30200, s1  }
0x7: {  	s7 =	sadd.s32 $0x57400, s1;
	s8 =	sadd.s32 $0x3E00, s1;
	s0 =	sand.u32 $0x1, s0  }
.Ltmp0:
0x8: {  	s9 =	sadd.s32 $0x153EE00, s1;
	s10 =	sadd.s32 $0x1566000, s1;
	(pc) =	sbr.rel .LBB2_1-.Ltmp0, $4  }
0x9: {  	s13 =	sshll.u32 s14, $0x1;
	s11 =	sadd.s32 $0x158D200, s1;
	s6 =	ssub.s32 $0x2, s0  }
0xa: {  	s15 =	sshll.u32 s14, $0x8;
	_ =	strace $0x80000053;
	s12 =	sshrl.u32 s6, $0x1  }
0xb: {  	s6 =	ssub.s32 s6, s12;
	s12 =	sor.u32 s0, s13;
	s0 =	sshll.u32 s0, $0x7  }
0xc: {  	v0 =	vlaneseq.u32;
	s13 =	sshll.u32 s12, $0x7;
	s14 =	smax.u32 s6, $0x1;
	s6 =	sor.u32 s0, s15  }
.LBB2_5:
0xd: {  	s25 =	sadd.s32 $0x1, s25  }
0xe: {  	p0 =	sne.s32 s25, s14  }
.Ltmp1:
0xf: {  	_ = 	snop;
	(pc) =	sbr.rel @!p0 .LBB2_6-.Ltmp1, $1  }
0x10: {  	_ =	sdelay $0x3  }
.LBB2_1:
0x11: {  	s0 =	simm.s32 $0x1D580  }
0x12: {  	[tilespmem:s0], [sflag:$0x1] =	stream.linear.gather [hbm4b:s8+s2], $0x80, $0x38;
	[tilespmem:$0x1D880] =	vst v63  }
0x13: {  	_ =	swait.ge [sflag:s17], $0x80  }
0x14: {  	[sflag:s17] =	ssyncset.done $0x0  }
0x15: {  	[sflag:s17] =	ssyncadd.s32 $0xFFFFFF80  }
0x16: {  	v1 =	vld [tilespmem:$0x1D580];
	_ =	sdelay $0x4  }
0x17: {  	(v2sf) =	vpush v1, $0x0;
	_ =	sdelay $0xd  }
0x18: {  	[tilespmem:s2], [sflag:$0x1] =	stream.linear.gather [hbm4b:s1+s2], $0x9C80, $0x38;
	[tilespmem:$0x1D880] =	vst v63  }
0x19: {  	s30 =	spop (v2sf)  }
0x1a: {  	_ =	swait.ge [sflag:s17], $0x9C80  }
0x1b: {  	s0 =	sadd.s32 $0x7F, s30;
	[sflag:s17] =	ssyncset.done $0x0  }
0x1c: {  	s15 =	sshra.s32 s0, $0x1F;
	s16 =	sand.u32 $0x7F, s0;
	p0 =	slt.s32 s0, $0x1  }
0x1d: {  	[sflag:s17] =	ssyncadd.s32 $0xFFFF6380;
	s15 =	sshrl.u32 s15, $0x19;
	p1 =	sne.s32 s16, $0x0  }
0x1e: {  	[tilespmem:s18], [sflag:$0x1] =	stream.linear.gather [hbm4b:s3+s2], $0x9C80, $0x38;
	[tilespmem:$0x1D880] =	vst v63  }
0x1f: {  	s0 =	sadd.s32 s15, s0;
	p0 =	por !p0, !p1  }
0x20: {  	s15 =	simm.s32 $0x1;
	s0 =	sshra.s32 s0, $0x7;
	p0 =	por !p0, !p0  }
0x21: {  	s0 =	ssub.s32 s0, s12;
	s15 =	simm.s32 @!p0 $0x0  }
0x22: {  	s0 =	ssub.s32 s0, s15  }
0x23: {  	p0 =	sgt.s32 s0, $0xFFFFFFE1  }
0x24: {  	p5 =	slt.s32 s0, $0xFFFFFFE2;
	s0 =	simm.s32 @!p0 $0xFFFFFFE1  }
0x25: {  	s0 =	sadd.s32 $0x1F, s0  }
0x26: {  	s31 =	sand.u32 $0x1F, s0  }
0x27: {  	p6 =	sne.s32 s31, $0x0  }
0x28: {  	p0 =	por !p5, !p6  }
0x29: {  	s15 =	simm.s32 $0x1;
	p0 =	por !p0, !p0  }
0x2a: {  	s0 =	sshrl.u32 s0, $0x5;
	s15 =	simm.s32 @!p0 $0x0  }
0x2b: {  	_ =	swait.ge [sflag:s17], $0x9C80;
	s26 =	ssub.s32 s0, s15  }
0x2c: {  	[sflag:s17] =	ssyncset.done $0x0;
	p0 =	slt.s32 s26, $0x1  }
.Ltmp2:
0x2d: {  	[sflag:s17] =	ssyncadd.s32 $0xFFFF6380;
	(pc) =	sbr.rel @p0 .LBB2_5-.Ltmp2, $4  }
0x2e: {  	[tilespmem:s19], [sflag:$0x1] =	stream.linear.gather [hbm4b:s4+s2], $0x9C80, $0x38;
	[tilespmem:$0x1D880] =	vst v63  }
0x2f: {  	_ =	swait.ge [sflag:s17], $0x9C80  }
0x30: {  	[sflag:s17] =	ssyncset.done $0x0  }
0x31: {  	s29 =	simm.s32 $0x0;
	[sflag:s17] =	ssyncadd.s32 $0xFFFF6380;
	s15 =	smov.u32 s6  }
.LBB2_2:
0x32: {  	s0 =	sshll.u32 s29, $0xC  }
0x33: {  	s0 =	sor.u32 s13, s0  }
0x34: {  	s30 =	sshrl.u32 s0, $0x3  }
0x35: {  	s16 =	simm.s32 $0x0;
	s0 =	sadd.s32 s5, s30  }
0x36: {  	[tilespmem:s20], [sflag:$0x1] =	stream.linear.gather [hbm4b:s0+s16], $0x80, $0x38;
	[tilespmem:$0x1D880] =	vst v63  }
0x37: {  	_ =	swait.ge [sflag:s17], $0x80  }
0x38: {  	[sflag:s17] =	ssyncset.done $0x0  }
0x39: {  	s0 =	sadd.s32 s7, s30;
	[sflag:s17] =	ssyncadd.s32 $0xFFFFFF80  }
0x3a: {  	[tilespmem:s21], [sflag:$0x1] =	stream.linear.gather [hbm4b:s0+s16], $0x80, $0x38;
	[tilespmem:$0x1D880] =	vst v63  }
0x3b: {  	_ =	swait.ge [sflag:s17], $0x80  }
0x3c: {  	[sflag:s17] =	ssyncset.done $0x0  }
0x3d: {  	s16 =	simm.s32 $0x0;
	[sflag:s17] =	ssyncadd.s32 $0xFFFFFF80  }
0x3e: {  	v3 =	vld [tilespmem:s16+$0x1D600];
	_ =	sdelay $0x5  }
0x3f: {  	v2 =	vld [tilespmem:s16+$0x1D680];
	_ =	sdelay $0x1  }
0x40: {  	v4 =	vld.idx.msk [tilespmem:v3+s18+$0x0], $0xffff;
	_ =	sdelay $0x4  }
0x41: {  	[tilespmem:s16+$0x1D700] =	vst v4  }
0x42: {  	v4 =	vld.idx.msk [tilespmem:v2+s19+$0x0], $0xffff;
	_ =	sdelay $0x3  }
0x43: {  	s31 =	simm.s32 $0x10  }
0x44: {  	v2 =	vld [tilespmem:s31+$0x1D600];
	[tilespmem:s16+$0x1D780] =	vst v4  }
0x45: {  	v3 =	vld.idx.msk [tilespmem:v3+s2+$0x0], $0xffff;
	_ =	sdelay $0x2  }
0x46: {  	v4 =	vor.u32 s15, v0  }
0x47: {  	vm0 =	vlt.s32 v4, v1  }
0x48: {  	v4 =	vld [tilespmem:s31+$0x1D680];
	v3 =	vnsel vm0, $0x1388, v3  }
0x49: {  	[tilespmem:s16+$0x1D800] =	vst v3  }
0x4a: {  	v3 =	vld.idx.msk [tilespmem:v2+s18+$0x0], $0xffff;
	_ =	sdelay $0x4  }
0x4b: {  	[tilespmem:s31+$0x1D700] =	vst v3  }
0x4c: {  	v4 =	vld.idx.msk [tilespmem:v4+s19+$0x0], $0xffff;
	_ =	sdelay $0x3  }
0x4d: {  	s0 =	simm.s32 $0x20  }
0x4e: {  	s28 =	smov.u32 s15;
	s16 =	simm.s32 $0xC0;
	v3 =	vld [tilespmem:s0+$0x1D600];
	[tilespmem:s31+$0x1D780] =	vst v4  }
.LBB2_3:
0x4f: {  	p0 =	sne.s32 s16, $0x1C0;
	v4 =	vld.idx.msk [tilespmem:v2+s2+$0x0], $0xffff;
	_ =	sdelay $0x2  }
0x50: {  	s28 =	sadd.s32 $0x10, s28  }
0x51: {  	v5 =	vor.u32 s28, v0;
	v2 =	vmov v3  }
0x52: {  	vm0 =	vlt.s32 v5, v1  }
0x53: {  	v4 =	vnsel vm0, $0x1388, v4  }
0x54: {  	v5 =	vld [tilespmem:s0+$0x1D680];
	[tilespmem:s31+$0x1D800] =	vst v4;
	s31 =	smov.u32 s0  }
0x55: {  	v3 =	vld.idx.msk [tilespmem:v3+s18+$0x0], $0xffff;
	_ =	sdelay $0x5  }
0x56: {  	[tilespmem:s31+$0x1D700] =	vst v3  }
0x57: {  	v4 =	vld.idx.msk [tilespmem:v5+s19+$0x0], $0xffff;
	_ =	sdelay $0x1  }
.Ltmp3:
0x58: {  	(pc) =	sbr.rel @p0 .LBB2_3-.Ltmp3, $3  }
0x59: {  	_ =	sdelay $0x1  }
0x5a: {  	s0 =	sshra.s32 s16, $0x2  }
0x5b: {  	s16 =	sadd.s32 $0x40, s16;
	v3 =	vld [tilespmem:s0+$0x1D600];
	[tilespmem:s31+$0x1D780] =	vst v4  }
0x5c: {  	_ =	sdelay $0x3  }
0x5d: {  	v2 =	vld.idx.msk [tilespmem:v2+s2+$0x0], $0xffff;
	_ =	sdelay $0x1  }
0x5e: {  	s16 =	sadd.s32 $0x10, s28  }
0x5f: {  	v4 =	vor.u32 s16, v0  }
0x60: {  	vm0 =	vlt.s32 v4, v1  }
0x61: {  	v63 =	vld [tilespmem:s0+$0x1D680];
	v2 =	vnsel vm0, $0x1388, v2  }
0x62: {  	[tilespmem:s31+$0x1D800] =	vst v2  }
0x63: {  	v2 =	vld.idx.msk [tilespmem:v3+s18+$0x0], $0xffff;
	_ =	sdelay $0x4  }
0x64: {  	[tilespmem:s0+$0x1D700] =	vst v2  }
0x65: {  	v2 =	vld.idx.msk [tilespmem:v63+s19+$0x0], $0xffff;
	_ =	sdelay $0x4  }
0x66: {  	[tilespmem:s0+$0x1D780] =	vst v2  }
0x67: {  	v2 =	vld.idx.msk [tilespmem:v3+s2+$0x0], $0xffff;
	_ =	sdelay $0x1  }
0x68: {  	s16 =	sadd.s32 $0x10, s16  }
0x69: {  	v3 =	vor.u32 s16, v0  }
0x6a: {  	vm15 =	vlt.s32 v3, v1  }
0x6b: {  	v2 =	vnsel vm15, $0x1388, v2  }
0x6c: {  	s16 =	sadd.s32 s9, s30;
	[tilespmem:s0+$0x1D800] =	vst v2  }
0x6d: {  	[hbm4b:s16+s2] =	stream.linear.scatter [tilespmem:s22], [sflag:$0x1], $0x80, $0x38;
	[tilespmem:$0x1D880] =	vst v63  }
0x6e: {  	_ =	swait.ge [sflag:s17], $0x80  }
0x6f: {  	[sflag:s17] =	ssyncset.done $0x0  }
0x70: {  	s28 =	sadd.s32 s10, s30;
	[sflag:s17] =	ssyncadd.s32 $0xFFFFFF80  }
0x71: {  	[hbm4b:s28+s2] =	stream.linear.scatter [tilespmem:s23], [sflag:$0x1], $0x80, $0x38;
	[tilespmem:$0x1D880] =	vst v63  }
0x72: {  	_ =	swait.ge [sflag:s17], $0x80  }
0x73: {  	s29 =	sadd.s32 $0x1, s29;
	[sflag:s17] =	ssyncset.done $0x0  }
0x74: {  	p0 =	sne.s32 s29, s26;
	s31 =	sadd.s32 s11, s30;
	[sflag:s17] =	ssyncadd.s32 $0xFFFFFF80  }
0x75: {  	[hbm4b:s31+s2] =	stream.linear.scatter [tilespmem:s24], [sflag:$0x1], $0x80, $0x38;
	[tilespmem:$0x1D880] =	vst v63  }
.Ltmp4:
0x76: {  	_ = 	snop;
	(pc) =	sbr.rel @p0 .LBB2_2-.Ltmp4, $4  }
.Ltmp5:
0x77: {  	_ = 	snop;
	(pc) =	sbr.rel @!p0 .LBB2_5-.Ltmp5, $4  }
0x78: {  	_ =	swait.ge [sflag:s17], $0x80  }
0x79: {  	[sflag:s17] =	ssyncset.done $0x0  }
0x7a: {  	s15 =	sadd.s32 $0x1000, s15;
	[sflag:s17] =	ssyncadd.s32 $0xFFFFFF80  }
0x7b: {  	_ = 	snop  }
.LBB2_6:
0x7c: {  	_ =	sfence.sel $0x180000  }
0x7d: {  	[bflag:$0x0] =	sbarrier.arrive $0xFFFF  }
0x7e: {  	_ =	strace $0x90000053  }
0x7f: {  	s0 =	stileid.u32;
	[bflag:$0x2] =	sbarrier.arrive $0xFFFF  }
0x80: {  	p0 =	sne.s32 s0, $0x0;
	s0 =	rddreg [dreg:$0x1]  }
0x81: {  	s0 =	sadd.s32 @!p0 $0x100000, s0  }
0x82: {  	[sflag:s0] =	ssyncadd.tile.s32 @!p0 $0x1;
	_ =	shalt  }
.Lfunc_end2:
_tile_overlayer_lowered:
.L_overlay_start_2:
0x83: {  	(tag) =	ssettag $0x2  }
0x84: {  	s0 =	rddreg [dreg:$0x0];
	s2 =	stileid.u32  }
0x85: {  	s1 =	rddreg [dreg:$0x1];
	p0 =	sne.s32 s2, $0x0  }
0x86: {  	s3 =	rddreg [dreg:$0x2];
	[bflag:$0x3] =	sbarrier.arrive $0xFFFF;
	s2 =	simm.s32 @!p0 $0x1C01  }
0x87: {  	[timem:s3], [sflag:s2] =	dma.local @!p0 [hbm:s0], s1  }
0x88: {  	s0 =	simm.s32 @!p0 $0x1  }
0x89: {  	_ =	swait.ge @!p0 [sflag:s0], s1  }
0x8a: {  	s1 =	ssub.s32 @!p0 $0x0, s1;
	[sflag:s0] =	ssyncset.done @!p0 $0x0  }
0x8b: {  	[sflag:s0] =	ssyncadd.s32 @!p0 s1  }
0x8c: {  	[bflag:$0x3] =	sbarrier.arrive $0xFFFF  }
0x8d: {  	_ =	shalt  }

// kernel: kernel.15.cloned.1.call-start
scs
__scs_entry_jumppad:
0x0: {  	(pc) =	sbr.rel $0x88, $3  }
0x1: {  	(tag) =	ssettag $0x0;
	lr =	simm.s32 $0x1  }
0x2: {  	[smem:$0x3F98] =	sst lr;
	_ =	strace $0xD0000000  }
0x3: {  	_ = 	snop  }
0x4: {  	_ = 	snop  }
0x5: {  	_ = 	snop  }
0x6: {  	_ = 	snop  }
0x7: {  	_ = 	snop  }
__scs_overlays_trampoline_lowered:
0x8: {  	[smem:$0x3FA7] =	sst s0  }
0x9: {  	[smem:$0x3FA8] =	sst s1  }
0xa: {  	[smem:$0x3FA9] =	sst s2  }
0xb: {  	[smem:$0x3FAA] =	sst s3  }
0xc: {  	[smem:$0x3FAB] =	sst s4  }
0xd: {  	[smem:$0x3FAC] =	sst s5  }
0xe: {  	[smem:$0x3FAD] =	sst s6  }
0xf: {  	[smem:$0x3FAE] =	sst s7  }
0x10: {  	[smem:$0x3FAF] =	sst s8  }
0x11: {  	[smem:$0x3FB0] =	sst s9;
	s0 =	simm.s32 @!p0 $0x0  }
0x12: {  	s1 =	sld [smem:$0x3F96];
	s0 =	simm.s32 @p0 $0x1  }
0x13: {  	[smem:$0x3FB1] =	sst s0;
	s0 =	simm.s32 @!p1 $0x0  }
0x14: {  	s2 =	sld [smem:$0x3F95];
	s0 =	simm.s32 @p1 $0x1  }
0x15: {  	[smem:$0x3FB2] =	sst s0;
	s0 =	simm.s32 @!p2 $0x0  }
0x16: {  	s3 =	sld [smem:$0x3FDB];
	s0 =	simm.s32 @p2 $0x1  }
0x17: {  	s4 =	simm.s32 $0x1BF5;
	[smem:$0x3FB4] =	sst s0  }
0x18: {  	s0 =	sld [smem:$0x3F97];
	_ =	swait.ge [sflag:s4], $0x0  }
0x19: {  	s7 =	sld [smem:$0x3F98]  }
0x1a: {  	s8 =	sadd.s32 $0xFFFFE003, lr  }
0x1b: {  	s9 =	sadd.s32 $0xFFFFFEF7, lr;
	s5 =	simm.s32 $0xFFFFFFFF;
	p2 =	slt.u32 s8, $0xFFFFF086  }
0x1c: {  	p1 =	slt.u32 s9, $0xF7A;
	s5 =	simm.s32 @!p2 $0x0  }
0x1d: {  	s5 =	simm.s32 @p1 $0x1;
	p0 =	seq.s32 s7, s2  }
0x1e: {  	s7 =	smul.u32 @!p0 $0xF7A, s2;
	p2 =	seq.s32 @!p0 s5, $0x0  }
0x1f: {  	s9 =	smul.u32 $0xF7A, s1;
	s8 =	simm.s32 @!p0 $0x1BF5;
	p2 =	por !p2, p0  }
0x20: {  	[sflag:s8] =	ssyncset.s32 @!p0 $0xFFFFF086;
	s6 =	sadd.s32 @!p0 s3, s7;
	s7 =	simm.s32 @!p0 $0x108  }
0x21: {  	s3 =	sadd.s32 s3, s9;
	s6 =	sadd.s32 @!p0 $0x88, s6;
	s7 =	simm.s32 @p2 $0x1082  }
0x22: {  	[simem:s7], [sflag:s8] =	dma.local @!p0 [hbm:s6], $0xF7A  }
0x23: {  	s9 =	sor.u32 $0xD0000000, s2;
	s6 =	simm.s32 $0x108;
	_ =	swait.ge @!p0 [sflag:s8], $0x0  }
0x24: {  	s3 =	sadd.s32 $0x88, s3;
	s6 =	simm.s32 @!p1 $0x1082;
	[sflag:s4] =	ssyncset.s32 $0xFFFFF086  }
0x25: {  	[simem:s6], [sflag:s4] =	dma.local [hbm:s3], $0xF7A  }
0x26: {  	[smem:$0x3F98] =	sst s1;
	(tag) =	ssettag s2;
	_ =	strace s9  }
0x27: {  	s1 =	sld [smem:$0x3FA8]  }
0x28: {  	s2 =	sld [smem:$0x3FA9]  }
0x29: {  	s4 =	sld [smem:$0x3FAB]  }
0x2a: {  	p0 =	seq.s32 s5, $0x0;
	s5 =	sld [smem:$0x3FAC]  }
0x2b: {  	s6 =	sld [smem:$0x3FAD]  }
0x2c: {  	s7 =	sld [smem:$0x3FAE]  }
0x2d: {  	s3 =	simm.s32 $0x108;
	s8 =	sld [smem:$0x3FAF]  }
0x2e: {  	s3 =	simm.s32 @!p0 $0x1082;
	s9 =	sld [smem:$0x3FB0]  }
0x2f: {  	lr =	sadd.s32 s0, s3;
	s0 =	sld [smem:$0x3FA7]  }
0x30: {  	s3 =	sld [smem:$0x3FAA]  }
0x31: {  	[smem:$0x3FB3] =	sst s10  }
0x32: {  	s10 =	sld [smem:$0x3FB1];
	_ =	sdelay $0x3  }
0x33: {  	p0 =	seq.s32 s10, $0x1;
	s10 =	sld [smem:$0x3FB3];
	_ =	sdelay $0x3  }
0x34: {  	[smem:$0x3FB3] =	sst s10  }
0x35: {  	s10 =	sld [smem:$0x3FB2];
	_ =	sdelay $0x3  }
0x36: {  	p1 =	seq.s32 s10, $0x1;
	s10 =	sld [smem:$0x3FB3];
	_ =	sdelay $0x3  }
0x37: {  	[smem:$0x3FB3] =	sst s10  }
0x38: {  	s10 =	sld [smem:$0x3FB4]  }
0x39: {  	_ = 	snop;
	(pc) =	sbr.ind lr, $3  }
0x3a: {  	_ = 	snop  }
0x3b: {  	_ = 	snop  }
0x3c: {  	p2 =	seq.s32 s10, $0x1;
	s10 =	sld [smem:$0x3FB3]  }
0x3d: {  	_ =	shalt  }
0x3e: {  	_ =	shalt  }
0x3f: {  	_ =	shalt  }
0x40: {  	_ =	shalt  }
0x41: {  	_ =	shalt  }
0x42: {  	_ =	shalt  }
0x43: {  	_ =	shalt  }
0x44: {  	_ =	shalt  }
0x45: {  	_ =	shalt  }
0x46: {  	_ =	shalt  }
0x47: {  	_ =	shalt  }
0x48: {  	_ =	shalt  }
0x49: {  	_ =	shalt  }
0x4a: {  	_ =	shalt  }
0x4b: {  	_ =	shalt  }
0x4c: {  	_ =	shalt  }
0x4d: {  	_ =	shalt  }
0x4e: {  	_ =	shalt  }
0x4f: {  	_ =	shalt  }
0x50: {  	_ =	shalt  }
0x51: {  	_ =	shalt  }
0x52: {  	_ =	shalt  }
0x53: {  	_ =	shalt  }
0x54: {  	_ =	shalt  }
0x55: {  	_ =	shalt  }
0x56: {  	_ =	shalt  }
0x57: {  	_ =	shalt  }
0x58: {  	_ =	shalt  }
0x59: {  	_ =	shalt  }
0x5a: {  	_ =	shalt  }
0x5b: {  	_ =	shalt  }
0x5c: {  	_ =	shalt  }
0x5d: {  	_ =	shalt  }
0x5e: {  	_ =	shalt  }
0x5f: {  	_ =	shalt  }
0x60: {  	_ =	shalt  }
0x61: {  	_ =	shalt  }
0x62: {  	_ =	shalt  }
0x63: {  	_ =	shalt  }
0x64: {  	_ =	shalt  }
0x65: {  	_ =	shalt  }
0x66: {  	_ =	shalt  }
0x67: {  	_ =	shalt  }
0x68: {  	_ =	shalt  }
0x69: {  	_ =	shalt  }
0x6a: {  	_ =	shalt  }
0x6b: {  	_ =	shalt  }
0x6c: {  	_ =	shalt  }
0x6d: {  	_ =	shalt  }
0x6e: {  	_ =	shalt  }
0x6f: {  	_ =	shalt  }
0x70: {  	_ =	shalt  }
0x71: {  	_ =	shalt  }
0x72: {  	_ =	shalt  }
0x73: {  	_ =	shalt  }
0x74: {  	_ =	shalt  }
0x75: {  	_ =	shalt  }
0x76: {  	_ =	shalt  }
0x77: {  	_ =	shalt  }
0x78: {  	_ =	shalt  }
0x79: {  	_ =	shalt  }
0x7a: {  	_ =	shalt  }
0x7b: {  	_ =	shalt  }
0x7c: {  	_ =	shalt  }
0x7d: {  	_ =	shalt  }
0x7e: {  	_ =	shalt  }
0x7f: {  	_ =	shalt  }
0x80: {  	_ =	shalt  }
0x81: {  	_ =	shalt  }
0x82: {  	_ =	shalt  }
0x83: {  	_ =	shalt  }
0x84: {  	_ =	shalt  }
0x85: {  	_ =	shalt  }
0x86: {  	_ =	shalt  }
0x87: {  	_ =	shalt  }
.Lfunc_end0:
.L_simem_size_0:
called_computation.4_lowered:
.L_overlay_start_0:
0x88: {  	s2 =	sld [smem:$0x3FD9]  }
0x89: {  	s3 =	sld [smem:$0x3FFE];
	_ =	sdelay $0x1  }
0x8a: {  	s1 =	srdreg.scid  }
0x8b: {  	s0 =	sand.u32 $0x1, s1  }
0x8c: {  	s17 =	sshll.u32 s0, $0xA;
	s2 =	sadd.s32 s3, s2  }
0x8d: {  	s2 =	sadd.s32 s2, s17  }
0x8e: {  	[smem:$0x3FBF] =	sst s2  }
0x8f: {  	_ = 	snop  }
0x90: {  	(tm) =	ssettm $0x1  }
0x91: {  	s18 =	sld [smem:$0x3FFB];
	_ =	sdelay $0x3  }
0x92: {  	_ =	strace s18  }
0x93: {  	s2 =	sld [smem:$0x3FFC];
	_ =	sdelay $0x3  }
0x94: {  	_ =	strace s2  }
0x95: {  	s2 =	sld [smem:$0x3FFD];
	_ =	sdelay $0x3  }
0x96: {  	_ =	strace s2  }
0x97: {  	_ =	strace $0x8FFFFFFF  }
0x98: {  	s19 =	sld [smem:$0x3FDB];
	_ =	sdelay $0x1  }
0x99: {  	s20 =	simm.s32 $_scs_section_size  }
0x9a: {  	s4 =	simm.s32 $_size__tile_overlayer_lowered;
	s5 =	simm.s32 $_tile_overlayer_lowered  }
0x9b: {  	s6 =	simm.s32 $0x1BFF;
	s21 =	sshll.u32 s5, $0x1;
	s3 =	sadd.s32 s20, s19  }
0x9c: {  	s22 =	simm.s32 $0x0;
	s4 =	sshll.u32 s4, $0x1;
	s5 =	sadd.s32 s21, s3  }
0x9d: {  	[timem:s22], [sflag:s6] =	dma.local [hbm:s5], s4  }
0x9e: {  	_ =	swait.ge [sflag:s6], s4  }
0x9f: {  	s4 =	ssub.s32 $0x0, s4;
	[sflag:s6] =	ssyncset.done $0x0  }
0xa0: {  	[sflag:s6] =	ssyncadd.s32 s4;
	_ =	sdelay $0x1  }
0xa1: {  	s23 =	simm.s32 $0x1B8B  }
0xa2: {  	_ =	swait.ge [sflag:s23], $0x1  }
0xa3: {  	[sflag:s23] =	ssyncset.done $0x0  }
0xa4: {  	[sflag:s23] =	ssyncadd.s32 $0xFFFFFFFF  }
0xa5: {  	s4 =	sld [smem:$0x0]  }
0xa6: {  	s5 =	sand.u32 $0xFFFFFFFE, s1  }
0xa7: {  	p0 =	sne.s32 s1, s5  }
0xa8: {  	s5 =	sshll.u32 @p0 s5, $0xE  }
0xa9: {  	s5 =	sadd.s32 @p0 $0x11B8D, s5;
	s6 =	sshll.u32 @p0 s4, $0x11  }
0xaa: {  	s5 =	sor.u32 @p0 s6, s5  }
0xab: {  	[sflag:s5] =	ssyncadd.remote.s32 @p0 $0x1;
	_ =	sdelay $0x1  }
0xac: {  	s5 =	simm.s32 @p0 $0x1B8D  }
0xad: {  	_ =	swait.eq @p0 [sflag:s5], $0x1  }
0xae: {  	[sflag:s5] =	ssyncadd.s32 @p0 $0xFFFFFFFF  }
0xaf: {  	s6 =	sshll.u32 @!p0 s1, $0xE  }
0xb0: {  	s6 =	sor.u32 @!p0 $0x4000, s6;
	s5 =	simm.s32 @!p0 $0x1B8D  }
0xb1: {  	s4 =	sshll.u32 @!p0 s4, $0x11;
	s6 =	sadd.s32 @!p0 $0x11B8D, s6;
	_ =	swait.eq @!p0 [sflag:s5], $0x1  }
0xb2: {  	s4 =	sor.u32 @!p0 s4, s6;
	[sflag:s5] =	ssyncadd.s32 @!p0 $0xFFFFFFFF  }
0xb3: {  	s25 =	simm.s32 $0x1B8E;
	s24 =	sld [smem:$0x3FFE];
	[sflag:s4] =	ssyncadd.remote.s32 @!p0 $0x1  }
0xb4: {  	s26 =	simm.s32 $execute0_lowered;
	[smem:$0x3FD2] =	sst s25  }
0xb5: {  	s5 =	sshll.u32 s26, $0x1;
	_ =	strace $0x8000004F;
	[dreg:$0x1] =	wrdreg $0xFFFFFFFF  }
0xb6: {  	s28 =	simm.s32 $_size_execute0_lowered;
	s3 =	sadd.s32 s3, s5;
	[dreg:$0x0] =	wrdreg $0x0  }
0xb7: {  	s5 =	sshll.u32 s28, $0x1;
	[dreg:$0x2] =	wrdreg s3  }
0xb8: {  	[dreg:$0x3] =	wrdreg s5  }
0xb9: {  	[dreg:$0x4] =	wrdreg $0xC0  }
0xba: {  	_ =	task [dreg:s22], $0x5FFFF  }
0xbb: {  	[dreg:$0x1] =	wrdreg $0xFFFFFFFF  }
0xbc: {  	[dreg:$0x0] =	wrdreg $0x60  }
0xbd: {  	[dreg:$0x2] =	wrdreg s24  }
0xbe: {  	[dreg:$0x3] =	wrdreg $0xA  }
0xbf: {  	_ =	task.clear_ibuf [dreg:s22], $0x4FFFF;
	_ =	strace $0x9000004F  }
0xc0: {  	s29 =	simm.s32 $0xA;
	_ =	strace $0x80000051  }
0xc1: {  	_ =	swait.ge [sflag:s29], $0x1  }
0xc2: {  	[sflag:s29] =	ssyncadd.s32 $0xFFFFFFFF  }
0xc3: {  	_ =	strace $0x90000051  }
0xc4: {  	_ =	sfence  }
0xc5: {  	s30 =	sld [smem:$0x0];
	_ =	sdelay $0x2  }
0xc6: {  	s31 =	sshll.u32 s1, $0xD;
	s1 =	sshrl.u32 s1, $0x2  }
0xc7: {  	s4 =	sand.u32 $0x4000, s31;
	s1 =	sadd.s32 s1, s30  }
0xc8: {  	s0 =	sor.u32 s4, s0;
	s1 =	sshll.u32 s1, $0x11  }
0xc9: {  	s0 =	sor.u32 s1, s0  }
0xca: {  	s0 =	sadd.s32 $0x8F2B, s0  }
0xcb: {  	[sflag:s0] =	ssyncadd.remote.s32 $0x1  }
0xcc: {  	_ =	sfence.sel $0xFFFF  }
0xcd: {  	[dreg:$0x0] =	wrdreg $0xFFFFFFFF;
	(pc) =	sbr.abs _section_cstart, $3  }
0xce: {  	[dreg:$0x1] =	wrdreg $0xFFFFFFFF  }
0xcf: {  	_ =	task.clear_ibuf [dreg:s22], $0x2FFFF;
	_ =	strace $0x9FFFFFFF  }
0xd0: {  	(tm) =	ssettm $0x7FFFFFFF  }
0xd1: {  	_ =	shalt  }
tec
execute0_lowered:
.L_overlay_start_1:
0x0: {  	(tag) =	ssettag $0x1  }
0x1: {  	s9 =	rddreg [dreg:$0x0]  }
0x2: {  	s0 =	rddreg [dreg:$0x1];
	s1 =	simm.s32 $0x0  }
0x3: {  	s6 =	srdreg.scid;
	s2 =	stileid.u32;
	s13 =	simm.s32 $0x1  }
0x4: {  	s14 =	simm.s32 $0x80;
	s15 =	simm.s32 $0x100;
	s16 =	simm.s32 $0x180  }
0x5: {  	s17 =	simm.s32 $0x4180;
	s18 =	simm.s32 $0x2;
	s19 =	simm.s32 $0x0  }
0x6: {  	[smem:$0x7FF] =	sst s1;
	s3 =	sadd.s32 $0x11AA00, s9;
	s4 =	sadd.s32 $0x7E600, s9  }
.Ltmp0:
0x7: {  	s5 =	sadd.s32 $0x9000, s9;
	s8 =	sand.u32 $0x1, s6;
	(pc) =	sbr.rel .LBB2_1-.Ltmp0, $4  }
0x8: {  	s6 =	sadd.s32 $0x30200, s9;
	s11 =	sshll.u32 s2, $0x1;
	s10 =	ssub.s32 $0x2, s8  }
0x9: {  	s7 =	sadd.s32 $0x3E00, s9;
	s9 =	sadd.s32 $0x1B6E00, s9;
	s12 =	sshrl.u32 s10, $0x1  }
0xa: {  	_ =	strace $0x80000050;
	s8 =	sor.u32 s8, s11;
	s31 =	ssub.s32 s10, s12  }
0xb: {  	s10 =	sshll.u32 s8, $0x7;
	s12 =	simm.s32 $0x3;
	s11 =	smax.u32 s31, $0x1  }
.LBB2_5:
0xc: {  	s19 =	sadd.s32 $0x1, s19  }
0xd: {  	p0 =	sne.s32 s19, s11  }
.Ltmp1:
0xe: {  	_ = 	snop;
	(pc) =	sbr.rel @!p0 .LBB2_6-.Ltmp1, $1  }
0xf: {  	_ =	sdelay $0x3  }
.LBB2_1:
0x10: {  	[tilespmem:s1], [sflag:$0x3] =	stream.linear.gather [hbm4b:s7+s1], $0x80, $0x38;
	[tilespmem:$0x8180] =	vst v63  }
0x11: {  	_ =	swait.ge [sflag:s12], $0x80  }
0x12: {  	[sflag:s12] =	ssyncset.done $0x0  }
0x13: {  	[sflag:s12] =	ssyncadd.s32 $0xFFFFFF80  }
0x14: {  	v0 =	vld [tilespmem:$0x0];
	_ =	sdelay $0x4  }
0x15: {  	(v2sf) =	vpush v0, $0x0;
	_ =	sdelay $0xe  }
0x16: {  	s20 =	spop (v2sf)  }
0x17: {  	s20 =	sadd.s32 $0x7F, s20  }
0x18: {  	s21 =	sshra.s32 s20, $0x1F;
	s22 =	sand.u32 $0x7F, s20  }
0x19: {  	p1 =	slt.s32 s20, $0x1;
	p0 =	sne.s32 s22, $0x0;
	s21 =	sshrl.u32 s21, $0x19  }
0x1a: {  	s20 =	sadd.s32 s21, s20;
	p0 =	por !p1, !p0  }
0x1b: {  	s21 =	simm.s32 $0x1;
	s20 =	sshra.s32 s20, $0x7;
	p0 =	por !p0, !p0  }
0x1c: {  	s20 =	ssub.s32 s20, s8;
	s21 =	simm.s32 @!p0 $0x0  }
0x1d: {  	s20 =	ssub.s32 s20, s21  }
0x1e: {  	p0 =	sgt.s32 s20, $0xFFFFFFE1  }
0x1f: {  	p5 =	slt.s32 s20, $0xFFFFFFE2;
	s20 =	simm.s32 @!p0 $0xFFFFFFE1  }
0x20: {  	s20 =	sadd.s32 $0x1F, s20  }
0x21: {  	s31 =	sand.u32 $0x1F, s20  }
0x22: {  	p6 =	sne.s32 s31, $0x0  }
0x23: {  	p0 =	por !p5, !p6  }
0x24: {  	s21 =	simm.s32 $0x1;
	p0 =	por !p0, !p0  }
0x25: {  	s20 =	sshrl.u32 s20, $0x5;
	s21 =	simm.s32 @!p0 $0x0  }
0x26: {  	s20 =	ssub.s32 s20, s21  }
0x27: {  	p0 =	slt.s32 s20, $0x1  }
.Ltmp2:
0x28: {  	_ = 	snop;
	(pc) =	sbr.rel @p0 .LBB2_5-.Ltmp2, $2  }
0x29: {  	_ =	sdelay $0x2  }
0x2a: {  	s21 =	simm.s32 $0x0  }
.LBB2_2:
0x2b: {  	s22 =	sshll.u32 s21, $0xC  }
0x2c: {  	s22 =	sor.u32 s10, s22  }
0x2d: {  	s23 =	sshrl.u32 s22, $0x3  }
0x2e: {  	s25 =	simm.s32 $0x0;
	s24 =	sadd.s32 s5, s23  }
0x2f: {  	[tilespmem:s14], [sflag:$0x3] =	stream.linear.gather [hbm4b:s24+s25], $0x80, $0x38;
	[tilespmem:$0x8180] =	vst v63  }
0x30: {  	_ =	swait.ge [sflag:s12], $0x80  }
0x31: {  	[sflag:s12] =	ssyncset.done $0x0  }
0x32: {  	s23 =	sadd.s32 s6, s23;
	[sflag:s12] =	ssyncadd.s32 $0xFFFFFF80  }
0x33: {  	[tilespmem:s15], [sflag:$0x3] =	stream.linear.gather [hbm4b:s23+s25], $0x80, $0x38;
	[tilespmem:$0x8180] =	vst v63  }
0x34: {  	_ =	swait.ge [sflag:s12], $0x80  }
0x35: {  	[sflag:s12] =	ssyncset.done $0x0  }
0x36: {  	[sflag:s12] =	ssyncadd.s32 $0xFFFFFF80  }
0x37: {  	[tilespmem:s16], [sflag:$0x1] =	stream.indirect.gather [hbm4b:s3+s14], $0x80, s14, s14, $0xb8;
	[tilespmem:$0x8180] =	vst v63  }
0x38: {  	_ = 	snop  }
0x39: {  	[tilespmem:s17], [sflag:$0x2] =	stream.indirect.gather [hbm4b:s4+s14], $0x80, s15, s14, $0xb8;
	[tilespmem:$0x8180] =	vst v63  }
0x3a: {  	_ =	swait.ge [sflag:s13], $0x4000  }
0x3b: {  	[sflag:s13] =	ssyncset.done $0x0  }
0x3c: {  	[sflag:s13] =	ssyncadd.s32 $0xFFFFC000  }
0x3d: {  	_ =	swait.ge [sflag:s18], $0x4000  }
0x3e: {  	[sflag:s18] =	ssyncset.done $0x0  }
0x3f: {  	s23 =	simm.s32 $0x0;
	[sflag:s18] =	ssyncadd.s32 $0xFFFFC000  }
0x40: {  	v7 =	vld [tilespmem:s23+$0x4180]  }
0x41: {  	v11 =	vld [tilespmem:s23+$0x4190]  }
0x42: {  	v5 =	vld [tilespmem:s23+$0x41A0]  }
0x43: {  	v4 =	vld [tilespmem:s23+$0x41B0]  }
0x44: {  	v3 =	vld [tilespmem:s23+$0x41C0]  }
0x45: {  	v2 =	vld [tilespmem:s23+$0x41D0]  }
0x46: {  	v1 =	vld [tilespmem:s23+$0x41E0]  }
0x47: {  	v0 =	vld [tilespmem:s23+$0x41F0]  }
0x48: {  	v12 =	vld [tilespmem:s23+$0x180]  }
0x49: {  	v13 =	vld [tilespmem:s23+$0x190]  }
0x4a: {  	v10 =	vld [tilespmem:s23+$0x1A0]  }
0x4b: {  	v9 =	vld [tilespmem:s23+$0x1B0]  }
0x4c: {  	v8 =	vld [tilespmem:s23+$0x1C0]  }
0x4d: {  	v6 =	vld [tilespmem:s23+$0x1D0];
	v12 =	vadd.f32 v7, v12  }
0x4e: {  	s24 =	simm.s32 $0x200;
	v11 =	vadd.f32 v11, v13;
	v7 =	vld [tilespmem:s23+$0x1E0]  }
.LBB2_3:
0x4f: {  	s25 =	sshra.s32 s24, $0x2;
	p0 =	sne.s32 s24, $0xFE00;
	[tilespmem:s23+$0x180] =	vst v12;
	v5 =	vadd.f32 v5, v10;
	v10 =	vld [tilespmem:s23+$0x1F0]  }
0x50: {  	v12 =	vld [tilespmem:s25+$0x4180];
	[tilespmem:s23+$0x190] =	vst v11;
	v4 =	vadd.f32 v4, v9  }
0x51: {  	v11 =	vld [tilespmem:s25+$0x4190];
	[tilespmem:s23+$0x1A0] =	vst v5;
	v3 =	vadd.f32 v3, v8  }
0x52: {  	v5 =	vld [tilespmem:s25+$0x41A0];
	[tilespmem:s23+$0x1B0] =	vst v4;
	v2 =	vadd.f32 v2, v6  }
0x53: {  	v4 =	vld [tilespmem:s25+$0x41B0];
	[tilespmem:s23+$0x1C0] =	vst v3;
	v1 =	vadd.f32 v1, v7  }
0x54: {  	v3 =	vld [tilespmem:s25+$0x41C0];
	[tilespmem:s23+$0x1D0] =	vst v2;
	v0 =	vadd.f32 v0, v10  }
0x55: {  	v2 =	vld [tilespmem:s25+$0x41D0];
	[tilespmem:s23+$0x1E0] =	vst v1  }
0x56: {  	v1 =	vld [tilespmem:s25+$0x41E0];
	[tilespmem:s23+$0x1F0] =	vst v0;
	s23 =	smov.u32 s25  }
0x57: {  	v0 =	vld [tilespmem:s23+$0x41F0]  }
0x58: {  	v6 =	vld [tilespmem:s23+$0x180]  }
0x59: {  	v7 =	vld [tilespmem:s23+$0x190]  }
.Ltmp3:
0x5a: {  	v10 =	vld [tilespmem:s23+$0x1A0];
	(pc) =	sbr.rel @p0 .LBB2_3-.Ltmp3, $4  }
0x5b: {  	v9 =	vld [tilespmem:s23+$0x1B0]  }
0x5c: {  	v8 =	vld [tilespmem:s23+$0x1C0]  }
0x5d: {  	v12 =	vadd.f32 v12, v6;
	v6 =	vld [tilespmem:s23+$0x1D0]  }
0x5e: {  	s24 =	sadd.s32 $0x200, s24;
	v11 =	vadd.f32 v11, v7;
	v7 =	vld [tilespmem:s23+$0x1E0]  }
0x5f: {  	[tilespmem:s23+$0x180] =	vst v12;
	v5 =	vadd.f32 v5, v10;
	v63 =	vld [tilespmem:s23+$0x1F0]  }
0x60: {  	[tilespmem:s23+$0x190] =	vst v11;
	v4 =	vadd.f32 v4, v9  }
0x61: {  	[tilespmem:s23+$0x1A0] =	vst v5;
	v3 =	vadd.f32 v3, v8  }
0x62: {  	[tilespmem:s23+$0x1B0] =	vst v4;
	v2 =	vadd.f32 v2, v6  }
0x63: {  	[tilespmem:s23+$0x1C0] =	vst v3;
	v1 =	vadd.f32 v1, v7  }
0x64: {  	[tilespmem:s23+$0x1D0] =	vst v2;
	v0 =	vadd.f32 v0, v63  }
0x65: {  	s22 =	sshll.u32 s22, $0x4;
	s21 =	sadd.s32 $0x1, s21;
	[tilespmem:s23+$0x1E0] =	vst v1  }
0x66: {  	s22 =	sadd.s32 s9, s22;
	p0 =	sne.s32 s21, s20;
	[tilespmem:s23+$0x1F0] =	vst v0  }
0x67: {  	[hbm4b:s22+s1] =	stream.linear.scatter [tilespmem:s16], [sflag:$0x3], $0x4000, $0x38;
	[tilespmem:$0x8180] =	vst v63  }
.Ltmp4:
0x68: {  	_ = 	snop;
	(pc) =	sbr.rel @p0 .LBB2_2-.Ltmp4, $4  }
.Ltmp5:
0x69: {  	_ = 	snop;
	(pc) =	sbr.rel @!p0 .LBB2_5-.Ltmp5, $4  }
0x6a: {  	_ =	swait.ge [sflag:s12], $0x4000  }
0x6b: {  	[sflag:s12] =	ssyncset.done $0x0  }
0x6c: {  	[sflag:s12] =	ssyncadd.s32 $0xFFFFC000  }
0x6d: {  	_ = 	snop  }
.LBB2_6:
0x6e: {  	_ =	sfence.sel $0x180000  }
0x6f: {  	[bflag:$0x0] =	sbarrier.arrive $0xFFFF  }
0x70: {  	p0 =	sne.s32 s2, $0x0;
	_ =	strace $0x90000050  }
0x71: {  	s0 =	sadd.s32 @!p0 $0x100000, s0;
	[bflag:$0x2] =	sbarrier.arrive $0xFFFF  }
0x72: {  	[sflag:s0] =	ssyncadd.tile.s32 @!p0 $0x1;
	_ =	shalt  }
.Lfunc_end2:
_tile_overlayer_lowered:
.L_overlay_start_2:
0x73: {  	(tag) =	ssettag $0x2  }
0x74: {  	s0 =	rddreg [dreg:$0x0];
	s2 =	stileid.u32  }
0x75: {  	s1 =	rddreg [dreg:$0x1];
	p0 =	sne.s32 s2, $0x0  }
0x76: {  	s3 =	rddreg [dreg:$0x2];
	[bflag:$0x3] =	sbarrier.arrive $0xFFFF;
	s2 =	simm.s32 @!p0 $0x1C03  }
0x77: {  	[timem:s3], [sflag:s2] =	dma.local @!p0 [hbm:s0], s1  }
0x78: {  	s0 =	simm.s32 @!p0 $0x3  }
0x79: {  	_ =	swait.ge @!p0 [sflag:s0], s1  }
0x7a: {  	s1 =	ssub.s32 @!p0 $0x0, s1;
	[sflag:s0] =	ssyncset.done @!p0 $0x0  }
0x7b: {  	[sflag:s0] =	ssyncadd.s32 @!p0 s1  }
0x7c: {  	[bflag:$0x3] =	sbarrier.arrive $0xFFFF  }
0x7d: {  	_ =	shalt  }

// kernel: kernel.18.cloned.1.call-start
scs
__scs_entry_jumppad:
0x0: {  	(pc) =	sbr.rel $0x88, $3  }
0x1: {  	(tag) =	ssettag $0x0;
	lr =	simm.s32 $0x1  }
0x2: {  	[smem:$0x3F98] =	sst lr;
	_ =	strace $0xD0000000  }
0x3: {  	_ = 	snop  }
0x4: {  	_ = 	snop  }
0x5: {  	_ = 	snop  }
0x6: {  	_ = 	snop  }
0x7: {  	_ = 	snop  }
__scs_overlays_trampoline_lowered:
0x8: {  	[smem:$0x3FA7] =	sst s0  }
0x9: {  	[smem:$0x3FA8] =	sst s1  }
0xa: {  	[smem:$0x3FA9] =	sst s2  }
0xb: {  	[smem:$0x3FAA] =	sst s3  }
0xc: {  	[smem:$0x3FAB] =	sst s4  }
0xd: {  	[smem:$0x3FAC] =	sst s5  }
0xe: {  	[smem:$0x3FAD] =	sst s6  }
0xf: {  	[smem:$0x3FAE] =	sst s7  }
0x10: {  	[smem:$0x3FAF] =	sst s8  }
0x11: {  	[smem:$0x3FB0] =	sst s9;
	s0 =	simm.s32 @!p0 $0x0  }
0x12: {  	s1 =	sld [smem:$0x3F96];
	s0 =	simm.s32 @p0 $0x1  }
0x13: {  	[smem:$0x3FB1] =	sst s0;
	s0 =	simm.s32 @!p1 $0x0  }
0x14: {  	s2 =	sld [smem:$0x3F95];
	s0 =	simm.s32 @p1 $0x1  }
0x15: {  	[smem:$0x3FB2] =	sst s0;
	s0 =	simm.s32 @!p2 $0x0  }
0x16: {  	s3 =	sld [smem:$0x3FDB];
	s0 =	simm.s32 @p2 $0x1  }
0x17: {  	s4 =	simm.s32 $0x1BF5;
	[smem:$0x3FB4] =	sst s0  }
0x18: {  	s0 =	sld [smem:$0x3F97];
	_ =	swait.ge [sflag:s4], $0x0  }
0x19: {  	s7 =	sld [smem:$0x3F98]  }
0x1a: {  	s8 =	sadd.s32 $0xFFFFE003, lr  }
0x1b: {  	s9 =	sadd.s32 $0xFFFFFEF7, lr;
	s5 =	simm.s32 $0xFFFFFFFF;
	p2 =	slt.u32 s8, $0xFFFFF086  }
0x1c: {  	p1 =	slt.u32 s9, $0xF7A;
	s5 =	simm.s32 @!p2 $0x0  }
0x1d: {  	s5 =	simm.s32 @p1 $0x1;
	p0 =	seq.s32 s7, s2  }
0x1e: {  	s7 =	smul.u32 @!p0 $0xF7A, s2;
	p2 =	seq.s32 @!p0 s5, $0x0  }
0x1f: {  	s9 =	smul.u32 $0xF7A, s1;
	s8 =	simm.s32 @!p0 $0x1BF5;
	p2 =	por !p2, p0  }
0x20: {  	[sflag:s8] =	ssyncset.s32 @!p0 $0xFFFFF086;
	s6 =	sadd.s32 @!p0 s3, s7;
	s7 =	simm.s32 @!p0 $0x108  }
0x21: {  	s3 =	sadd.s32 s3, s9;
	s6 =	sadd.s32 @!p0 $0x88, s6;
	s7 =	simm.s32 @p2 $0x1082  }
0x22: {  	[simem:s7], [sflag:s8] =	dma.local @!p0 [hbm:s6], $0xF7A  }
0x23: {  	s9 =	sor.u32 $0xD0000000, s2;
	s6 =	simm.s32 $0x108;
	_ =	swait.ge @!p0 [sflag:s8], $0x0  }
0x24: {  	s3 =	sadd.s32 $0x88, s3;
	s6 =	simm.s32 @!p1 $0x1082;
	[sflag:s4] =	ssyncset.s32 $0xFFFFF086  }
0x25: {  	[simem:s6], [sflag:s4] =	dma.local [hbm:s3], $0xF7A  }
0x26: {  	[smem:$0x3F98] =	sst s1;
	(tag) =	ssettag s2;
	_ =	strace s9  }
0x27: {  	s1 =	sld [smem:$0x3FA8]  }
0x28: {  	s2 =	sld [smem:$0x3FA9]  }
0x29: {  	s4 =	sld [smem:$0x3FAB]  }
0x2a: {  	p0 =	seq.s32 s5, $0x0;
	s5 =	sld [smem:$0x3FAC]  }
0x2b: {  	s6 =	sld [smem:$0x3FAD]  }
0x2c: {  	s7 =	sld [smem:$0x3FAE]  }
0x2d: {  	s3 =	simm.s32 $0x108;
	s8 =	sld [smem:$0x3FAF]  }
0x2e: {  	s3 =	simm.s32 @!p0 $0x1082;
	s9 =	sld [smem:$0x3FB0]  }
0x2f: {  	lr =	sadd.s32 s0, s3;
	s0 =	sld [smem:$0x3FA7]  }
0x30: {  	s3 =	sld [smem:$0x3FAA]  }
0x31: {  	[smem:$0x3FB3] =	sst s10  }
0x32: {  	s10 =	sld [smem:$0x3FB1];
	_ =	sdelay $0x3  }
0x33: {  	p0 =	seq.s32 s10, $0x1;
	s10 =	sld [smem:$0x3FB3];
	_ =	sdelay $0x3  }
0x34: {  	[smem:$0x3FB3] =	sst s10  }
0x35: {  	s10 =	sld [smem:$0x3FB2];
	_ =	sdelay $0x3  }
0x36: {  	p1 =	seq.s32 s10, $0x1;
	s10 =	sld [smem:$0x3FB3];
	_ =	sdelay $0x3  }
0x37: {  	[smem:$0x3FB3] =	sst s10  }
0x38: {  	s10 =	sld [smem:$0x3FB4]  }
0x39: {  	_ = 	snop;
	(pc) =	sbr.ind lr, $3  }
0x3a: {  	_ = 	snop  }
0x3b: {  	_ = 	snop  }
0x3c: {  	p2 =	seq.s32 s10, $0x1;
	s10 =	sld [smem:$0x3FB3]  }
0x3d: {  	_ =	shalt  }
0x3e: {  	_ =	shalt  }
0x3f: {  	_ =	shalt  }
0x40: {  	_ =	shalt  }
0x41: {  	_ =	shalt  }
0x42: {  	_ =	shalt  }
0x43: {  	_ =	shalt  }
0x44: {  	_ =	shalt  }
0x45: {  	_ =	shalt  }
0x46: {  	_ =	shalt  }
0x47: {  	_ =	shalt  }
0x48: {  	_ =	shalt  }
0x49: {  	_ =	shalt  }
0x4a: {  	_ =	shalt  }
0x4b: {  	_ =	shalt  }
0x4c: {  	_ =	shalt  }
0x4d: {  	_ =	shalt  }
0x4e: {  	_ =	shalt  }
0x4f: {  	_ =	shalt  }
0x50: {  	_ =	shalt  }
0x51: {  	_ =	shalt  }
0x52: {  	_ =	shalt  }
0x53: {  	_ =	shalt  }
0x54: {  	_ =	shalt  }
0x55: {  	_ =	shalt  }
0x56: {  	_ =	shalt  }
0x57: {  	_ =	shalt  }
0x58: {  	_ =	shalt  }
0x59: {  	_ =	shalt  }
0x5a: {  	_ =	shalt  }
0x5b: {  	_ =	shalt  }
0x5c: {  	_ =	shalt  }
0x5d: {  	_ =	shalt  }
0x5e: {  	_ =	shalt  }
0x5f: {  	_ =	shalt  }
0x60: {  	_ =	shalt  }
0x61: {  	_ =	shalt  }
0x62: {  	_ =	shalt  }
0x63: {  	_ =	shalt  }
0x64: {  	_ =	shalt  }
0x65: {  	_ =	shalt  }
0x66: {  	_ =	shalt  }
0x67: {  	_ =	shalt  }
0x68: {  	_ =	shalt  }
0x69: {  	_ =	shalt  }
0x6a: {  	_ =	shalt  }
0x6b: {  	_ =	shalt  }
0x6c: {  	_ =	shalt  }
0x6d: {  	_ =	shalt  }
0x6e: {  	_ =	shalt  }
0x6f: {  	_ =	shalt  }
0x70: {  	_ =	shalt  }
0x71: {  	_ =	shalt  }
0x72: {  	_ =	shalt  }
0x73: {  	_ =	shalt  }
0x74: {  	_ =	shalt  }
0x75: {  	_ =	shalt  }
0x76: {  	_ =	shalt  }
0x77: {  	_ =	shalt  }
0x78: {  	_ =	shalt  }
0x79: {  	_ =	shalt  }
0x7a: {  	_ =	shalt  }
0x7b: {  	_ =	shalt  }
0x7c: {  	_ =	shalt  }
0x7d: {  	_ =	shalt  }
0x7e: {  	_ =	shalt  }
0x7f: {  	_ =	shalt  }
0x80: {  	_ =	shalt  }
0x81: {  	_ =	shalt  }
0x82: {  	_ =	shalt  }
0x83: {  	_ =	shalt  }
0x84: {  	_ =	shalt  }
0x85: {  	_ =	shalt  }
0x86: {  	_ =	shalt  }
0x87: {  	_ =	shalt  }
.Lfunc_end0:
.L_simem_size_0:
called_computation.5_lowered:
.L_overlay_start_0:
0x88: {  	s2 =	sld [smem:$0x3FD9]  }
0x89: {  	s3 =	sld [smem:$0x3FFE];
	_ =	sdelay $0x1  }
0x8a: {  	s1 =	srdreg.scid  }
0x8b: {  	s0 =	sand.u32 $0x1, s1  }
0x8c: {  	s17 =	sshll.u32 s0, $0xA;
	s2 =	sadd.s32 s3, s2  }
0x8d: {  	s2 =	sadd.s32 s2, s17  }
0x8e: {  	[smem:$0x3FBF] =	sst s2  }
0x8f: {  	_ = 	snop  }
0x90: {  	s2 =	sld [smem:$0x3FD0];
	(tm) =	ssettm $0x1  }
0x91: {  	s18 =	sld [smem:$0x3FFB];
	_ =	sdelay $0x3  }
0x92: {  	_ =	strace s18  }
0x93: {  	s3 =	sld [smem:$0x3FFC];
	_ =	sdelay $0x3  }
0x94: {  	_ =	strace s3  }
0x95: {  	s3 =	sld [smem:$0x3FFD];
	_ =	sdelay $0x3  }
0x96: {  	_ =	strace s3  }
0x97: {  	_ =	strace $0x8FFFFFFF  }
0x98: {  	s19 =	sld [smem:$0x3FDB];
	_ =	sdelay $0x1  }
0x99: {  	s4 =	simm.s32 $_scs_section_size  }
0x9a: {  	s5 =	simm.s32 $_size__tile_overlayer_lowered;
	s6 =	simm.s32 $_tile_overlayer_lowered  }
0x9b: {  	s22 =	simm.s32 $0x1BFF;
	s21 =	sshll.u32 s6, $0x1;
	s3 =	sadd.s32 s4, s19  }
0x9c: {  	s7 =	simm.s32 $0x0;
	s20 =	sshll.u32 s5, $0x1;
	s5 =	sadd.s32 s21, s3  }
0x9d: {  	[timem:s7], [sflag:s22] =	dma.local [hbm:s5], s20  }
0x9e: {  	_ =	swait.ge [sflag:s22], s20  }
0x9f: {  	s4 =	ssub.s32 $0x0, s20;
	[sflag:s22] =	ssyncset.done $0x0  }
0xa0: {  	[sflag:s22] =	ssyncadd.s32 s4;
	_ =	sdelay $0x1  }
0xa1: {  	s23 =	simm.s32 $0x1B8B  }
0xa2: {  	_ =	swait.ge [sflag:s23], $0x1  }
0xa3: {  	[sflag:s23] =	ssyncset.done $0x0  }
0xa4: {  	s25 =	simm.s32 $0x1B8E;
	s24 =	sld [smem:$0x3FFE];
	[sflag:s23] =	ssyncadd.s32 $0xFFFFFFFF  }
0xa5: {  	s26 =	simm.s32 $execute0_lowered;
	[smem:$0x3FD2] =	sst s25  }
0xa6: {  	s5 =	sshll.u32 s26, $0x1;
	_ =	strace $0x80000055;
	[dreg:$0x1] =	wrdreg $0xFFFFFFFF  }
0xa7: {  	s28 =	simm.s32 $_size_execute0_lowered;
	s3 =	sadd.s32 s3, s5;
	[dreg:$0x0] =	wrdreg $0x0  }
0xa8: {  	s5 =	sshll.u32 s28, $0x1;
	[dreg:$0x2] =	wrdreg s3  }
0xa9: {  	[dreg:$0x3] =	wrdreg s5  }
0xaa: {  	[dreg:$0x4] =	wrdreg $0xC0  }
0xab: {  	_ =	task [dreg:s7], $0x5FFFF  }
0xac: {  	[dreg:$0x1] =	wrdreg $0xFFFFFFFF  }
0xad: {  	[dreg:$0x0] =	wrdreg $0x60  }
0xae: {  	[dreg:$0x2] =	wrdreg s24  }
0xaf: {  	[dreg:$0x3] =	wrdreg s2  }
0xb0: {  	[dreg:$0x4] =	wrdreg $0x91000  }
0xb1: {  	[dreg:$0x5] =	wrdreg $0x9  }
0xb2: {  	_ =	task.clear_ibuf [dreg:s7], $0x6FFFF;
	_ =	strace $0x90000055  }
0xb3: {  	s29 =	simm.s32 $0x9;
	_ =	strace $0x80000057  }
0xb4: {  	_ =	swait.ge [sflag:s29], $0x1  }
0xb5: {  	[sflag:s29] =	ssyncadd.s32 $0xFFFFFFFF  }
0xb6: {  	_ =	strace $0x90000057  }
0xb7: {  	_ =	sfence  }
0xb8: {  	s30 =	sld [smem:$0x0];
	_ =	sdelay $0x2  }
0xb9: {  	s31 =	sshll.u32 s1, $0xD;
	s1 =	sshrl.u32 s1, $0x2  }
0xba: {  	s3 =	sand.u32 $0x4000, s31;
	s1 =	sadd.s32 s1, s30  }
0xbb: {  	s0 =	sor.u32 s3, s0;
	s1 =	sshll.u32 s1, $0x11  }
0xbc: {  	s0 =	sor.u32 s1, s0  }
0xbd: {  	s0 =	sadd.s32 $0x8F2B, s0  }
0xbe: {  	[sflag:s0] =	ssyncadd.remote.s32 $0x1  }
0xbf: {  	_ =	sfence.sel $0xFFFF  }
0xc0: {  	[dreg:$0x0] =	wrdreg $0xFFFFFFFF;
	(pc) =	sbr.abs _section_cstart, $3  }
0xc1: {  	[dreg:$0x1] =	wrdreg $0xFFFFFFFF  }
0xc2: {  	_ =	task.clear_ibuf [dreg:s7], $0x2FFFF;
	_ =	strace $0x9FFFFFFF  }
0xc3: {  	(tm) =	ssettm $0x7FFFFFFF  }
tec
execute0_lowered:
.L_overlay_start_1:
0x0: {  	(tag) =	ssettag $0x1  }
0x1: {  	s10 =	rddreg [dreg:$0x0]  }
0x2: {  	s1 =	rddreg [dreg:$0x1]  }
0x3: {  	s3 =	rddreg [dreg:$0x2]  }
0x4: {  	s0 =	rddreg [dreg:$0x3];
	s4 =	simm.s32 $0x0  }
0x5: {  	s2 =	stileid.u32;
	s5 =	srdreg.scid;
	s19 =	simm.s32 $0x80  }
0x6: {  	s20 =	simm.s32 $0x100;
	s21 =	simm.s32 $0x180;
	s22 =	simm.s32 $0x200  }
0x7: {  	s23 =	simm.s32 $0x280;
	[smem:$0x7FF] =	sst s4;
	s11 =	smul.u32 $0xA000, s2  }
0x8: {  	s12 =	sand.u32 $0x1, s5;
	s5 =	sadd.s32 $0x158D200, s10;
	s6 =	sadd.s32 $0x6800, s10  }
0x9: {  	s7 =	sadd.s32 $0x153EE00, s10;
	s8 =	sadd.s32 $0x1566000, s10;
	s9 =	sadd.s32 $0x3E00, s10  }
0xa: {  	s25 =	smul.u32 $0x28000, s2;
	s28 =	sshll.u32 s2, $0x1;
	s17 =	sshll.u32 s2, $0x6  }
0xb: {  	_ =	strace $0x80000056;
	s13 =	smul.u32 $0xA0000, s12;
	s26 =	ssub.s32 $0x2, s12  }
0xc: {  	s17 =	sor.u32 $0x1C01, s17;
	s14 =	sshrl.u32 s11, $0x3;
	s16 =	sshrl.u32 s26, $0x1  }
0xd: {  	s29 =	sshrl.u32 s25, $0x2;
	s11 =	sadd.s32 s11, s13;
	s24 =	sadd.s32 s14, s10  }
.Ltmp0:
0xe: {  	s30 =	ssub.s32 s26, s16;
	s18 =	sadd.s32 s29, s3;
	(pc) =	sbr.rel .LBB2_1-.Ltmp0, $4  }
0xf: {  	s16 =	simm.s32 $0x4280;
	s11 =	sshrl.u32 s11, $0x3;
	s14 =	smax.u32 s30, $0x1  }
0x10: {  	s18 =	sshrl.u32 s18, $0x3;
	s15 =	sadd.s32 s11, s10;
	s10 =	sor.u32 s12, s28  }
0x11: {  	v0 =	vimm.f32 $1.000000000e+00;
	v3 =	vlaneseq.u32;
	s11 =	sadd.s32 $0x2DA00, s24;
	s24 =	simm.s32 $0x0;
	s31 =	sshll.u32 s10, $0x7  }
0x12: {  	v1 =	vimm.f32 $0.0e+00;
	v2 =	vshrl.u32 v3, $0x2;
	v3 =	vand.u32 $0x3, v3;
	s13 =	sadd.s32 $0x41A00, s15;
	s15 =	simm.s32 $0x1;
	s12 =	sand.u32 $0x380, s31  }
.LBB2_7:
0x13: {  	s24 =	sadd.s32 $0x1, s24  }
0x14: {  	p0 =	sne.s32 s24, s14  }
.Ltmp1:
0x15: {  	[bflag:$0x0] =	sbarrier.arrive $0xFFFF;
	(pc) =	sbr.rel @!p0 .LBB2_8-.Ltmp1, $4  }
0x16: {  	[hbm:s13], [sflag:s17] =	dma.local [spmem:s18], $0x1400  }
0x17: {  	_ =	swait.ge [sflag:s15], $0x1400  }
0x18: {  	[sflag:s15] =	ssyncset.done $0x0  }
0x19: {  	[sflag:s15] =	ssyncadd.s32 $0xFFFFEC00  }
.LBB2_1:
0x1a: {  	[tilespmem:s4], [sflag:$0x1] =	stream.linear.gather [hbm4b:s9+s4], $0x80, $0x38;
	[tilespmem:$0x13100] =	vst v63  }
0x1b: {  	_ =	swait.ge [sflag:s15], $0x80  }
0x1c: {  	[sflag:s15] =	ssyncset.done $0x0  }
0x1d: {  	[sflag:s15] =	ssyncadd.s32 $0xFFFFFF80  }
0x1e: {  	v4 =	vld [tilespmem:$0x0];
	[tilespmem:s16], [sflag:$0x1] =	stream.linear.gather [hbm4b:s1+s4], $0x4E80, $0x38  }
0x1f: {  	_ =	swait.ge [sflag:s15], $0x4E80  }
0x20: {  	[sflag:s15] =	ssyncset.done $0x0  }
0x21: {  	[sflag:s15] =	ssyncadd.s32 $0xFFFFB180  }
0x22: {  	[spmem:s18], [sflag:s17] =	dma.local [hbm:s11], $0x1400  }
0x23: {  	_ =	swait.ge [sflag:s15], $0x1400  }
0x24: {  	[sflag:s15] =	ssyncset.done $0x0  }
0x25: {  	s26 =	simm.s32 $0x0;
	s25 =	simm.s32 $0x200;
	[sflag:s15] =	ssyncadd.s32 $0xFFFFEC00  }
.LBB2_2:
0x26: {  	p0 =	sne.s32 s25, $0xFE00;
	[tilespmem:s26+$0x2F0] =	vst v1  }
0x27: {  	[tilespmem:s26+$0x290] =	vst v0  }
.Ltmp2:
0x28: {  	[tilespmem:s26+$0x2A0] =	vst v1;
	(pc) =	sbr.rel @p0 .LBB2_2-.Ltmp2, $4  }
0x29: {  	[tilespmem:s26+$0x2B0] =	vst v1  }
0x2a: {  	[tilespmem:s26+$0x2C0] =	vst v1  }
0x2b: {  	[tilespmem:s26+$0x2D0] =	vst v1  }
0x2c: {  	[tilespmem:s26+$0x2E0] =	vst v1;
	s26 =	sshra.s32 s25, $0x2;
	s25 =	sadd.s32 $0x200, s25  }
0x2d: {  	(v2sf) =	vpush v4, $0x0;
	_ =	sdelay $0xe  }
0x2e: {  	s25 =	spop (v2sf)  }
0x2f: {  	s25 =	sadd.s32 $0x7F, s25  }
0x30: {  	s28 =	sshra.s32 s25, $0x1F;
	s29 =	sand.u32 $0x7F, s25  }
0x31: {  	p1 =	slt.s32 s25, $0x1;
	p0 =	sne.s32 s29, $0x0;
	s28 =	sshrl.u32 s28, $0x19  }
0x32: {  	s25 =	sadd.s32 s28, s25;
	p0 =	por !p1, !p0  }
0x33: {  	s28 =	simm.s32 $0x1;
	s25 =	sshra.s32 s25, $0x7;
	p0 =	por !p0, !p0  }
0x34: {  	s25 =	ssub.s32 s25, s10;
	s28 =	simm.s32 @!p0 $0x0  }
0x35: {  	s25 =	ssub.s32 s25, s28  }
0x36: {  	p0 =	sgt.s32 s25, $0xFFFFFFE1  }
0x37: {  	p5 =	slt.s32 s25, $0xFFFFFFE2;
	s25 =	simm.s32 @!p0 $0xFFFFFFE1  }
0x38: {  	s25 =	sadd.s32 $0x1F, s25  }
0x39: {  	s28 =	sand.u32 $0x1F, s25  }
0x3a: {  	p6 =	sne.s32 s28, $0x0  }
0x3b: {  	p0 =	por !p5, !p6  }
0x3c: {  	[tilespmem:s26+$0x2F0] =	vst v1;
	s28 =	simm.s32 $0x1;
	p0 =	por !p0, !p0  }
0x3d: {  	[tilespmem:s26+$0x290] =	vst v0;
	s25 =	sshrl.u32 s25, $0x5;
	s28 =	simm.s32 @!p0 $0x0  }
0x3e: {  	[tilespmem:s26+$0x2A0] =	vst v1;
	s25 =	ssub.s32 s25, s28  }
0x3f: {  	[tilespmem:s26+$0x2B0] =	vst v1;
	p0 =	slt.s32 s25, $0x1  }
.Ltmp3:
0x40: {  	[tilespmem:s26+$0x2C0] =	vst v1;
	(pc) =	sbr.rel @p0 .LBB2_7-.Ltmp3, $4  }
0x41: {  	[tilespmem:s26+$0x2D0] =	vst v1  }
0x42: {  	[tilespmem:s26+$0x2E0] =	vst v1  }
0x43: {  	[bflag:$0x0] =	sbarrier.arrive $0xFFFF  }
0x44: {  	s26 =	simm.s32 $0x0;
	s28 =	simm.s32 $0x0  }
.LBB2_4:
0x45: {  	s29 =	sshll.u32 s28, $0x5  }
0x46: {  	s29 =	sor.u32 s10, s29  }
0x47: {  	s30 =	sshll.u32 s29, $0x4  }
0x48: {  	s31 =	sadd.s32 s5, s30  }
0x49: {  	[tilespmem:s19], [sflag:$0x1] =	stream.linear.gather [hbm4b:s31+s26], $0x80, $0x38;
	[tilespmem:$0x13100] =	vst v63  }
0x4a: {  	_ =	swait.ge [sflag:s15], $0x80  }
0x4b: {  	[sflag:s15] =	ssyncset.done $0x0  }
0x4c: {  	s31 =	sadd.s32 s7, s30;
	[sflag:s15] =	ssyncadd.s32 $0xFFFFFF80  }
0x4d: {  	[tilespmem:s20], [sflag:$0x1] =	stream.linear.gather [hbm4b:s31+s26], $0x80, $0x38;
	[tilespmem:$0x13100] =	vst v63  }
0x4e: {  	_ =	swait.ge [sflag:s15], $0x80  }
0x4f: {  	s29 =	sshll.u32 s29, $0x7;
	[sflag:s15] =	ssyncset.done $0x0  }
0x50: {  	s29 =	sand.u32 $0xFFFFFC00, s29;
	s30 =	sadd.s32 s8, s30;
	[sflag:s15] =	ssyncadd.s32 $0xFFFFFF80  }
0x51: {  	[tilespmem:s21], [sflag:$0x1] =	stream.linear.gather [hbm4b:s30+s26], $0x80, $0x38;
	[tilespmem:$0x13100] =	vst v63  }
0x52: {  	s29 =	sor.u32 s12, s29;
	_ =	swait.ge [sflag:s15], $0x80  }
0x53: {  	s29 =	sshrl.u32 s29, $0x3;
	[sflag:s15] =	ssyncset.done $0x0  }
0x54: {  	v4 =	vmov s26;
	s29 =	sadd.s32 s6, s29;
	[sflag:s15] =	ssyncadd.s32 $0xFFFFFF80  }
0x55: {  	[tilespmem:s22], [sflag:$0x1] =	stream.linear.gather [hbm4b:s29+s26], $0x80, $0x38;
	[tilespmem:$0x13100] =	vst v63  }
0x56: {  	_ =	swait.ge [sflag:s15], $0x80  }
0x57: {  	[sflag:s15] =	ssyncset.done $0x0  }
0x58: {  	[sflag:s15] =	ssyncadd.s32 $0xFFFFFF80  }
0x59: {  	v5 =	vld.idx.msk [tilespmem:v4+s20+$0x0], $0xffff;
	_ =	sdelay $0x1  }
0x5a: {  	v6 =	vld.idx.msk [tilespmem:v4+s21+$0x0], $0xffff;
	_ =	sdelay $0x2  }
0x5b: {  	v5 =	vshll.u32 v5, $0x2  }
0x5c: {  	v5 =	vor.u32 v2, v5  }
0x5d: {  	v6 =	vshll.u32 v6, $0x2  }
0x5e: {  	v6 =	vor.u32 v3, v6;
	_ =	sdelay $0x1  }
0x5f: {  	v4 =	vld.idx.msk [tilespmem:v4+s22+$0x0], $0xffff  }
0x60: {  	v5 =	vld.idx.msk [tilespmem:v5+s16+$0x0], $0xffff;
	_ =	sdelay $0x1  }
0x61: {  	v6 =	vld.idx.msk [tilespmem:v6+s16+$0x0], $0xffff;
	_ =	sdelay $0x1  }
0x62: {  	s29 =	simm.s32 $0x1  }
0x63: {  	v7 =	vmov s29;
	v4 =	vmul.f32 v4, v5;
	_ =	sdelay $0x1  }
0x64: {  	v4 =	vmul.f32 v4, v6  }
0x65: {  	s29 =	simm.s32 $0x280  }
0x66: {  	[tilespmem:s29+$0x0] =	vst v4  }
0x67: {  	v4 =	vld.idx.msk [tilespmem:v7+s20+$0x0], $0xffff;
	_ =	sdelay $0x1  }
0x68: {  	v5 =	vld.idx.msk [tilespmem:v7+s21+$0x0], $0xffff;
	_ =	sdelay $0x2  }
0x69: {  	v4 =	vshll.u32 v4, $0x2  }
0x6a: {  	v4 =	vor.u32 v2, v4  }
0x6b: {  	v5 =	vshll.u32 v5, $0x2  }
0x6c: {  	v5 =	vor.u32 v3, v5;
	_ =	sdelay $0x1  }
0x6d: {  	v6 =	vld.idx.msk [tilespmem:v7+s22+$0x0], $0xffff  }
0x6e: {  	v7 =	vld.idx.msk [tilespmem:v4+s16+$0x0], $0xffff;
	_ =	sdelay $0x1  }
0x6f: {  	v5 =	vld.idx.msk [tilespmem:v5+s16+$0x0], $0xffff;
	_ =	sdelay $0x1  }
0x70: {  	s30 =	simm.s32 $0x2  }
0x71: {  	v4 =	vmov s30;
	s30 =	simm.s32 $0x3;
	v6 =	vmul.f32 v6, v7  }
.LBB2_5:
0x72: {  	p0 =	sne.s32 s30, $0x7F  }
0x73: {  	v5 =	vmul.f32 v6, v5  }
0x74: {  	s29 =	sadd.s32 $0x80, s29  }
0x75: {  	[tilespmem:s29+$0x0] =	vst v5  }
0x76: {  	v5 =	vld.idx.msk [tilespmem:v4+s20+$0x0], $0xffff;
	_ =	sdelay $0x1  }
0x77: {  	v6 =	vld.idx.msk [tilespmem:v4+s21+$0x0], $0xffff;
	_ =	sdelay $0x3  }
0x78: {  	v5 =	vshll.u32 v5, $0x2  }
0x79: {  	v5 =	vor.u32 v2, v5  }
0x7a: {  	v6 =	vshll.u32 v6, $0x2  }
0x7b: {  	v6 =	vor.u32 v3, v6;
	_ =	sdelay $0x1  }
0x7c: {  	v7 =	vld.idx.msk [tilespmem:v4+s22+$0x0], $0xffff  }
0x7d: {  	v8 =	vld.idx.msk [tilespmem:v5+s16+$0x0], $0xffff;
	_ =	sdelay $0x1  }
.Ltmp4:
0x7e: {  	v5 =	vld.idx.msk [tilespmem:v6+s16+$0x0], $0xffff;
	(pc) =	sbr.rel @p0 .LBB2_5-.Ltmp4, $2  }
0x7f: {  	_ =	sdelay $0x2  }
0x80: {  	v4 =	vmov s30;
	s30 =	sadd.s32 $0x1, s30;
	v6 =	vmul.f32 v7, v8  }
0x81: {  	_ = 	snop  }
0x82: {  	v5 =	vmul.f32 v6, v5  }
0x83: {  	s29 =	sadd.s32 $0x80, s29  }
0x84: {  	[tilespmem:s29+$0x0] =	vst v5  }
0x85: {  	v5 =	vld.idx.msk [tilespmem:v4+s20+$0x0], $0xffff;
	_ =	sdelay $0x1  }
0x86: {  	v63 =	vld.idx.msk [tilespmem:v4+s21+$0x0], $0xffff;
	_ =	sdelay $0x2  }
0x87: {  	v5 =	vshll.u32 v5, $0x2  }
0x88: {  	v5 =	vor.u32 v2, v5  }
0x89: {  	v6 =	vshll.u32 v63, $0x2  }
0x8a: {  	v6 =	vor.u32 v3, v6;
	_ =	sdelay $0x1  }
0x8b: {  	v4 =	vld.idx.msk [tilespmem:v4+s22+$0x0], $0xffff  }
0x8c: {  	v5 =	vld.idx.msk [tilespmem:v5+s16+$0x0], $0xffff;
	_ =	sdelay $0x1  }
0x8d: {  	v6 =	vld.idx.msk [tilespmem:v6+s16+$0x0], $0xffff;
	_ =	sdelay $0x2  }
0x8e: {  	v4 =	vmul.f32 v4, v5;
	_ =	sdelay $0x1  }
0x8f: {  	v4 =	vmul.f32 v4, v6  }
0x90: {  	s28 =	sadd.s32 $0x1, s28;
	s29 =	sadd.s32 $0x80, s29  }
0x91: {  	p0 =	sne.s32 s28, s25;
	[tilespmem:s29+$0x0] =	vst v4  }
0x92: {  	[spmem:s3] =	stream.indirect.scatter.add.f32 [tilespmem:s23], [sflag:$0x1], $0x80, s19, s19, $0xb8;
	[tilespmem:$0x13100] =	vst v63  }
.Ltmp5:
0x93: {  	_ = 	snop;
	(pc) =	sbr.rel @p0 .LBB2_4-.Ltmp5, $4  }
.Ltmp6:
0x94: {  	_ = 	snop;
	(pc) =	sbr.rel @!p0 .LBB2_7-.Ltmp6, $4  }
0x95: {  	_ =	swait.ge [sflag:s15], $0x4000  }
0x96: {  	[sflag:s15] =	ssyncset.done $0x0  }
0x97: {  	[sflag:s15] =	ssyncadd.s32 $0xFFFFC000  }
0x98: {  	_ = 	snop  }
.LBB2_8:
0x99: {  	_ =	sfence.sel $0x180000  }
0x9a: {  	[bflag:$0x0] =	sbarrier.arrive $0xFFFF  }
0x9b: {  	p0 =	sne.s32 s2, $0x0;
	_ =	strace $0x90000056  }
0x9c: {  	s0 =	sadd.s32 @!p0 $0x100000, s0;
	[bflag:$0x2] =	sbarrier.arrive $0xFFFF  }
0x9d: {  	[sflag:s0] =	ssyncadd.tile.s32 @!p0 $0x1;
	_ =	shalt  }
.Lfunc_end2:
_tile_overlayer_lowered:
.L_overlay_start_2:
0x9e: {  	(tag) =	ssettag $0x2  }
0x9f: {  	s0 =	rddreg [dreg:$0x0];
	s2 =	stileid.u32  }
0xa0: {  	s1 =	rddreg [dreg:$0x1];
	p0 =	sne.s32 s2, $0x0  }
0xa1: {  	s3 =	rddreg [dreg:$0x2];
	[bflag:$0x3] =	sbarrier.arrive $0xFFFF;
	s2 =	simm.s32 @!p0 $0x1C01  }
0xa2: {  	[timem:s3], [sflag:s2] =	dma.local @!p0 [hbm:s0], s1  }
0xa3: {  	s0 =	simm.s32 @!p0 $0x1  }
0xa4: {  	_ =	swait.ge @!p0 [sflag:s0], s1  }
0xa5: {  	s1 =	ssub.s32 @!p0 $0x0, s1;
	[sflag:s0] =	ssyncset.done @!p0 $0x0  }
0xa6: {  	[sflag:s0] =	ssyncadd.s32 @!p0 s1  }
0xa7: {  	[bflag:$0x3] =	sbarrier.arrive $0xFFFF  }
0xa8: {  	_ =	shalt  }

// kernel: kernel.9.cloned.1.call-start
scs
__scs_entry_jumppad:
0x0: {  	(pc) =	sbr.rel $0x88, $3  }
0x1: {  	(tag) =	ssettag $0x0;
	lr =	simm.s32 $0x1  }
0x2: {  	[smem:$0x3F98] =	sst lr;
	_ =	strace $0xD0000000  }
0x3: {  	_ = 	snop  }
0x4: {  	_ = 	snop  }
0x5: {  	_ = 	snop  }
0x6: {  	_ = 	snop  }
0x7: {  	_ = 	snop  }
__scs_overlays_trampoline_lowered:
0x8: {  	[smem:$0x3FA7] =	sst s0  }
0x9: {  	[smem:$0x3FA8] =	sst s1  }
0xa: {  	[smem:$0x3FA9] =	sst s2  }
0xb: {  	[smem:$0x3FAA] =	sst s3  }
0xc: {  	[smem:$0x3FAB] =	sst s4  }
0xd: {  	[smem:$0x3FAC] =	sst s5  }
0xe: {  	[smem:$0x3FAD] =	sst s6  }
0xf: {  	[smem:$0x3FAE] =	sst s7  }
0x10: {  	[smem:$0x3FAF] =	sst s8  }
0x11: {  	[smem:$0x3FB0] =	sst s9;
	s0 =	simm.s32 @!p0 $0x0  }
0x12: {  	s1 =	sld [smem:$0x3F96];
	s0 =	simm.s32 @p0 $0x1  }
0x13: {  	[smem:$0x3FB1] =	sst s0;
	s0 =	simm.s32 @!p1 $0x0  }
0x14: {  	s2 =	sld [smem:$0x3F95];
	s0 =	simm.s32 @p1 $0x1  }
0x15: {  	[smem:$0x3FB2] =	sst s0;
	s0 =	simm.s32 @!p2 $0x0  }
0x16: {  	s3 =	sld [smem:$0x3FDB];
	s0 =	simm.s32 @p2 $0x1  }
0x17: {  	s4 =	simm.s32 $0x1BF5;
	[smem:$0x3FB4] =	sst s0  }
0x18: {  	s0 =	sld [smem:$0x3F97];
	_ =	swait.ge [sflag:s4], $0x0  }
0x19: {  	s7 =	sld [smem:$0x3F98]  }
0x1a: {  	s8 =	sadd.s32 $0xFFFFE003, lr  }
0x1b: {  	s9 =	sadd.s32 $0xFFFFFEF7, lr;
	s5 =	simm.s32 $0xFFFFFFFF;
	p2 =	slt.u32 s8, $0xFFFFF086  }
0x1c: {  	p1 =	slt.u32 s9, $0xF7A;
	s5 =	simm.s32 @!p2 $0x0  }
0x1d: {  	s5 =	simm.s32 @p1 $0x1;
	p0 =	seq.s32 s7, s2  }
0x1e: {  	s7 =	smul.u32 @!p0 $0xF7A, s2;
	p2 =	seq.s32 @!p0 s5, $0x0  }
0x1f: {  	s9 =	smul.u32 $0xF7A, s1;
	s8 =	simm.s32 @!p0 $0x1BF5;
	p2 =	por !p2, p0  }
0x20: {  	[sflag:s8] =	ssyncset.s32 @!p0 $0xFFFFF086;
	s6 =	sadd.s32 @!p0 s3, s7;
	s7 =	simm.s32 @!p0 $0x108  }
0x21: {  	s3 =	sadd.s32 s3, s9;
	s6 =	sadd.s32 @!p0 $0x88, s6;
	s7 =	simm.s32 @p2 $0x1082  }
0x22: {  	[simem:s7], [sflag:s8] =	dma.local @!p0 [hbm:s6], $0xF7A  }
0x23: {  	s9 =	sor.u32 $0xD0000000, s2;
	s6 =	simm.s32 $0x108;
	_ =	swait.ge @!p0 [sflag:s8], $0x0  }
0x24: {  	s3 =	sadd.s32 $0x88, s3;
	s6 =	simm.s32 @!p1 $0x1082;
	[sflag:s4] =	ssyncset.s32 $0xFFFFF086  }
0x25: {  	[simem:s6], [sflag:s4] =	dma.local [hbm:s3], $0xF7A  }
0x26: {  	[smem:$0x3F98] =	sst s1;
	(tag) =	ssettag s2;
	_ =	strace s9  }
0x27: {  	s1 =	sld [smem:$0x3FA8]  }
0x28: {  	s2 =	sld [smem:$0x3FA9]  }
0x29: {  	s4 =	sld [smem:$0x3FAB]  }
0x2a: {  	p0 =	seq.s32 s5, $0x0;
	s5 =	sld [smem:$0x3FAC]  }
0x2b: {  	s6 =	sld [smem:$0x3FAD]  }
0x2c: {  	s7 =	sld [smem:$0x3FAE]  }
0x2d: {  	s3 =	simm.s32 $0x108;
	s8 =	sld [smem:$0x3FAF]  }
0x2e: {  	s3 =	simm.s32 @!p0 $0x1082;
	s9 =	sld [smem:$0x3FB0]  }
0x2f: {  	lr =	sadd.s32 s0, s3;
	s0 =	sld [smem:$0x3FA7]  }
0x30: {  	s3 =	sld [smem:$0x3FAA]  }
0x31: {  	[smem:$0x3FB3] =	sst s10  }
0x32: {  	s10 =	sld [smem:$0x3FB1];
	_ =	sdelay $0x3  }
0x33: {  	p0 =	seq.s32 s10, $0x1;
	s10 =	sld [smem:$0x3FB3];
	_ =	sdelay $0x3  }
0x34: {  	[smem:$0x3FB3] =	sst s10  }
0x35: {  	s10 =	sld [smem:$0x3FB2];
	_ =	sdelay $0x3  }
0x36: {  	p1 =	seq.s32 s10, $0x1;
	s10 =	sld [smem:$0x3FB3];
	_ =	sdelay $0x3  }
0x37: {  	[smem:$0x3FB3] =	sst s10  }
0x38: {  	s10 =	sld [smem:$0x3FB4]  }
0x39: {  	_ = 	snop;
	(pc) =	sbr.ind lr, $3  }
0x3a: {  	_ = 	snop  }
0x3b: {  	_ = 	snop  }
0x3c: {  	p2 =	seq.s32 s10, $0x1;
	s10 =	sld [smem:$0x3FB3]  }
0x3d: {  	_ =	shalt  }
0x3e: {  	_ =	shalt  }
0x3f: {  	_ =	shalt  }
0x40: {  	_ =	shalt  }
0x41: {  	_ =	shalt  }
0x42: {  	_ =	shalt  }
0x43: {  	_ =	shalt  }
0x44: {  	_ =	shalt  }
0x45: {  	_ =	shalt  }
0x46: {  	_ =	shalt  }
0x47: {  	_ =	shalt  }
0x48: {  	_ =	shalt  }
0x49: {  	_ =	shalt  }
0x4a: {  	_ =	shalt  }
0x4b: {  	_ =	shalt  }
0x4c: {  	_ =	shalt  }
0x4d: {  	_ =	shalt  }
0x4e: {  	_ =	shalt  }
0x4f: {  	_ =	shalt  }
0x50: {  	_ =	shalt  }
0x51: {  	_ =	shalt  }
0x52: {  	_ =	shalt  }
0x53: {  	_ =	shalt  }
0x54: {  	_ =	shalt  }
0x55: {  	_ =	shalt  }
0x56: {  	_ =	shalt  }
0x57: {  	_ =	shalt  }
0x58: {  	_ =	shalt  }
0x59: {  	_ =	shalt  }
0x5a: {  	_ =	shalt  }
0x5b: {  	_ =	shalt  }
0x5c: {  	_ =	shalt  }
0x5d: {  	_ =	shalt  }
0x5e: {  	_ =	shalt  }
0x5f: {  	_ =	shalt  }
0x60: {  	_ =	shalt  }
0x61: {  	_ =	shalt  }
0x62: {  	_ =	shalt  }
0x63: {  	_ =	shalt  }
0x64: {  	_ =	shalt  }
0x65: {  	_ =	shalt  }
0x66: {  	_ =	shalt  }
0x67: {  	_ =	shalt  }
0x68: {  	_ =	shalt  }
0x69: {  	_ =	shalt  }
0x6a: {  	_ =	shalt  }
0x6b: {  	_ =	shalt  }
0x6c: {  	_ =	shalt  }
0x6d: {  	_ =	shalt  }
0x6e: {  	_ =	shalt  }
0x6f: {  	_ =	shalt  }
0x70: {  	_ =	shalt  }
0x71: {  	_ =	shalt  }
0x72: {  	_ =	shalt  }
0x73: {  	_ =	shalt  }
0x74: {  	_ =	shalt  }
0x75: {  	_ =	shalt  }
0x76: {  	_ =	shalt  }
0x77: {  	_ =	shalt  }
0x78: {  	_ =	shalt  }
0x79: {  	_ =	shalt  }
0x7a: {  	_ =	shalt  }
0x7b: {  	_ =	shalt  }
0x7c: {  	_ =	shalt  }
0x7d: {  	_ =	shalt  }
0x7e: {  	_ =	shalt  }
0x7f: {  	_ =	shalt  }
0x80: {  	_ =	shalt  }
0x81: {  	_ =	shalt  }
0x82: {  	_ =	shalt  }
0x83: {  	_ =	shalt  }
0x84: {  	_ =	shalt  }
0x85: {  	_ =	shalt  }
0x86: {  	_ =	shalt  }
0x87: {  	_ =	shalt  }
.Lfunc_end0:
.L_simem_size_0:
called_computation.2_lowered:
.L_overlay_start_0:
0x88: {  	s2 =	sld [smem:$0x3FD9]  }
0x89: {  	s3 =	sld [smem:$0x3FFE];
	_ =	sdelay $0x1  }
0x8a: {  	s1 =	srdreg.scid  }
0x8b: {  	s0 =	sand.u32 $0x1, s1  }
0x8c: {  	s17 =	sshll.u32 s0, $0xA;
	s2 =	sadd.s32 s3, s2  }
0x8d: {  	s2 =	sadd.s32 s2, s17  }
0x8e: {  	[smem:$0x3FBF] =	sst s2  }
0x8f: {  	_ = 	snop  }
0x90: {  	s2 =	sld [smem:$0x3FD0];
	(tm) =	ssettm $0x1  }
0x91: {  	s18 =	sld [smem:$0x3FFB];
	_ =	sdelay $0x3  }
0x92: {  	_ =	strace s18  }
0x93: {  	s3 =	sld [smem:$0x3FFC];
	_ =	sdelay $0x3  }
0x94: {  	_ =	strace s3  }
0x95: {  	s3 =	sld [smem:$0x3FFD];
	_ =	sdelay $0x3  }
0x96: {  	_ =	strace s3  }
0x97: {  	_ =	strace $0x8FFFFFFF  }
0x98: {  	s19 =	sld [smem:$0x3FDB];
	_ =	sdelay $0x1  }
0x99: {  	s4 =	simm.s32 $_scs_section_size  }
0x9a: {  	s5 =	simm.s32 $_size__tile_overlayer_lowered;
	s6 =	simm.s32 $_tile_overlayer_lowered  }
0x9b: {  	s22 =	simm.s32 $0x1BFF;
	s21 =	sshll.u32 s6, $0x1;
	s3 =	sadd.s32 s4, s19  }
0x9c: {  	s7 =	simm.s32 $0x0;
	s20 =	sshll.u32 s5, $0x1;
	s5 =	sadd.s32 s21, s3  }
0x9d: {  	[timem:s7], [sflag:s22] =	dma.local [hbm:s5], s20  }
0x9e: {  	_ =	swait.ge [sflag:s22], s20  }
0x9f: {  	s4 =	ssub.s32 $0x0, s20;
	[sflag:s22] =	ssyncset.done $0x0  }
0xa0: {  	[sflag:s22] =	ssyncadd.s32 s4;
	_ =	sdelay $0x1  }
0xa1: {  	s23 =	simm.s32 $0x1B8B  }
0xa2: {  	_ =	swait.ge [sflag:s23], $0x1  }
0xa3: {  	[sflag:s23] =	ssyncset.done $0x0  }
0xa4: {  	s25 =	simm.s32 $0x1B8E;
	s24 =	sld [smem:$0x3FFE];
	[sflag:s23] =	ssyncadd.s32 $0xFFFFFFFF  }
0xa5: {  	s26 =	simm.s32 $execute0_lowered;
	[smem:$0x3FD2] =	sst s25  }
0xa6: {  	s5 =	sshll.u32 s26, $0x1;
	_ =	strace $0x80000049;
	[dreg:$0x1] =	wrdreg $0xFFFFFFFF  }
0xa7: {  	s28 =	simm.s32 $_size_execute0_lowered;
	s3 =	sadd.s32 s3, s5;
	[dreg:$0x0] =	wrdreg $0x0  }
0xa8: {  	s5 =	sshll.u32 s28, $0x1;
	[dreg:$0x2] =	wrdreg s3  }
0xa9: {  	[dreg:$0x3] =	wrdreg s5  }
0xaa: {  	[dreg:$0x4] =	wrdreg $0xC0  }
0xab: {  	_ =	task [dreg:s7], $0x5FFFF  }
0xac: {  	[dreg:$0x1] =	wrdreg $0xFFFFFFFF  }
0xad: {  	[dreg:$0x0] =	wrdreg $0x60  }
0xae: {  	[dreg:$0x2] =	wrdreg s2  }
0xaf: {  	[dreg:$0x3] =	wrdreg s24  }
0xb0: {  	[dreg:$0x4] =	wrdreg $0xA  }
0xb1: {  	_ =	task.clear_ibuf [dreg:s7], $0x5FFFF;
	_ =	strace $0x90000049  }
0xb2: {  	s29 =	simm.s32 $0xA;
	_ =	strace $0x8000004B  }
0xb3: {  	_ =	swait.ge [sflag:s29], $0x1  }
0xb4: {  	[sflag:s29] =	ssyncadd.s32 $0xFFFFFFFF  }
0xb5: {  	_ =	strace $0x9000004B  }
0xb6: {  	_ =	sfence  }
0xb7: {  	s30 =	sld [smem:$0x0];
	_ =	sdelay $0x2  }
0xb8: {  	s31 =	sshll.u32 s1, $0xD;
	s1 =	sshrl.u32 s1, $0x2  }
0xb9: {  	s3 =	sand.u32 $0x4000, s31;
	s1 =	sadd.s32 s1, s30  }
0xba: {  	s0 =	sor.u32 s3, s0;
	s1 =	sshll.u32 s1, $0x11  }
0xbb: {  	s0 =	sor.u32 s1, s0  }
0xbc: {  	s0 =	sadd.s32 $0x8F2B, s0  }
0xbd: {  	[sflag:s0] =	ssyncadd.remote.s32 $0x1  }
0xbe: {  	_ =	sfence.sel $0xFFFF  }
0xbf: {  	[dreg:$0x0] =	wrdreg $0xFFFFFFFF;
	(pc) =	sbr.abs _section_cstart, $3  }
0xc0: {  	[dreg:$0x1] =	wrdreg $0xFFFFFFFF  }
0xc1: {  	_ =	task.clear_ibuf [dreg:s7], $0x2FFFF;
	_ =	strace $0x9FFFFFFF  }
0xc2: {  	(tm) =	ssettm $0x7FFFFFFF  }
0xc3: {  	_ =	shalt  }
tec
execute0_lowered:
.L_overlay_start_1:
0x0: {  	(tag) =	ssettag $0x1  }
0x1: {  	s1 =	rddreg [dreg:$0x0]  }
0x2: {  	s10 =	rddreg [dreg:$0x1]  }
0x3: {  	s0 =	rddreg [dreg:$0x2];
	s2 =	simm.s32 $0x0  }
0x4: {  	s7 =	srdreg.scid;
	s3 =	stileid.u32;
	s15 =	simm.s32 $0x1  }
0x5: {  	s16 =	simm.s32 $0x9C80;
	s17 =	simm.s32 $0x13900;
	s18 =	simm.s32 $0x1D600  }
0x6: {  	s19 =	simm.s32 $0x1D680;
	s20 =	simm.s32 $0x1D700;
	s21 =	simm.s32 $0x0  }
0x7: {  	[smem:$0x7FF] =	sst s2;
	s4 =	sadd.s32 $0x2A00, s10;
	s5 =	sadd.s32 $0x7C00, s10  }
0x8: {  	s6 =	sadd.s32 $0x3E00, s10;
	s13 =	sand.u32 $0x1, s7;
	s7 =	sadd.s32 $0x9000, s10  }
.Ltmp0:
0x9: {  	v1 =	vimm.s32 $0x8000;
	s9 =	sshll.u32 s3, $0x1;
	s8 =	sadd.s32 $0x30200, s10;
	(pc) =	sbr.rel .LBB2_1-.Ltmp0, $4  }
0xa: {  	s10 =	sadd.s32 $0x57400, s10;
	s14 =	sshll.u32 s3, $0x8;
	s11 =	ssub.s32 $0x2, s13  }
0xb: {  	s9 =	sor.u32 s13, s9;
	s13 =	sshll.u32 s13, $0x7;
	s12 =	sshrl.u32 s11, $0x1  }
0xc: {  	_ =	strace $0x8000004A;
	s13 =	sor.u32 s13, s14;
	s12 =	ssub.s32 s11, s12  }
0xd: {  	v0 =	vlaneseq.u32;
	s14 =	simm.s32 $0x1D580;
	s11 =	sshll.u32 s9, $0x7;
	s12 =	smax.u32 s12, $0x1  }
.LBB2_5:
0xe: {  	s21 =	sadd.s32 $0x1, s21  }
0xf: {  	p0 =	sne.s32 s21, s12  }
.Ltmp1:
0x10: {  	_ = 	snop;
	(pc) =	sbr.rel @!p0 .LBB2_6-.Ltmp1, $1  }
0x11: {  	_ =	sdelay $0x3  }
.LBB2_1:
0x12: {  	[tilespmem:s14], [sflag:$0x1] =	stream.linear.gather [hbm4b:s6+s2], $0x80, $0x38;
	[tilespmem:$0x1D780] =	vst v63  }
0x13: {  	_ =	swait.ge [sflag:s15], $0x80  }
0x14: {  	[sflag:s15] =	ssyncset.done $0x0  }
0x15: {  	[sflag:s15] =	ssyncadd.s32 $0xFFFFFF80  }
0x16: {  	v2 =	vld [tilespmem:$0x1D580];
	_ =	sdelay $0x4  }
0x17: {  	(v2sf) =	vpush v2, $0x0;
	_ =	sdelay $0xd  }
0x18: {  	[tilespmem:s2], [sflag:$0x1] =	stream.linear.gather [hbm4b:s1+s2], $0x9C80, $0x38;
	[tilespmem:$0x1D780] =	vst v63  }
0x19: {  	s22 =	spop (v2sf)  }
0x1a: {  	_ =	swait.ge [sflag:s15], $0x9C80  }
0x1b: {  	s22 =	sadd.s32 $0x7F, s22;
	[sflag:s15] =	ssyncset.done $0x0  }
0x1c: {  	s23 =	sshra.s32 s22, $0x1F;
	s24 =	sand.u32 $0x7F, s22;
	p0 =	slt.s32 s22, $0x1  }
0x1d: {  	[sflag:s15] =	ssyncadd.s32 $0xFFFF6380;
	s23 =	sshrl.u32 s23, $0x19;
	p1 =	sne.s32 s24, $0x0  }
0x1e: {  	[tilespmem:s16], [sflag:$0x1] =	stream.linear.gather [hbm4b:s4+s2], $0x9C80, $0x38;
	[tilespmem:$0x1D780] =	vst v63  }
0x1f: {  	s22 =	sadd.s32 s23, s22;
	p0 =	por !p0, !p1  }
0x20: {  	s23 =	simm.s32 $0x1;
	s22 =	sshra.s32 s22, $0x7;
	p0 =	por !p0, !p0  }
0x21: {  	s22 =	ssub.s32 s22, s9;
	s23 =	simm.s32 @!p0 $0x0  }
0x22: {  	s22 =	ssub.s32 s22, s23  }
0x23: {  	p0 =	sgt.s32 s22, $0xFFFFFFE1  }
0x24: {  	p5 =	slt.s32 s22, $0xFFFFFFE2;
	s22 =	simm.s32 @!p0 $0xFFFFFFE1  }
0x25: {  	s22 =	sadd.s32 $0x1F, s22  }
0x26: {  	s31 =	sand.u32 $0x1F, s22  }
0x27: {  	p6 =	sne.s32 s31, $0x0  }
0x28: {  	p0 =	por !p5, !p6  }
0x29: {  	s23 =	simm.s32 $0x1;
	p0 =	por !p0, !p0  }
0x2a: {  	s22 =	sshrl.u32 s22, $0x5;
	s23 =	simm.s32 @!p0 $0x0  }
0x2b: {  	_ =	swait.ge [sflag:s15], $0x9C80;
	s22 =	ssub.s32 s22, s23  }
0x2c: {  	[sflag:s15] =	ssyncset.done $0x0;
	p0 =	slt.s32 s22, $0x1  }
.Ltmp2:
0x2d: {  	[sflag:s15] =	ssyncadd.s32 $0xFFFF6380;
	(pc) =	sbr.rel @p0 .LBB2_5-.Ltmp2, $4  }
0x2e: {  	[tilespmem:s17], [sflag:$0x1] =	stream.linear.gather [hbm4b:s5+s2], $0x9C80, $0x38;
	[tilespmem:$0x1D780] =	vst v63  }
0x2f: {  	_ =	swait.ge [sflag:s15], $0x9C80  }
0x30: {  	[sflag:s15] =	ssyncset.done $0x0  }
0x31: {  	s24 =	simm.s32 $0x0;
	[sflag:s15] =	ssyncadd.s32 $0xFFFF6380;
	s23 =	smov.u32 s13  }
.LBB2_2:
0x32: {  	s25 =	sshll.u32 s24, $0xC  }
0x33: {  	s26 =	simm.s32 $0x0;
	s28 =	smov.u32 s23;
	s25 =	sor.u32 s11, s25  }
.LBB2_3:
0x34: {  	v2 =	vld.idx.msk [tilespmem:v1+s2+$0x0], $0xffff;
	_ =	sdelay $0x3  }
0x35: {  	v3 =	vor.u32 s28, v0  }
0x36: {  	vm0 =	vgt.s32 v2, v3  }
0x37: {  	v2 =	vsel vm0, $0x0, v1  }
0x38: {  	v4 =	vor.u32 $0x4000, v2  }
0x39: {  	v4 =	vmin.u32 v4, $0x9C40;
	_ =	sdelay $0x4  }
0x3a: {  	v5 =	vld.idx.msk [tilespmem:v4+s2+$0x0], $0xffff;
	_ =	sdelay $0x4  }
0x3b: {  	vm12 =	vgt.s32 v5, v3  }
0x3c: {  	v2 =	vsel vm12, v2, v4  }
0x3d: {  	v4 =	vor.u32 $0x2000, v2  }
0x3e: {  	v4 =	vmin.u32 v4, $0x9C40;
	_ =	sdelay $0x4  }
0x3f: {  	v48 =	vld.idx.msk [tilespmem:v4+s2+$0x0], $0xffff;
	_ =	sdelay $0x4  }
0x40: {  	vm13 =	vgt.s32 v48, v3  }
0x41: {  	v2 =	vsel vm13, v2, v4  }
0x42: {  	v4 =	vmin.u32 v2, $0x8C40  }
0x43: {  	v4 =	vadd.s32 $0x1000, v4;
	_ =	sdelay $0x4  }
0x44: {  	v49 =	vld.idx.msk [tilespmem:v4+s2+$0x0], $0xffff;
	_ =	sdelay $0x4  }
0x45: {  	vm14 =	vgt.s32 v49, v3  }
0x46: {  	v2 =	vsel vm14, v2, v4  }
0x47: {  	v4 =	vmin.u32 v2, $0x9440  }
0x48: {  	v4 =	vadd.s32 $0x800, v4;
	_ =	sdelay $0x4  }
0x49: {  	v50 =	vld.idx.msk [tilespmem:v4+s2+$0x0], $0xffff;
	_ =	sdelay $0x4  }
0x4a: {  	vm15 =	vgt.s32 v50, v3  }
0x4b: {  	v2 =	vsel vm15, v2, v4  }
0x4c: {  	v4 =	vmin.u32 v2, $0x9840  }
0x4d: {  	v4 =	vadd.s32 $0x400, v4;
	_ =	sdelay $0x4  }
0x4e: {  	v51 =	vld.idx.msk [tilespmem:v4+s2+$0x0], $0xffff;
	_ =	sdelay $0x4  }
0x4f: {  	vm4 =	vgt.s32 v51, v3  }
0x50: {  	v2 =	vsel vm4, v2, v4  }
0x51: {  	v4 =	vmin.u32 v2, $0x9A40  }
0x52: {  	v4 =	vadd.s32 $0x200, v4;
	_ =	sdelay $0x4  }
0x53: {  	v52 =	vld.idx.msk [tilespmem:v4+s2+$0x0], $0xffff;
	_ =	sdelay $0x4  }
0x54: {  	vm5 =	vgt.s32 v52, v3  }
0x55: {  	v2 =	vsel vm5, v2, v4  }
0x56: {  	v4 =	vmin.u32 v2, $0x9B40  }
0x57: {  	v4 =	vadd.s32 $0x100, v4;
	_ =	sdelay $0x4  }
0x58: {  	v53 =	vld.idx.msk [tilespmem:v4+s2+$0x0], $0xffff;
	_ =	sdelay $0x4  }
0x59: {  	vm6 =	vgt.s32 v53, v3  }
0x5a: {  	v2 =	vsel vm6, v2, v4  }
0x5b: {  	v4 =	vmin.u32 v2, $0x9BC0  }
0x5c: {  	v4 =	vadd.s32 $0x80, v4;
	_ =	sdelay $0x4  }
0x5d: {  	v54 =	vld.idx.msk [tilespmem:v4+s2+$0x0], $0xffff;
	_ =	sdelay $0x4  }
0x5e: {  	vm7 =	vgt.s32 v54, v3  }
0x5f: {  	v2 =	vsel vm7, v2, v4  }
0x60: {  	v4 =	vmin.u32 v2, $0x9C00  }
0x61: {  	v4 =	vadd.s32 $0x40, v4;
	_ =	sdelay $0x4  }
0x62: {  	v55 =	vld.idx.msk [tilespmem:v4+s2+$0x0], $0xffff;
	_ =	sdelay $0x4  }
0x63: {  	vm8 =	vgt.s32 v55, v3  }
0x64: {  	v2 =	vsel vm8, v2, v4  }
0x65: {  	v4 =	vmin.u32 v2, $0x9C20  }
0x66: {  	v4 =	vadd.s32 $0x20, v4;
	_ =	sdelay $0x4  }
0x67: {  	v56 =	vld.idx.msk [tilespmem:v4+s2+$0x0], $0xffff;
	_ =	sdelay $0x4  }
0x68: {  	vm9 =	vgt.s32 v56, v3  }
0x69: {  	v2 =	vsel vm9, v2, v4  }
0x6a: {  	v4 =	vmin.u32 v2, $0x9C30  }
0x6b: {  	v4 =	vadd.s32 $0x10, v4;
	_ =	sdelay $0x4  }
0x6c: {  	v57 =	vld.idx.msk [tilespmem:v4+s2+$0x0], $0xffff;
	_ =	sdelay $0x4  }
0x6d: {  	vm10 =	vgt.s32 v57, v3  }
0x6e: {  	v2 =	vsel vm10, v2, v4  }
0x6f: {  	v4 =	vmin.u32 v2, $0x9C38  }
0x70: {  	v4 =	vadd.s32 $0x8, v4;
	_ =	sdelay $0x4  }
0x71: {  	v58 =	vld.idx.msk [tilespmem:v4+s2+$0x0], $0xffff;
	_ =	sdelay $0x4  }
0x72: {  	vm11 =	vgt.s32 v58, v3  }
0x73: {  	v2 =	vsel vm11, v2, v4  }
0x74: {  	v4 =	vmin.u32 v2, $0x9C3C  }
0x75: {  	v4 =	vadd.s32 $0x4, v4;
	_ =	sdelay $0x4  }
0x76: {  	v59 =	vld.idx.msk [tilespmem:v4+s2+$0x0], $0xffff;
	_ =	sdelay $0x4  }
0x77: {  	vm12 =	vgt.s32 v59, v3  }
0x78: {  	v2 =	vsel vm12, v2, v4  }
0x79: {  	v4 =	vmin.u32 v2, $0x9C3E  }
0x7a: {  	v4 =	vadd.s32 $0x2, v4;
	_ =	sdelay $0x4  }
0x7b: {  	v60 =	vld.idx.msk [tilespmem:v4+s2+$0x0], $0xffff;
	_ =	sdelay $0x4  }
0x7c: {  	vm13 =	vgt.s32 v60, v3  }
0x7d: {  	v2 =	vsel vm13, v2, v4  }
0x7e: {  	v4 =	vmin.u32 v2, $0x9C3F  }
0x7f: {  	v4 =	vadd.s32 $0x1, v4;
	_ =	sdelay $0x4  }
0x80: {  	v61 =	vld.idx.msk [tilespmem:v4+s2+$0x0], $0xffff;
	_ =	sdelay $0x4  }
0x81: {  	vm14 =	vgt.s32 v61, v3  }
0x82: {  	v2 =	vsel vm14, v2, v4  }
0x83: {  	v2 =	vmin.u32 v2, $0x9C3F;
	_ =	sdelay $0x4  }
0x84: {  	v62 =	vld.idx.msk [tilespmem:v2+s16+$0x0], $0xffff;
	_ =	sdelay $0x4  }
0x85: {  	v3 =	vadd.s32 v3, v62  }
0x86: {  	vm15 =	vgt.s32 v3, $0x0  }
0x87: {  	v3 =	vnsel vm15, $0x0, v3  }
0x88: {  	v3 =	vmin.u32 v3, $0x9C3F;
	_ =	sdelay $0x4  }
0x89: {  	p0 =	sne.s32 s26, $0x1C0;
	v63 =	vld.idx.msk [tilespmem:v3+s17+$0x0], $0xffff  }
.Ltmp3:
0x8a: {  	_ = 	snop;
	(pc) =	sbr.rel @p0 .LBB2_3-.Ltmp3, $4  }
0x8b: {  	s29 =	sshra.s32 s26, $0x2  }
0x8c: {  	[tilespmem:s29+$0x1D680] =	vst v2  }
0x8d: {  	[tilespmem:s29+$0x1D700] =	vst v3  }
0x8e: {  	s28 =	sadd.s32 $0x10, s28;
	s26 =	sadd.s32 $0x40, s26;
	[tilespmem:s29+$0x1D600] =	vst v63  }
0x8f: {  	s25 =	sshrl.u32 s25, $0x3  }
0x90: {  	s26 =	sadd.s32 s7, s25  }
0x91: {  	[hbm4b:s26+s2] =	stream.linear.scatter [tilespmem:s18], [sflag:$0x1], $0x80, $0x38;
	[tilespmem:$0x1D780] =	vst v63  }
0x92: {  	_ =	swait.ge [sflag:s15], $0x80  }
0x93: {  	[sflag:s15] =	ssyncset.done $0x0  }
0x94: {  	s31 =	sadd.s32 s8, s25;
	[sflag:s15] =	ssyncadd.s32 $0xFFFFFF80  }
0x95: {  	[hbm4b:s31+s2] =	stream.linear.scatter [tilespmem:s19], [sflag:$0x1], $0x80, $0x38;
	[tilespmem:$0x1D780] =	vst v63  }
0x96: {  	_ =	swait.ge [sflag:s15], $0x80  }
0x97: {  	s24 =	sadd.s32 $0x1, s24;
	[sflag:s15] =	ssyncset.done $0x0  }
0x98: {  	s25 =	sadd.s32 s10, s25;
	p0 =	sne.s32 s24, s22;
	[sflag:s15] =	ssyncadd.s32 $0xFFFFFF80  }
0x99: {  	[hbm4b:s25+s2] =	stream.linear.scatter [tilespmem:s20], [sflag:$0x1], $0x80, $0x38;
	[tilespmem:$0x1D780] =	vst v63  }
.Ltmp4:
0x9a: {  	_ = 	snop;
	(pc) =	sbr.rel @p0 .LBB2_2-.Ltmp4, $4  }
.Ltmp5:
0x9b: {  	_ = 	snop;
	(pc) =	sbr.rel @!p0 .LBB2_5-.Ltmp5, $4  }
0x9c: {  	_ =	swait.ge [sflag:s15], $0x80  }
0x9d: {  	[sflag:s15] =	ssyncset.done $0x0  }
0x9e: {  	s23 =	sadd.s32 $0x1000, s23;
	[sflag:s15] =	ssyncadd.s32 $0xFFFFFF80  }
0x9f: {  	_ = 	snop  }
.LBB2_6:
0xa0: {  	_ =	sfence.sel $0x180000  }
0xa1: {  	[bflag:$0x0] =	sbarrier.arrive $0xFFFF  }
0xa2: {  	p0 =	sne.s32 s3, $0x0;
	_ =	strace $0x9000004A  }
0xa3: {  	s0 =	sadd.s32 @!p0 $0x100000, s0;
	[bflag:$0x2] =	sbarrier.arrive $0xFFFF  }
0xa4: {  	[sflag:s0] =	ssyncadd.tile.s32 @!p0 $0x1;
	_ =	shalt  }
.Lfunc_end2:
_tile_overlayer_lowered:
.L_overlay_start_2:
0xa5: {  	(tag) =	ssettag $0x2  }
0xa6: {  	s0 =	rddreg [dreg:$0x0];
	s2 =	stileid.u32  }
0xa7: {  	s1 =	rddreg [dreg:$0x1];
	p0 =	sne.s32 s2, $0x0  }
0xa8: {  	s3 =	rddreg [dreg:$0x2];
	[bflag:$0x3] =	sbarrier.arrive $0xFFFF;
	s2 =	simm.s32 @!p0 $0x1C01  }
0xa9: {  	[timem:s3], [sflag:s2] =	dma.local @!p0 [hbm:s0], s1  }
0xaa: {  	s0 =	simm.s32 @!p0 $0x1  }
0xab: {  	_ =	swait.ge @!p0 [sflag:s0], s1  }
0xac: {  	s1 =	ssub.s32 @!p0 $0x0, s1;
	[sflag:s0] =	ssyncset.done @!p0 $0x0  }
0xad: {  	[sflag:s0] =	ssyncadd.s32 @!p0 s1  }
0xae: {  	[bflag:$0x3] =	sbarrier.arrive $0xFFFF  }
0xaf: {  	_ =	shalt  }

// kernel: scatter_offload_async_start
scs
__scs_entry_jumppad:
0x0: {  	(pc) =	sbr.rel $0x88, $3  }
0x1: {  	(tag) =	ssettag $0x0;
	lr =	simm.s32 $0x1  }
0x2: {  	[smem:$0x3F98] =	sst lr;
	_ =	strace $0xD0000000  }
0x3: {  	_ = 	snop  }
0x4: {  	_ = 	snop  }
0x5: {  	_ = 	snop  }
0x6: {  	_ = 	snop  }
0x7: {  	_ = 	snop  }
__scs_overlays_trampoline_lowered:
0x8: {  	[smem:$0x3FA7] =	sst s0  }
0x9: {  	[smem:$0x3FA8] =	sst s1  }
0xa: {  	[smem:$0x3FA9] =	sst s2  }
0xb: {  	[smem:$0x3FAA] =	sst s3  }
0xc: {  	[smem:$0x3FAB] =	sst s4  }
0xd: {  	[smem:$0x3FAC] =	sst s5  }
0xe: {  	[smem:$0x3FAD] =	sst s6  }
0xf: {  	[smem:$0x3FAE] =	sst s7  }
0x10: {  	[smem:$0x3FAF] =	sst s8  }
0x11: {  	[smem:$0x3FB0] =	sst s9;
	s0 =	simm.s32 @!p0 $0x0  }
0x12: {  	s1 =	sld [smem:$0x3F96];
	s0 =	simm.s32 @p0 $0x1  }
0x13: {  	[smem:$0x3FB1] =	sst s0;
	s0 =	simm.s32 @!p1 $0x0  }
0x14: {  	s2 =	sld [smem:$0x3F95];
	s0 =	simm.s32 @p1 $0x1  }
0x15: {  	[smem:$0x3FB2] =	sst s0;
	s0 =	simm.s32 @!p2 $0x0  }
0x16: {  	s3 =	sld [smem:$0x3FDB];
	s0 =	simm.s32 @p2 $0x1  }
0x17: {  	s4 =	simm.s32 $0x1BF5;
	[smem:$0x3FB4] =	sst s0  }
0x18: {  	s0 =	sld [smem:$0x3F97];
	_ =	swait.ge [sflag:s4], $0x0  }
0x19: {  	s7 =	sld [smem:$0x3F98]  }
0x1a: {  	s8 =	sadd.s32 $0xFFFFE003, lr  }
0x1b: {  	s9 =	sadd.s32 $0xFFFFFEF7, lr;
	s5 =	simm.s32 $0xFFFFFFFF;
	p2 =	slt.u32 s8, $0xFFFFF086  }
0x1c: {  	p1 =	slt.u32 s9, $0xF7A;
	s5 =	simm.s32 @!p2 $0x0  }
0x1d: {  	s5 =	simm.s32 @p1 $0x1;
	p0 =	seq.s32 s7, s2  }
0x1e: {  	s7 =	smul.u32 @!p0 $0xF7A, s2;
	p2 =	seq.s32 @!p0 s5, $0x0  }
0x1f: {  	s9 =	smul.u32 $0xF7A, s1;
	s8 =	simm.s32 @!p0 $0x1BF5;
	p2 =	por !p2, p0  }
0x20: {  	[sflag:s8] =	ssyncset.s32 @!p0 $0xFFFFF086;
	s6 =	sadd.s32 @!p0 s3, s7;
	s7 =	simm.s32 @!p0 $0x108  }
0x21: {  	s3 =	sadd.s32 s3, s9;
	s6 =	sadd.s32 @!p0 $0x88, s6;
	s7 =	simm.s32 @p2 $0x1082  }
0x22: {  	[simem:s7], [sflag:s8] =	dma.local @!p0 [hbm:s6], $0xF7A  }
0x23: {  	s9 =	sor.u32 $0xD0000000, s2;
	s6 =	simm.s32 $0x108;
	_ =	swait.ge @!p0 [sflag:s8], $0x0  }
0x24: {  	s3 =	sadd.s32 $0x88, s3;
	s6 =	simm.s32 @!p1 $0x1082;
	[sflag:s4] =	ssyncset.s32 $0xFFFFF086  }
0x25: {  	[simem:s6], [sflag:s4] =	dma.local [hbm:s3], $0xF7A  }
0x26: {  	[smem:$0x3F98] =	sst s1;
	(tag) =	ssettag s2;
	_ =	strace s9  }
0x27: {  	s1 =	sld [smem:$0x3FA8]  }
0x28: {  	s2 =	sld [smem:$0x3FA9]  }
0x29: {  	s4 =	sld [smem:$0x3FAB]  }
0x2a: {  	p0 =	seq.s32 s5, $0x0;
	s5 =	sld [smem:$0x3FAC]  }
0x2b: {  	s6 =	sld [smem:$0x3FAD]  }
0x2c: {  	s7 =	sld [smem:$0x3FAE]  }
0x2d: {  	s3 =	simm.s32 $0x108;
	s8 =	sld [smem:$0x3FAF]  }
0x2e: {  	s3 =	simm.s32 @!p0 $0x1082;
	s9 =	sld [smem:$0x3FB0]  }
0x2f: {  	lr =	sadd.s32 s0, s3;
	s0 =	sld [smem:$0x3FA7]  }
0x30: {  	s3 =	sld [smem:$0x3FAA]  }
0x31: {  	[smem:$0x3FB3] =	sst s10  }
0x32: {  	s10 =	sld [smem:$0x3FB1];
	_ =	sdelay $0x3  }
0x33: {  	p0 =	seq.s32 s10, $0x1;
	s10 =	sld [smem:$0x3FB3];
	_ =	sdelay $0x3  }
0x34: {  	[smem:$0x3FB3] =	sst s10  }
0x35: {  	s10 =	sld [smem:$0x3FB2];
	_ =	sdelay $0x3  }
0x36: {  	p1 =	seq.s32 s10, $0x1;
	s10 =	sld [smem:$0x3FB3];
	_ =	sdelay $0x3  }
0x37: {  	[smem:$0x3FB3] =	sst s10  }
0x38: {  	s10 =	sld [smem:$0x3FB4]  }
0x39: {  	_ = 	snop;
	(pc) =	sbr.ind lr, $3  }
0x3a: {  	_ = 	snop  }
0x3b: {  	_ = 	snop  }
0x3c: {  	p2 =	seq.s32 s10, $0x1;
	s10 =	sld [smem:$0x3FB3]  }
0x3d: {  	_ =	shalt  }
0x3e: {  	_ =	shalt  }
0x3f: {  	_ =	shalt  }
0x40: {  	_ =	shalt  }
0x41: {  	_ =	shalt  }
0x42: {  	_ =	shalt  }
0x43: {  	_ =	shalt  }
0x44: {  	_ =	shalt  }
0x45: {  	_ =	shalt  }
0x46: {  	_ =	shalt  }
0x47: {  	_ =	shalt  }
0x48: {  	_ =	shalt  }
0x49: {  	_ =	shalt  }
0x4a: {  	_ =	shalt  }
0x4b: {  	_ =	shalt  }
0x4c: {  	_ =	shalt  }
0x4d: {  	_ =	shalt  }
0x4e: {  	_ =	shalt  }
0x4f: {  	_ =	shalt  }
0x50: {  	_ =	shalt  }
0x51: {  	_ =	shalt  }
0x52: {  	_ =	shalt  }
0x53: {  	_ =	shalt  }
0x54: {  	_ =	shalt  }
0x55: {  	_ =	shalt  }
0x56: {  	_ =	shalt  }
0x57: {  	_ =	shalt  }
0x58: {  	_ =	shalt  }
0x59: {  	_ =	shalt  }
0x5a: {  	_ =	shalt  }
0x5b: {  	_ =	shalt  }
0x5c: {  	_ =	shalt  }
0x5d: {  	_ =	shalt  }
0x5e: {  	_ =	shalt  }
0x5f: {  	_ =	shalt  }
0x60: {  	_ =	shalt  }
0x61: {  	_ =	shalt  }
0x62: {  	_ =	shalt  }
0x63: {  	_ =	shalt  }
0x64: {  	_ =	shalt  }
0x65: {  	_ =	shalt  }
0x66: {  	_ =	shalt  }
0x67: {  	_ =	shalt  }
0x68: {  	_ =	shalt  }
0x69: {  	_ =	shalt  }
0x6a: {  	_ =	shalt  }
0x6b: {  	_ =	shalt  }
0x6c: {  	_ =	shalt  }
0x6d: {  	_ =	shalt  }
0x6e: {  	_ =	shalt  }
0x6f: {  	_ =	shalt  }
0x70: {  	_ =	shalt  }
0x71: {  	_ =	shalt  }
0x72: {  	_ =	shalt  }
0x73: {  	_ =	shalt  }
0x74: {  	_ =	shalt  }
0x75: {  	_ =	shalt  }
0x76: {  	_ =	shalt  }
0x77: {  	_ =	shalt  }
0x78: {  	_ =	shalt  }
0x79: {  	_ =	shalt  }
0x7a: {  	_ =	shalt  }
0x7b: {  	_ =	shalt  }
0x7c: {  	_ =	shalt  }
0x7d: {  	_ =	shalt  }
0x7e: {  	_ =	shalt  }
0x7f: {  	_ =	shalt  }
0x80: {  	_ =	shalt  }
0x81: {  	_ =	shalt  }
0x82: {  	_ =	shalt  }
0x83: {  	_ =	shalt  }
0x84: {  	_ =	shalt  }
0x85: {  	_ =	shalt  }
0x86: {  	_ =	shalt  }
0x87: {  	_ =	shalt  }
.Lfunc_end0:
.L_simem_size_0:
called_computation_lowered:
.L_overlay_start_0:
0x88: {  	s0 =	sld [smem:$0x3FD9]  }
0x89: {  	s1 =	sld [smem:$0x3FFE];
	_ =	sdelay $0x3  }
0x8a: {  	s0 =	sadd.s32 s1, s0  }
0x8b: {  	[smem:$0x3FBF] =	sst s0  }
0x8c: {  	_ = 	snop  }
0x8d: {  	s0 =	sld [smem:$0x3FD0];
	(tm) =	ssettm $0x1  }
0x8e: {  	s16 =	sld [smem:$0x3FFB];
	_ =	sdelay $0x3  }
0x8f: {  	_ =	strace s16  }
0x90: {  	s1 =	sld [smem:$0x3FFC];
	_ =	sdelay $0x3  }
0x91: {  	_ =	strace s1  }
0x92: {  	s1 =	sld [smem:$0x3FFD];
	_ =	sdelay $0x3  }
0x93: {  	_ =	strace s1  }
0x94: {  	_ =	strace $0x8FFFFFFF  }
0x95: {  	s17 =	sld [smem:$0x3FDB];
	_ =	sdelay $0x1  }
0x96: {  	s2 =	simm.s32 $_scs_section_size  }
0x97: {  	s3 =	simm.s32 $_size__tile_overlayer_lowered;
	s4 =	simm.s32 $_tile_overlayer_lowered  }
0x98: {  	s20 =	simm.s32 $0x1BFF;
	s19 =	sshll.u32 s4, $0x1;
	s1 =	sadd.s32 s2, s17  }
0x99: {  	s5 =	simm.s32 $0x0;
	s18 =	sshll.u32 s3, $0x1;
	s3 =	sadd.s32 s19, s1  }
0x9a: {  	[timem:s5], [sflag:s20] =	dma.local [hbm:s3], s18  }
0x9b: {  	_ =	swait.ge [sflag:s20], s18  }
0x9c: {  	s2 =	ssub.s32 $0x0, s18;
	[sflag:s20] =	ssyncset.done $0x0  }
0x9d: {  	[sflag:s20] =	ssyncadd.s32 s2;
	_ =	sdelay $0x1  }
0x9e: {  	s21 =	simm.s32 $0x1B8B  }
0x9f: {  	_ =	swait.ge [sflag:s21], $0x1  }
0xa0: {  	[sflag:s21] =	ssyncset.done $0x0  }
0xa1: {  	s23 =	simm.s32 $0x1B8E;
	s22 =	sld [smem:$0x3FFE];
	[sflag:s21] =	ssyncadd.s32 $0xFFFFFFFF  }
0xa2: {  	s24 =	simm.s32 $execute0_lowered;
	[smem:$0x3FD2] =	sst s23  }
0xa3: {  	s3 =	sshll.u32 s24, $0x1;
	_ =	strace $0x80000046;
	[dreg:$0x1] =	wrdreg $0xFFFFFFFF  }
0xa4: {  	s25 =	simm.s32 $_size_execute0_lowered;
	s1 =	sadd.s32 s1, s3;
	[dreg:$0x0] =	wrdreg $0x0  }
0xa5: {  	s3 =	sshll.u32 s25, $0x1;
	[dreg:$0x2] =	wrdreg s1  }
0xa6: {  	[dreg:$0x3] =	wrdreg s3  }
0xa7: {  	[dreg:$0x4] =	wrdreg $0xC0  }
0xa8: {  	_ =	task [dreg:s5], $0x5FFFF  }
0xa9: {  	[dreg:$0x1] =	wrdreg $0xFFFFFFFF  }
0xaa: {  	[dreg:$0x0] =	wrdreg $0x60  }
0xab: {  	[dreg:$0x2] =	wrdreg s22  }
0xac: {  	[dreg:$0x3] =	wrdreg s0  }
0xad: {  	[dreg:$0x4] =	wrdreg $0x9  }
0xae: {  	_ =	task.clear_ibuf [dreg:s5], $0x5FFFF;
	_ =	strace $0x90000046  }
0xaf: {  	s26 =	simm.s32 $0x9;
	_ =	strace $0x80000048  }
0xb0: {  	_ =	swait.ge [sflag:s26], $0x1  }
0xb1: {  	[sflag:s26] =	ssyncadd.s32 $0xFFFFFFFF  }
0xb2: {  	_ =	strace $0x90000048  }
0xb3: {  	_ =	sfence  }
0xb4: {  	s28 =	sld [smem:$0x0];
	_ =	sdelay $0x1  }
0xb5: {  	s29 =	srdreg.scid  }
0xb6: {  	s30 =	sshll.u32 s29, $0xD;
	s31 =	sshrl.u32 s29, $0x2  }
0xb7: {  	s2 =	sand.u32 $0x4000, s30;
	s1 =	sand.u32 $0x1, s29;
	s0 =	sadd.s32 s31, s28  }
0xb8: {  	s1 =	sor.u32 s2, s1;
	s0 =	sshll.u32 s0, $0x11  }
0xb9: {  	s0 =	sor.u32 s0, s1  }
0xba: {  	s0 =	sadd.s32 $0x8F2B, s0  }
0xbb: {  	[sflag:s0] =	ssyncadd.remote.s32 $0x1  }
0xbc: {  	_ =	sfence.sel $0xFFFF  }
0xbd: {  	[dreg:$0x0] =	wrdreg $0xFFFFFFFF;
	(pc) =	sbr.abs _section_cstart, $3  }
0xbe: {  	[dreg:$0x1] =	wrdreg $0xFFFFFFFF  }
0xbf: {  	_ =	task.clear_ibuf [dreg:s5], $0x2FFFF;
	_ =	strace $0x9FFFFFFF  }
0xc0: {  	(tm) =	ssettm $0x7FFFFFFF  }
0xc1: {  	_ =	shalt  }
tec
execute0_lowered:
.L_overlay_start_1:
0x0: {  	(tag) =	ssettag $0x1  }
0x1: {  	s7 =	rddreg [dreg:$0x0]  }
0x2: {  	s2 =	rddreg [dreg:$0x1]  }
0x3: {  	s0 =	rddreg [dreg:$0x2]  }
0x4: {  	_ =	strace $0x80000047;
	s4 =	stileid.u32;
	s5 =	simm.s32 $0x3E  }
0x5: {  	s1 =	sadd.s32 $0x6400, s7;
	p0 =	sne.s32 s4, $0x0;
	[sflag:s5] =	ssyncpa.u1 $0x0  }
0x6: {  	s30 =	smin.u32 s4, $0x4;
	s3 =	simm.s32 @!p0 $0x1C3E;
	s6 =	simm.s32 @!p0 $0x0  }
0x7: {  	[spmem:s6], [sflag:s3] =	dma.local @!p0 [hbm:s1], $0x280  }
0x8: {  	s3 =	sadd.s32 s4, s30  }
0x9: {  	p1 =	slt.u32 s4, $0x4;
	s4 =	simm.s32 $0xFA0;
	s3 =	smul.u32 $0x7D0, s3  }
0xa: {  	s4 =	simm.s32 @!p1 $0x7D0  }
0xb: {  	s4 =	sadd.s32 s4, s3  }
0xc: {  	s4 =	smin.u32 s4, $0x9C40  }
0xd: {  	s8 =	ssub.s32 s4, s3  }
0xe: {  	p1 =	sgt.s32 s8, $0x0  }
0xf: {  	s8 =	simm.s32 @!p1 $0x0  }
0x10: {  	s9 =	sand.u32 $0xFFF0, s8  }
0x11: {  	s9 =	sshrl.u32 s9, $0x4  }
0x12: {  	s6 =	simm.s32 @!p0 $0x3E;
	s31 =	smul.u32 $0x1063, s9  }
0x13: {  	_ =	swait.ge @!p0 [sflag:s6], $0x280  }
0x14: {  	[sflag:s6] =	ssyncset.done @!p0 $0x0;
	s9 =	sshrl.u32 s31, $0x13  }
0x15: {  	s11 =	simm.s32 $0x0;
	[sflag:s6] =	ssyncadd.s32 @!p0 $0xFFFFFD80;
	s10 =	smul.u32 $0x7D0, s9  }
.Ltmp0:
0x16: {  	s7 =	sadd.s32 $0x5000, s7;
	[bflag:$0x0] =	sbarrier.arrive $0xFFFF;
	(pc) =	sbr.rel .LBB2_1-.Ltmp0, $4  }
0x17: {  	s6 =	simm.s32 $0x2;
	[sflag:s5] =	ssyncpa.u1 $0x1;
	s5 =	simm.s32 $0x1  }
0x18: {  	[sflag:s5] =	ssyncpa.u1 $0x0;
	p1 =	sne.s32 s8, s10;
	s8 =	simm.s32 $0x1  }
0x19: {  	(ifvalue) =	ssetifvalue $0x1400;
	[sflag:s6] =	ssyncpa.u1 $0x0;
	s8 =	simm.s32 @!p1 $0x0  }
0x1a: {  	vm0 =	vmmov $0xffff;
	s10 =	smov.u32 s3;
	s8 =	sadd.s32 s9, s8;
	s9 =	simm.s32 $0x0  }
.LBB2_5:
0x1b: {  	p2 =	sne.s32 s11, s8  }
.Ltmp1:
0x1c: {  	_ = 	snop;
	(pc) =	sbr.rel @!p2 .LBB2_6-.Ltmp1, $4  }
0x1d: {  	_ = 	snop  }
0x1e: {  	s12 =	sadd.s32 $0x7D0, s10  }
0x1f: {  	s10 =	smov.u32 s3;
	s13 =	sadd.s32 $0x1, s11;
	p1 =	slt.s32 s12, s4  }
0x20: {  	s11 =	smov.u32 s13;
	s10 =	smov.u32 @p1 s12  }
.LBB2_1:
0x21: {  	p1 =	sge.u32 s11, s8  }
0x22: {  	s12 =	sxor.u32 @!p1 $0xFFFFFFFF, s11  }
0x23: {  	s12 =	sand.u32 @!p1 $0x1, s12  }
0x24: {  	s12 =	smul.u32 @!p1 $0x7D0, s12  }
0x25: {  	s13 =	sshrl.u32 @!p1 s10, $0x3  }
0x26: {  	s16 =	sand.u32 @!p1 $0x7, s10;
	s14 =	sadd.s32 @!p1 s2, s13;
	s15 =	sadd.s32 @!p1 $0x140, s12  }
0x27: {  	[tilespmem:s15], [sflag:$0x2] =	stream.linear.gather @!p1 [hbm4b:s14+s16], $0x7D0, $0x38;
	[tilespmem:$0x2080] =	vst v63  }
0x28: {  	s13 =	sadd.s32 @!p1 s7, s13;
	s12 =	sadd.s32 @!p1 $0x10E0, s12  }
0x29: {  	[tilespmem:s12], [sflag:$0x2] =	stream.linear.gather @!p1 [hbm4b:s13+s16], $0x7D0, $0x38;
	[tilespmem:$0x2080] =	vst v63  }
0x2a: {  	p1 =	seq.s32 s11, $0x0  }
.Ltmp2:
0x2b: {  	_ = 	snop;
	(pc) =	sbr.rel @p1 .LBB2_5-.Ltmp2, $1  }
0x2c: {  	_ =	sdelay $0x3  }
0x2d: {  	s12 =	sand.u32 $0x1, s11  }
0x2e: {  	_ =	swait.ge [sflag:s6], $0xFA0;
	p1 =	seq.s32 s12, $0x1;
	s12 =	simm.s32 $0x7D0  }
0x2f: {  	[sflag:s6] =	ssyncset.done $0x0;
	s12 =	simm.s32 @!p1 $0x0  }
0x30: {  	[sflag:s6] =	ssyncadd.s32 $0xFFFFF060;
	s14 =	sadd.s32 $0x140, s12  }
0x31: {  	v0 =	vld.msk [tilespmem:s14+$0x0 ss:$0x1], $0xffff;
	_ =	sdelay $0x4  }
0x32: {  	v0 =	vmin.u32 v0, $0x1400;
	_ =	sdelay $0x3  }
0x33: {  	s13 =	simm.s32 $0x0;
	s12 =	sadd.s32 $0x10E0, s12;
	s14 =	sadd.s32 $0x10, s14  }
0x34: {  	[spmem:s9] =	stream.indirect_vreg.scatter.add.s32 [tilespmem:s12], [sflag:$0x1], $0x1, v0, vm0, $0x4038;
	[tilespmem:$0x2080] =	vst v63  }
.LBB2_3:
0x35: {  	v0 =	vld.msk [tilespmem:s14+$0x0 ss:$0x1], $0xffff;
	s13 =	sadd.s32 $0x10, s13  }
0x36: {  	p1 =	slt.u32 s13, $0x7C0;
	_ =	sdelay $0x4  }
0x37: {  	v0 =	vmin.u32 v0, $0x1400  }
.Ltmp3:
0x38: {  	(pc) =	sbr.rel @p1 .LBB2_3-.Ltmp3, $3  }
0x39: {  	_ =	sdelay $0x1  }
0x3a: {  	s14 =	sadd.s32 $0x10, s14;
	s12 =	sadd.s32 $0x10, s12  }
0x3b: {  	[spmem:s9] =	stream.indirect_vreg.scatter.add.s32 [tilespmem:s12], [sflag:$0x1], $0x1, v0, vm0, $0x4038;
	[tilespmem:$0x2080] =	vst v63  }
.Ltmp4:
0x3c: {  	(pc) =	sbr.rel .LBB2_5-.Ltmp4, $4  }
0x3d: {  	_ = 	snop  }
0x3e: {  	_ =	swait.ge [sflag:s5], $0x7D0  }
0x3f: {  	[sflag:s5] =	ssyncset.done $0x0  }
0x40: {  	[sflag:s5] =	ssyncadd.s32 $0xFFFFF830  }
.LBB2_6:
0x41: {  	_ =	sfence.sel $0x180000  }
0x42: {  	s2 =	simm.s32 $0x2;
	[bflag:$0x0] =	sbarrier.arrive $0xFFFF  }
0x43: {  	s30 =	simm.s32 $0x1;
	[sflag:s2] =	ssyncpa.u1 $0x1  }
0x44: {  	[sflag:s30] =	ssyncpa.u1 $0x1  }
0x45: {  	_ =	sfence.stream.spmem  }
0x46: {  	s31 =	simm.s32 $0x3D;
	[bflag:$0x0] =	sbarrier.arrive $0xFFFF  }
0x47: {  	s2 =	simm.s32 @p0 $0x3D;
	[sflag:s31] =	ssyncpa.u1 $0x0  }
0x48: {  	[sflag:s2] =	ssyncpa.u1 @p0 $0x1  }
0x49: {  	[bflag:$0x0] =	sbarrier.arrive @p0 $0xFFFF  }
0x4a: {  	_ =	strace @p0 $0x90000047  }
0x4b: {  	s3 =	simm.s32 @!p0 $0x1C3D;
	s2 =	simm.s32 @!p0 $0x0;
	[bflag:$0x2] =	sbarrier.arrive @p0 $0xFFFF  }
0x4c: {  	[hbm:s1], [sflag:s3] =	dma.local @!p0 [spmem:s2], $0x280  }
0x4d: {  	s1 =	simm.s32 @!p0 $0x3D  }
0x4e: {  	_ =	swait.ge @!p0 [sflag:s1], $0x280  }
0x4f: {  	[sflag:s1] =	ssyncset.done @!p0 $0x0  }
0x50: {  	[sflag:s1] =	ssyncadd.s32 @!p0 $0xFFFFFD80  }
0x51: {  	[sflag:s1] =	ssyncpa.u1 @!p0 $0x1  }
0x52: {  	[bflag:$0x0] =	sbarrier.arrive @!p0 $0xFFFF  }
0x53: {  	_ =	strace @!p0 $0x90000047  }
0x54: {  	s0 =	sadd.s32 @!p0 $0x100000, s0;
	[bflag:$0x2] =	sbarrier.arrive @!p0 $0xFFFF  }
0x55: {  	[sflag:s0] =	ssyncadd.tile.s32 @!p0 $0x1;
	_ =	shalt  }
.Lfunc_end2:
_tile_overlayer_lowered:
.L_overlay_start_2:
0x56: {  	(tag) =	ssettag $0x2  }
0x57: {  	s0 =	rddreg [dreg:$0x0];
	s2 =	stileid.u32  }
0x58: {  	s1 =	rddreg [dreg:$0x1];
	p0 =	sne.s32 s2, $0x0  }
0x59: {  	s3 =	rddreg [dreg:$0x2];
	[bflag:$0x3] =	sbarrier.arrive $0xFFFF;
	s2 =	simm.s32 @!p0 $0x1C01  }
0x5a: {  	[timem:s3], [sflag:s2] =	dma.local @!p0 [hbm:s0], s1  }
0x5b: {  	s0 =	simm.s32 @!p0 $0x1  }
0x5c: {  	_ =	swait.ge @!p0 [sflag:s0], s1  }
0x5d: {  	s1 =	ssub.s32 @!p0 $0x0, s1;
	[sflag:s0] =	ssyncset.done @!p0 $0x0  }
0x5e: {  	[sflag:s0] =	ssyncadd.s32 @!p0 s1  }
0x5f: {  	[bflag:$0x3] =	sbarrier.arrive $0xFFFF  }
0x60: {  	_ =	shalt  }

</sc_bundles>
